<compile_context>
chip_gen: v7x
topology: tpu7x:2x2x1
jax: 0.10.2.dev20260603
libtpu: 0.0.44.dev20260713+nightly
codegen_flags: <defaults>
</compile_context>

<pallas_src>
import functools

import jax
import jax.numpy as jnp
from jax import lax
from jax.experimental import pallas as pl
from jax.experimental.pallas import tpu as pltpu
from jax.experimental.pallas import tpu_sc as plsc

NC = 2
NS = 16
NW = NC * NS
_RSQRT_MAGIC = 0x5F3759DF


def _pad_up(v, m):
    return (v + m - 1) // m * m


def _vfill(ref, n, val):
    v = jnp.full((16,), val, jnp.float32)

    def body(j, carry):
        ref[pl.ds(j * 16, 16)] = v
        return carry

    lax.fori_loop(0, n // 16, body, 0)


def _edge_pass(src_hbm, dst_hbm, tabs, accs, msgs, isrc, idst,
               sem_i, sem_g, sem_s, base, nch, CH, B):
    def load_idx(k, slot):
        off = pl.multiple_of(base + k * CH, 8)
        pltpu.async_copy(src_hbm.at[pl.ds(off, CH)], isrc[slot], sem_i)
        pltpu.async_copy(dst_hbm.at[pl.ds(off, CH)], idst[slot], sem_i)

    def wait_idx(k, slot):
        off = pl.multiple_of(base + k * CH, 8)
        pltpu.make_async_copy(
            src_hbm.at[pl.ds(off, CH)], isrc[slot], sem_i).wait()
        pltpu.make_async_copy(
            dst_hbm.at[pl.ds(off, CH)], idst[slot], sem_i).wait()

    def drain_scatters(slot):
        for b in range(B):
            pltpu.make_async_copy(msgs[b][slot],
                                  accs[b].at[idst[slot]], sem_s).wait()

    load_idx(0, 0)

    def pair(k2, carry):
        for p in (0, 1):
            q = 1 - p
            k = k2 * 2 + p
            wait_idx(k, p)
            gs = [pltpu.async_copy(tabs[b].at[isrc[p]], msgs[b][p], sem_g)
                  for b in range(B)]
            if p == 0:
                @pl.when(k2 > 0)
                def _():
                    drain_scatters(q)

                load_idx(k + 1, q)
            else:
                drain_scatters(q)

                @pl.when(k2 + 1 < nch // 2)
                def _():
                    load_idx(k + 1, q)

            for g in gs:
                g.wait()
            for b in range(B):
                pltpu.async_copy(msgs[b][p], accs[b].at[idst[p]], sem_s,
                                 add=True)
        return carry

    lax.fori_loop(0, nch // 2, pair, 0)
    drain_scatters(1)



@functools.lru_cache(maxsize=None)
def _edge1_kernel(B, Np, Ep, CH):
    SLN = Np // NS
    nch = Ep // (NW * CH)
    nch_h = Ep // (NS * CH)
    ew = nch * CH
    mesh = plsc.VectorSubcoreMesh(
        core_axis_name="c", subcore_axis_name="s", num_cores=NC, num_subcores=NS)

    scratch = ([pltpu.VMEM_SHARED((Np,), jnp.float32)]
               + [pltpu.VMEM_SHARED((Np,), jnp.float32)] * B
               + [pltpu.VMEM_SHARED((Np,), jnp.float32)] * B
               + [pltpu.VMEM((CH,), jnp.float32)] * (2 * B)
               + [pltpu.VMEM((SLN,), jnp.float32)] * B
               + [pltpu.VMEM((CH,), jnp.int32)] * 2
               + [pltpu.VMEM((CH,), jnp.int32)] * 2
               + [pltpu.VMEM((CH,), jnp.float32),
                  pltpu.VMEM((SLN,), jnp.float32),
                  pltpu.VMEM((SLN,), jnp.float32),
                  pltpu.SemaphoreType.DMA,
                  pltpu.SemaphoreType.DMA,
                  pltpu.SemaphoreType.DMA,
                  pltpu.SemaphoreType.DMA])

    @functools.partial(
        pl.kernel,
        out_type=(jax.ShapeDtypeStruct((NC * B * Np,), jnp.float32),
                  jax.ShapeDtypeStruct((Np,), jnp.float32)),
        mesh=mesh,
        scratch_types=scratch,
    )
    def edge1(x_hbm, src_hbm, dst_hbm, ones_hbm, out_hbm, dinv_hbm, *refs):
        dega = refs[0]
        tabs = refs[1:1 + B]
        accs = refs[1 + B:1 + 2 * B]
        mflat = refs[1 + 2 * B:1 + 4 * B]
        msgs = [(mflat[2 * b], mflat[2 * b + 1]) for b in range(B)]
        xbufs = refs[1 + 4 * B:1 + 5 * B]
        (isrc0, isrc1, idst0, idst1, ones_v, degv, bounce,
         sem_i, sem_x, sem_g, sem_s) = refs[1 + 5 * B:]
        isrc = (isrc0, isrc1)
        idst = (idst0, idst1)
        c = lax.axis_index("c")
        s = lax.axis_index("s")
        wid = c * NS + s
        row = pl.multiple_of(s * SLN, 8)
        rsl = pl.ds(row, SLN)

        _vfill(bounce, SLN, 0.0)
        pltpu.sync_copy(ones_hbm, ones_v)
        pltpu.sync_copy(bounce, dega.at[rsl])
        for b in range(B):
            pltpu.sync_copy(bounce, accs[b].at[rsl])
        xds = [pltpu.async_copy(
            x_hbm.at[pl.ds(pl.multiple_of(b * Np + row, 8), SLN)],
            xbufs[b], sem_x) for b in range(B)]
        plsc.subcore_barrier()

        hbase = s * (nch_h * CH)

        def hload(k, slot):
            off = pl.multiple_of(hbase + k * CH, 8)
            pltpu.async_copy(dst_hbm.at[pl.ds(off, CH)], idst[slot], sem_i)

        def hwait(k, slot):
            off = pl.multiple_of(hbase + k * CH, 8)
            pltpu.make_async_copy(
                dst_hbm.at[pl.ds(off, CH)], idst[slot], sem_i).wait()

        def hdrain(slot):
            pltpu.make_async_copy(ones_v, dega.at[idst[slot]], sem_s).wait()

        hload(0, 0)

        def hpair(k2, carry):
            for p in (0, 1):
                q = 1 - p
                k = k2 * 2 + p
                hwait(k, p)
                if p == 0:
                    @pl.when(k2 > 0)
                    def _():
                        hdrain(q)

                    hload(k + 1, q)
                else:
                    hdrain(q)

                    @pl.when(k2 + 1 < nch_h // 2)
                    def _():
                        hload(k + 1, q)

                pltpu.async_copy(ones_v, dega.at[idst[p]], sem_s, add=True)
            return carry

        lax.fori_loop(0, nch_h // 2, hpair, 0)
        hdrain(1)
        plsc.subcore_barrier()

        pltpu.sync_copy(dega.at[rsl], degv)
        for d in xds:
            d.wait()
        magic = jnp.full((16,), _RSQRT_MAGIC, jnp.int32)

        def dense(j, carry):
            sl = pl.ds(j * 16, 16)
            d = degv[sl] + 1.0
            yi = magic - lax.shift_right_logical(
                lax.bitcast_convert_type(d, jnp.int32), 1)
            yv = lax.bitcast_convert_type(yi, jnp.float32)
            for _ in range(3):
                yv = yv * (1.5 - 0.5 * d * yv * yv)
            degv[sl] = yv
            for b in range(B):
                xbufs[b][sl] = xbufs[b][sl] * yv
            return carry

        lax.fori_loop(0, SLN // 16, dense, 0)
        for b in range(B):
            pltpu.sync_copy(xbufs[b], tabs[b].at[rsl])

        @pl.when(c == 0)
        def _():
            pltpu.sync_copy(degv, dinv_hbm.at[rsl])

        plsc.subcore_barrier()

        _edge_pass(src_hbm, dst_hbm, tabs, accs, msgs, isrc, idst,
                   sem_i, sem_g, sem_s, wid * ew, nch, CH, B)
        plsc.subcore_barrier()
        for b in range(B):
            pltpu.sync_copy(accs[b].at[rsl], bounce)
            orow = pl.multiple_of((c * B + b) * Np + row, 8)
            pltpu.sync_copy(bounce, out_hbm.at[pl.ds(orow, SLN)])

    return edge1


@functools.lru_cache(maxsize=None)
def _edge2_kernel(B, Np, Ep, CH):
    SLN = Np // NS
    nch = Ep // (NW * CH)
    ew = nch * CH
    mesh = plsc.VectorSubcoreMesh(
        core_axis_name="c", subcore_axis_name="s", num_cores=NC, num_subcores=NS)

    scratch = ([pltpu.VMEM_SHARED((Np,), jnp.float32)] * B
               + [pltpu.VMEM_SHARED((Np,), jnp.float32)] * B
               + [pltpu.VMEM((CH,), jnp.float32)] * (2 * B)
               + [pltpu.VMEM((CH,), jnp.int32)] * 2
               + [pltpu.VMEM((CH,), jnp.int32)] * 2
               + [pltpu.VMEM((SLN,), jnp.float32),
                  pltpu.SemaphoreType.DMA,
                  pltpu.SemaphoreType.DMA,
                  pltpu.SemaphoreType.DMA])

    @functools.partial(
        pl.kernel,
        out_type=jax.ShapeDtypeStruct((NC * B * Np,), jnp.float32),
        mesh=mesh,
        scratch_types=scratch,
    )
    def edge2(y_hbm, src_hbm, dst_hbm, out_hbm, *refs):
        tabs = refs[:B]
        accs = refs[B:2 * B]
        mflat = refs[2 * B:4 * B]
        msgs = [(mflat[2 * b], mflat[2 * b + 1]) for b in range(B)]
        (isrc0, isrc1, idst0, idst1, bounce,
         sem_i, sem_g, sem_s) = refs[4 * B:]
        isrc = (isrc0, isrc1)
        idst = (idst0, idst1)
        c = lax.axis_index("c")
        s = lax.axis_index("s")
        wid = c * NS + s
        row = pl.multiple_of(s * SLN, 8)
        rsl = pl.ds(row, SLN)

        _vfill(bounce, SLN, 0.0)
        for b in range(B):
            pltpu.sync_copy(bounce, accs[b].at[rsl])
        for b in range(B):
            yrow = pl.multiple_of(b * Np + row, 8)
            pltpu.sync_copy(y_hbm.at[pl.ds(yrow, SLN)], bounce)
            pltpu.sync_copy(bounce, tabs[b].at[rsl])
        plsc.subcore_barrier()

        _edge_pass(src_hbm, dst_hbm, tabs, accs, msgs, isrc, idst,
                   sem_i, sem_g, sem_s, wid * ew, nch, CH, B)
        plsc.subcore_barrier()
        for b in range(B):
            pltpu.sync_copy(accs[b].at[rsl], bounce)
            orow = pl.multiple_of((c * B + b) * Np + row, 8)
            pltpu.sync_copy(bounce, out_hbm.at[pl.ds(orow, SLN)])

    return edge2



def _dense_mid(aggp, dinv, xp, w1, b1, w2):
    H = w1.shape[0]
    B, Np = xp.shape
    CB = 3584
    assert Np % CB == 0

    def body(aggp_ref, dinv_ref, xp_ref, w1_ref, b1_ref, w2_ref, t_ref):
        dv = dinv_ref[...]
        a = (aggp_ref[0] + aggp_ref[1] + xp_ref[...] * dv) * dv

        def jb(j, acc):
            return acc + jnp.maximum(a * w1_ref[j] + b1_ref[j], 0.0) * w2_ref[j]

        sv = lax.fori_loop(0, H, jb, jnp.zeros_like(a))
        t_ref[...] = sv * dv

    smem = pl.BlockSpec(memory_space=pltpu.SMEM)
    return pl.pallas_call(
        body,
        grid=(Np // CB,),
        in_specs=[pl.BlockSpec((NC, B, CB), lambda i: (0, 0, i)),
                  pl.BlockSpec((1, CB), lambda i: (0, i)),
                  pl.BlockSpec((B, CB), lambda i: (0, i)),
                  smem, smem, smem],
        out_specs=pl.BlockSpec((B, CB), lambda i: (0, i)),
        out_shape=jax.ShapeDtypeStruct(xp.shape, jnp.float32),
    )(aggp, dinv, xp, w1, b1, w2)


def _dense_fini(outp, dinv, t, b2):
    def body(outp_ref, dinv_ref, t_ref, b2_ref, o_ref):
        dv = dinv_ref[...]
        o_ref[...] = (outp_ref[0] + outp_ref[1] + t_ref[...]) * dv + b2_ref[0]

    smem = pl.BlockSpec(memory_space=pltpu.SMEM)
    vmem = pl.BlockSpec(memory_space=pltpu.VMEM)
    return pl.pallas_call(
        body,
        in_specs=[vmem, vmem, vmem, smem],
        out_shape=jax.ShapeDtypeStruct(t.shape, jnp.float32),
    )(outp, dinv, t, b2)



def kernel(x, edge_index, W1, b1, W2, b2):
    B, N = x.shape
    E = edge_index.shape[1]
    Np = (N // 256 + 1) * 256
    CH = 6256

    Ep = _pad_up(E, NW * CH * 2)
    if Ep != E:
        pad = jnp.full((2, Ep - E), N, dtype=edge_index.dtype)
        e = jnp.concatenate([edge_index, pad], axis=1)
    else:
        e = edge_index
    src = e[0].reshape(-1)
    dst = e[1].reshape(-1)

    xp = jnp.pad(x.astype(jnp.float32), ((0, 0), (0, Np - N)))

    ones = jnp.ones((CH,), jnp.float32)
    aggp, dinv = _edge1_kernel(B, Np, Ep, CH)(xp.reshape(-1), src, dst, ones)
    aggp = aggp.reshape(NC, B, Np)
    t = _dense_mid(aggp, dinv.reshape(1, Np), xp, W1.reshape(-1),
                   b1.reshape(-1), W2.reshape(-1))
    outp = _edge2_kernel(B, Np, Ep, CH)(
        t.reshape(-1), src, dst).reshape(NC, B, Np)
    o = _dense_fini(outp, dinv.reshape(1, Np), t, b2.reshape(-1))
    return o[:, :N]

# --- scband reference (transcript-rebuilt; emitter-appended) ---
"""Pipeline reference for scband-gcnsimple-57621281243257 (READ-ONLY COPY).

The authoritative reference and input builder live on the scoring server;
editing this copy changes nothing except your own understanding.
"""

import jax, jax.numpy as jnp
import numpy as np

N = 50000
E = 800000
B = 4
H = 64


def setup_inputs(seed: int = 0) -> dict:
    key = jax.random.key(seed)
    k1, k2, k3, k4 = jax.random.split(key, 4)
    x = jax.random.normal(k1, (B, N), dtype=jnp.float32)
    edge_index = jax.random.randint(k2, (2, E), 0, N, dtype=jnp.int32)
    W1 = jax.random.normal(k3, (1, H), dtype=jnp.float32) * 0.1
    b1 = jnp.zeros((H,), dtype=jnp.float32)
    W2 = jax.random.normal(k4, (H, 1), dtype=jnp.float32) * 0.1
    b2 = jnp.zeros((1,), dtype=jnp.float32)
    return {"x": x, "edge_index": edge_index, "W1": W1, "b1": b1, "W2": W2, "b2": b2}


def gcn_conv(x, src, dst, W, b, num_nodes):
    # PyG GCNConv: add self-loops, symmetric normalization, then aggregate at dst
    h = x @ W
    deg = jnp.zeros((num_nodes,), dtype=x.dtype).at[dst].add(1.0)
    dinv = jnp.where(deg > 0, 1.0 / jnp.sqrt(deg), 0.0)
    norm = dinv[src] * dinv[dst]
    msgs = h[src] * norm[:, None]
    out = jnp.zeros((num_nodes, h.shape[1]), dtype=x.dtype).at[dst].add(msgs)
    return out + b


def reference(x, edge_index, W1, b1, W2, b2):
    num_nodes = x.shape[1]
    loop = jnp.arange(num_nodes, dtype=edge_index.dtype)
    src = jnp.concatenate([edge_index[0], loop])
    dst = jnp.concatenate([edge_index[1], loop])

    def single(xs):
        xin = xs[:, None]  # unsqueeze(-1): [N, 1]
        h = jax.nn.relu(gcn_conv(xin, src, dst, W1, b1, num_nodes))
        o = gcn_conv(h, src, dst, W2, b2, num_nodes)
        return o[:, 0]  # squeeze(-1)

    return jax.vmap(single)(x)

if __name__ == "__main__":
    import jax
    _d = setup_inputs()
    print(jax.jit(kernel)(*tuple(_d.values())))

</pallas_src>

<mosaic_0001>
#map = affine_map<(d0, d1) -> (0)>
module attributes {stable_mosaic.version = 14 : i64} {
  func.func @edge1(%arg0: i32, %arg1: i32, %arg2: memref<200704xf32, #tpu.memory_space<hbm>>, %arg3: memref<800768xi32, #tpu.memory_space<hbm>>, %arg4: memref<800768xi32, #tpu.memory_space<hbm>>, %arg5: memref<6256xf32, #tpu.memory_space<hbm>>, %arg6: memref<401408xf32, #tpu.memory_space<hbm>>, %arg7: memref<50176xf32, #tpu.memory_space<hbm>>, %arg8: memref<50176xf32, #tpu.memory_space<vmem_shared>>, %arg9: memref<50176xf32, #tpu.memory_space<vmem_shared>>, %arg10: memref<50176xf32, #tpu.memory_space<vmem_shared>>, %arg11: memref<50176xf32, #tpu.memory_space<vmem_shared>>, %arg12: memref<50176xf32, #tpu.memory_space<vmem_shared>>, %arg13: memref<50176xf32, #tpu.memory_space<vmem_shared>>, %arg14: memref<50176xf32, #tpu.memory_space<vmem_shared>>, %arg15: memref<50176xf32, #tpu.memory_space<vmem_shared>>, %arg16: memref<50176xf32, #tpu.memory_space<vmem_shared>>, %arg17: memref<6256xf32, #tpu.memory_space<vmem>>, %arg18: memref<6256xf32, #tpu.memory_space<vmem>>, %arg19: memref<6256xf32, #tpu.memory_space<vmem>>, %arg20: memref<6256xf32, #tpu.memory_space<vmem>>, %arg21: memref<6256xf32, #tpu.memory_space<vmem>>, %arg22: memref<6256xf32, #tpu.memory_space<vmem>>, %arg23: memref<6256xf32, #tpu.memory_space<vmem>>, %arg24: memref<6256xf32, #tpu.memory_space<vmem>>, %arg25: memref<3136xf32, #tpu.memory_space<vmem>>, %arg26: memref<3136xf32, #tpu.memory_space<vmem>>, %arg27: memref<3136xf32, #tpu.memory_space<vmem>>, %arg28: memref<3136xf32, #tpu.memory_space<vmem>>, %arg29: memref<6256xi32, #tpu.memory_space<vmem>>, %arg30: memref<6256xi32, #tpu.memory_space<vmem>>, %arg31: memref<6256xi32, #tpu.memory_space<vmem>>, %arg32: memref<6256xi32, #tpu.memory_space<vmem>>, %arg33: memref<6256xf32, #tpu.memory_space<vmem>>, %arg34: memref<3136xf32, #tpu.memory_space<vmem>>, %arg35: memref<3136xf32, #tpu.memory_space<vmem>>, %arg36: memref<!tpu.dma_semaphore, #tpu.memory_space<semaphore_mem>>, %arg37: memref<!tpu.dma_semaphore, #tpu.memory_space<semaphore_mem>>, %arg38: memref<!tpu.dma_semaphore, #tpu.memory_space<semaphore_mem>>, %arg39: memref<!tpu.dma_semaphore, #tpu.memory_space<semaphore_mem>>) attributes {dimension_semantics = [#tpu.dimension_semantics<core_parallel>, #tpu.dimension_semantics<subcore_parallel>], iteration_bounds = array<i64: 2, 16>, scalar_prefetch = 0 : i64, scratch_operands = 32 : i64, tpu.core_type = #tpu.core_type<sc_vector_subcore>, window_params = [{transform_indices = #map}, {transform_indices = #map}, {transform_indices = #map}, {transform_indices = #map}, {transform_indices = #map}, {transform_indices = #map}]} {
    %mul3A = arith.constant 16 : i32
    %mul3A_0 = arith.muli %arg0, %mul3A : i32
    %add3A = arith.addi %mul3A_0, %arg1 : i32
    %mul3A_1 = arith.constant 3136 : i32
    %mul3A_2 = arith.muli %arg1, %mul3A_1 : i32
    %multiple_of3A = tpu.assume_multiple %mul3A_2, 8 : i32
    %broadcast_in_dim3A = arith.constant 0.000000e+00 : f32
    %broadcast_in_dim3A_3 = vector.broadcast %broadcast_in_dim3A : f32 to vector<16xf32>
    %scan3A = arith.constant 0 : i32
    %scan3A_4 = arith.constant 0 : i32
    %scan3A_5 = arith.constant 196 : i32
    %scan3A_6 = arith.addi %scan3A_4, %scan3A_5 : i32
    %scan3A_7 = arith.constant 1 : i32
    scf.for %scan3A_118 = %scan3A_4 to %scan3A_6 step %scan3A_7  : i32 {
      %mul3A_119 = arith.constant 16 : i32
      %mul3A_120 = arith.muli %scan3A_118, %mul3A_119 : i32
      %swap3A = arith.index_cast %mul3A_120 : i32 to index
      %swap3A_121 = tpu.vector_load %arg35[%swap3A] {strides = array<i32>} : memref<3136xf32, #tpu.memory_space<vmem>>, vector<16xf32>,
      %swap3A_122 = vector.shape_cast %swap3A_121 : vector<16xf32> to vector<16xf32>
      %swap3A_123 = vector.shape_cast %broadcast_in_dim3A_3 : vector<16xf32> to vector<16xf32>
      tpu.vector_store %arg35[%swap3A], %swap3A_123 {strides = array<i32>} : memref<3136xf32, #tpu.memory_space<vmem>>, vector<16xf32>,
    }
    %scan3A_8 = arith.constant 196 : i32
    "tpu.region"() ({
      %run_scoped3A = tpu.sem_alloc : memref<!tpu.dma_semaphore, #tpu.memory_space<semaphore_mem>>
      tpu.enqueue_dma source(%arg5 : memref<6256xf32, #tpu.memory_space<hbm>>) target(%arg33 : memref<6256xf32, #tpu.memory_space<vmem>>) target_semaphore(%run_scoped3A : memref<!tpu.dma_semaphore, #tpu.memory_space<semaphore_mem>>)
      tpu.wait_dma2 semaphore(%run_scoped3A : memref<!tpu.dma_semaphore, #tpu.memory_space<semaphore_mem>>) src(%arg5 : memref<6256xf32, #tpu.memory_space<hbm>>) dst(%arg33 : memref<6256xf32, #tpu.memory_space<vmem>>)
      tpu.yield
    }) : () -> ()
    "tpu.region"() ({
      %run_scoped3A = tpu.sem_alloc : memref<!tpu.dma_semaphore, #tpu.memory_space<semaphore_mem>>
      %dma_start3A_118 = tpu.memref_slice %arg8[%multiple_of3A] : memref<50176xf32, #tpu.memory_space<vmem_shared>> -> memref<3136xf32, #tpu.memory_space<vmem_shared>>
      %dma_start3A_119 = tpu.memref_slice %arg8[%multiple_of3A] : memref<50176xf32, #tpu.memory_space<vmem_shared>> -> memref<3136xf32, #tpu.memory_space<vmem_shared>>
      tpu.enqueue_dma source(%arg35 : memref<3136xf32, #tpu.memory_space<vmem>>) target(%dma_start3A_119 : memref<3136xf32, #tpu.memory_space<vmem_shared>>) target_semaphore(%run_scoped3A : memref<!tpu.dma_semaphore, #tpu.memory_space<semaphore_mem>>)
      %dma_wait3A_120 = tpu.memref_slice %arg8[%multiple_of3A] : memref<50176xf32, #tpu.memory_space<vmem_shared>> -> memref<3136xf32, #tpu.memory_space<vmem_shared>>
      %dma_wait3A_121 = tpu.memref_slice %arg8[%multiple_of3A] : memref<50176xf32, #tpu.memory_space<vmem_shared>> -> memref<3136xf32, #tpu.memory_space<vmem_shared>>
      tpu.wait_dma2 semaphore(%run_scoped3A : memref<!tpu.dma_semaphore, #tpu.memory_space<semaphore_mem>>) src(%arg35 : memref<3136xf32, #tpu.memory_space<vmem>>) dst(%dma_wait3A_121 : memref<3136xf32, #tpu.memory_space<vmem_shared>>)
      tpu.yield
    }) : () -> ()
    "tpu.region"() ({
      %run_scoped3A = tpu.sem_alloc : memref<!tpu.dma_semaphore, #tpu.memory_space<semaphore_mem>>
      %dma_start3A_118 = tpu.memref_slice %arg13[%multiple_of3A] : memref<50176xf32, #tpu.memory_space<vmem_shared>> -> memref<3136xf32, #tpu.memory_space<vmem_shared>>
      %dma_start3A_119 = tpu.memref_slice %arg13[%multiple_of3A] : memref<50176xf32, #tpu.memory_space<vmem_shared>> -> memref<3136xf32, #tpu.memory_space<vmem_shared>>
      tpu.enqueue_dma source(%arg35 : memref<3136xf32, #tpu.memory_space<vmem>>) target(%dma_start3A_119 : memref<3136xf32, #tpu.memory_space<vmem_shared>>) target_semaphore(%run_scoped3A : memref<!tpu.dma_semaphore, #tpu.memory_space<semaphore_mem>>)
      %dma_wait3A_120 = tpu.memref_slice %arg13[%multiple_of3A] : memref<50176xf32, #tpu.memory_space<vmem_shared>> -> memref<3136xf32, #tpu.memory_space<vmem_shared>>
      %dma_wait3A_121 = tpu.memref_slice %arg13[%multiple_of3A] : memref<50176xf32, #tpu.memory_space<vmem_shared>> -> memref<3136xf32, #tpu.memory_space<vmem_shared>>
      tpu.wait_dma2 semaphore(%run_scoped3A : memref<!tpu.dma_semaphore, #tpu.memory_space<semaphore_mem>>) src(%arg35 : memref<3136xf32, #tpu.memory_space<vmem>>) dst(%dma_wait3A_121 : memref<3136xf32, #tpu.memory_space<vmem_shared>>)
      tpu.yield
    }) : () -> ()
    "tpu.region"() ({
      %run_scoped3A = tpu.sem_alloc : memref<!tpu.dma_semaphore, #tpu.memory_space<semaphore_mem>>
      %dma_start3A_118 = tpu.memref_slice %arg14[%multiple_of3A] : memref<50176xf32, #tpu.memory_space<vmem_shared>> -> memref<3136xf32, #tpu.memory_space<vmem_shared>>
      %dma_start3A_119 = tpu.memref_slice %arg14[%multiple_of3A] : memref<50176xf32, #tpu.memory_space<vmem_shared>> -> memref<3136xf32, #tpu.memory_space<vmem_shared>>
      tpu.enqueue_dma source(%arg35 : memref<3136xf32, #tpu.memory_space<vmem>>) target(%dma_start3A_119 : memref<3136xf32, #tpu.memory_space<vmem_shared>>) target_semaphore(%run_scoped3A : memref<!tpu.dma_semaphore, #tpu.memory_space<semaphore_mem>>)
      %dma_wait3A_120 = tpu.memref_slice %arg14[%multiple_of3A] : memref<50176xf32, #tpu.memory_space<vmem_shared>> -> memref<3136xf32, #tpu.memory_space<vmem_shared>>
      %dma_wait3A_121 = tpu.memref_slice %arg14[%multiple_of3A] : memref<50176xf32, #tpu.memory_space<vmem_shared>> -> memref<3136xf32, #tpu.memory_space<vmem_shared>>
      tpu.wait_dma2 semaphore(%run_scoped3A : memref<!tpu.dma_semaphore, #tpu.memory_space<semaphore_mem>>) src(%arg35 : memref<3136xf32, #tpu.memory_space<vmem>>) dst(%dma_wait3A_121 : memref<3136xf32, #tpu.memory_space<vmem_shared>>)
      tpu.yield
    }) : () -> ()
    "tpu.region"() ({
      %run_scoped3A = tpu.sem_alloc : memref<!tpu.dma_semaphore, #tpu.memory_space<semaphore_mem>>
      %dma_start3A_118 = tpu.memref_slice %arg15[%multiple_of3A] : memref<50176xf32, #tpu.memory_space<vmem_shared>> -> memref<3136xf32, #tpu.memory_space<vmem_shared>>
      %dma_start3A_119 = tpu.memref_slice %arg15[%multiple_of3A] : memref<50176xf32, #tpu.memory_space<vmem_shared>> -> memref<3136xf32, #tpu.memory_space<vmem_shared>>
      tpu.enqueue_dma source(%arg35 : memref<3136xf32, #tpu.memory_space<vmem>>) target(%dma_start3A_119 : memref<3136xf32, #tpu.memory_space<vmem_shared>>) target_semaphore(%run_scoped3A : memref<!tpu.dma_semaphore, #tpu.memory_space<semaphore_mem>>)
      %dma_wait3A_120 = tpu.memref_slice %arg15[%multiple_of3A] : memref<50176xf32, #tpu.memory_space<vmem_shared>> -> memref<3136xf32, #tpu.memory_space<vmem_shared>>
      %dma_wait3A_121 = tpu.memref_slice %arg15[%multiple_of3A] : memref<50176xf32, #tpu.memory_space<vmem_shared>> -> memref<3136xf32, #tpu.memory_space<vmem_shared>>
      tpu.wait_dma2 semaphore(%run_scoped3A : memref<!tpu.dma_semaphore, #tpu.memory_space<semaphore_mem>>) src(%arg35 : memref<3136xf32, #tpu.memory_space<vmem>>) dst(%dma_wait3A_121 : memref<3136xf32, #tpu.memory_space<vmem_shared>>)
      tpu.yield
    }) : () -> ()
    "tpu.region"() ({
      %run_scoped3A = tpu.sem_alloc : memref<!tpu.dma_semaphore, #tpu.memory_space<semaphore_mem>>
      %dma_start3A_118 = tpu.memref_slice %arg16[%multiple_of3A] : memref<50176xf32, #tpu.memory_space<vmem_shared>> -> memref<3136xf32, #tpu.memory_space<vmem_shared>>
      %dma_start3A_119 = tpu.memref_slice %arg16[%multiple_of3A] : memref<50176xf32, #tpu.memory_space<vmem_shared>> -> memref<3136xf32, #tpu.memory_space<vmem_shared>>
      tpu.enqueue_dma source(%arg35 : memref<3136xf32, #tpu.memory_space<vmem>>) target(%dma_start3A_119 : memref<3136xf32, #tpu.memory_space<vmem_shared>>) target_semaphore(%run_scoped3A : memref<!tpu.dma_semaphore, #tpu.memory_space<semaphore_mem>>)
      %dma_wait3A_120 = tpu.memref_slice %arg16[%multiple_of3A] : memref<50176xf32, #tpu.memory_space<vmem_shared>> -> memref<3136xf32, #tpu.memory_space<vmem_shared>>
      %dma_wait3A_121 = tpu.memref_slice %arg16[%multiple_of3A] : memref<50176xf32, #tpu.memory_space<vmem_shared>> -> memref<3136xf32, #tpu.memory_space<vmem_shared>>
      tpu.wait_dma2 semaphore(%run_scoped3A : memref<!tpu.dma_semaphore, #tpu.memory_space<semaphore_mem>>) src(%arg35 : memref<3136xf32, #tpu.memory_space<vmem>>) dst(%dma_wait3A_121 : memref<3136xf32, #tpu.memory_space<vmem_shared>>)
      tpu.yield
    }) : () -> ()
    %add3A_9 = arith.constant 0 : i32
    %add3A_10 = arith.addi %add3A_9, %multiple_of3A : i32
    %multiple_of3A_11 = tpu.assume_multiple %add3A_10, 8 : i32
    %dma_start3A = tpu.memref_slice %arg2[%multiple_of3A_11] : memref<200704xf32, #tpu.memory_space<hbm>> -> memref<3136xf32, #tpu.memory_space<hbm>>
    %dma_start3A_12 = tpu.memref_slice %arg2[%multiple_of3A_11] : memref<200704xf32, #tpu.memory_space<hbm>> -> memref<3136xf32, #tpu.memory_space<hbm>>
    tpu.enqueue_dma source(%dma_start3A_12 : memref<3136xf32, #tpu.memory_space<hbm>>) target(%arg25 : memref<3136xf32, #tpu.memory_space<vmem>>) target_semaphore(%arg37 : memref<!tpu.dma_semaphore, #tpu.memory_space<semaphore_mem>>)
    %add3A_13 = arith.constant 50176 : i32
    %add3A_14 = arith.addi %add3A_13, %multiple_of3A : i32
    %multiple_of3A_15 = tpu.assume_multiple %add3A_14, 8 : i32
    %dma_start3A_16 = tpu.memref_slice %arg2[%multiple_of3A_15] : memref<200704xf32, #tpu.memory_space<hbm>> -> memref<3136xf32, #tpu.memory_space<hbm>>
    %dma_start3A_17 = tpu.memref_slice %arg2[%multiple_of3A_15] : memref<200704xf32, #tpu.memory_space<hbm>> -> memref<3136xf32, #tpu.memory_space<hbm>>
    tpu.enqueue_dma source(%dma_start3A_17 : memref<3136xf32, #tpu.memory_space<hbm>>) target(%arg26 : memref<3136xf32, #tpu.memory_space<vmem>>) target_semaphore(%arg37 : memref<!tpu.dma_semaphore, #tpu.memory_space<semaphore_mem>>)
    %add3A_18 = arith.constant 100352 : i32
    %add3A_19 = arith.addi %add3A_18, %multiple_of3A : i32
    %multiple_of3A_20 = tpu.assume_multiple %add3A_19, 8 : i32
    %dma_start3A_21 = tpu.memref_slice %arg2[%multiple_of3A_20] : memref<200704xf32, #tpu.memory_space<hbm>> -> memref<3136xf32, #tpu.memory_space<hbm>>
    %dma_start3A_22 = tpu.memref_slice %arg2[%multiple_of3A_20] : memref<200704xf32, #tpu.memory_space<hbm>> -> memref<3136xf32, #tpu.memory_space<hbm>>
    tpu.enqueue_dma source(%dma_start3A_22 : memref<3136xf32, #tpu.memory_space<hbm>>) target(%arg27 : memref<3136xf32, #tpu.memory_space<vmem>>) target_semaphore(%arg37 : memref<!tpu.dma_semaphore, #tpu.memory_space<semaphore_mem>>)
    %add3A_23 = arith.constant 150528 : i32
    %add3A_24 = arith.addi %add3A_23, %multiple_of3A : i32
    %multiple_of3A_25 = tpu.assume_multiple %add3A_24, 8 : i32
    %dma_start3A_26 = tpu.memref_slice %arg2[%multiple_of3A_25] : memref<200704xf32, #tpu.memory_space<hbm>> -> memref<3136xf32, #tpu.memory_space<hbm>>
    %dma_start3A_27 = tpu.memref_slice %arg2[%multiple_of3A_25] : memref<200704xf32, #tpu.memory_space<hbm>> -> memref<3136xf32, #tpu.memory_space<hbm>>
    tpu.enqueue_dma source(%dma_start3A_27 : memref<3136xf32, #tpu.memory_space<hbm>>) target(%arg28 : memref<3136xf32, #tpu.memory_space<vmem>>) target_semaphore(%arg37 : memref<!tpu.dma_semaphore, #tpu.memory_space<semaphore_mem>>)
    %barrier3A = arith.constant 0 : index
    tpu.barrier barrier_id(%barrier3A)
    %mul3A_28 = arith.constant 50048 : i32
    %mul3A_29 = arith.muli %arg1, %mul3A_28 : i32
    %add3A_30 = arith.constant 0 : i32
    %add3A_31 = arith.addi %mul3A_29, %add3A_30 : i32
    %multiple_of3A_32 = tpu.assume_multiple %add3A_31, 8 : i32
    %dma_start3A_33 = tpu.memref_slice %arg4[%multiple_of3A_32] : memref<800768xi32, #tpu.memory_space<hbm>> -> memref<6256xi32, #tpu.memory_space<hbm>>
    %dma_start3A_34 = tpu.memref_slice %arg4[%multiple_of3A_32] : memref<800768xi32, #tpu.memory_space<hbm>> -> memref<6256xi32, #tpu.memory_space<hbm>>
    tpu.enqueue_dma source(%dma_start3A_34 : memref<6256xi32, #tpu.memory_space<hbm>>) target(%arg31 : memref<6256xi32, #tpu.memory_space<vmem>>) target_semaphore(%arg36 : memref<!tpu.dma_semaphore, #tpu.memory_space<semaphore_mem>>)
    %scan3A_35 = arith.constant 0 : i32
    %scan3A_36 = arith.constant 0 : i32
    %scan3A_37 = arith.constant 4 : i32
    %scan3A_38 = arith.addi %scan3A_36, %scan3A_37 : i32
    %scan3A_39 = arith.constant 1 : i32
    scf.for %scan3A_118 = %scan3A_36 to %scan3A_38 step %scan3A_39  : i32 {
      %mul3A_119 = arith.constant 2 : i32
      %mul3A_120 = arith.muli %scan3A_118, %mul3A_119 : i32
      %add3A_121 = arith.constant 0 : i32
      %add3A_122 = arith.addi %mul3A_120, %add3A_121 : i32
      %mul3A_123 = arith.constant 6256 : i32
      %mul3A_124 = arith.muli %add3A_122, %mul3A_123 : i32
      %add3A_125 = arith.addi %mul3A_29, %mul3A_124 : i32
      %multiple_of3A_126 = tpu.assume_multiple %add3A_125, 8 : i32
      %dma_wait3A_127 = tpu.memref_slice %arg4[%multiple_of3A_126] : memref<800768xi32, #tpu.memory_space<hbm>> -> memref<6256xi32, #tpu.memory_space<hbm>>
      %dma_wait3A_128 = tpu.memref_slice %arg4[%multiple_of3A_126] : memref<800768xi32, #tpu.memory_space<hbm>> -> memref<6256xi32, #tpu.memory_space<hbm>>
      tpu.wait_dma2 semaphore(%arg36 : memref<!tpu.dma_semaphore, #tpu.memory_space<semaphore_mem>>) src(%dma_wait3A_128 : memref<6256xi32, #tpu.memory_space<hbm>>) dst(%arg31 : memref<6256xi32, #tpu.memory_space<vmem>>)
      %gt3A = arith.constant 0 : i32
      %gt3A_129 = arith.cmpi sgt, %scan3A_118, %gt3A : i32
      %convert_element_type3A_130 = arith.extui %gt3A_129 : i1 to i32
      %cond3A_131 = arith.constant 0 : i32
      %cond3A_132 = arith.cmpi ne, %convert_element_type3A_130, %cond3A_131 : i32
      scf.if %cond3A_132 {
        %dma_wait3A_163 = arith.constant 0 : i32
        %dma_wait3A_164 = tpu.memref_slice %arg8[%dma_wait3A_163] : memref<50176xf32, #tpu.memory_space<vmem_shared>> -> memref<50176xf32, #tpu.memory_space<vmem_shared>>
        tpu.wait_indirect_dma semaphore(%arg39 : memref<!tpu.dma_semaphore, #tpu.memory_space<semaphore_mem>>) src(%arg33 : memref<6256xf32, #tpu.memory_space<vmem>>) dst(%dma_wait3A_164 : memref<50176xf32, #tpu.memory_space<vmem_shared>>)
      } else {
      }
      %add3A_133 = arith.constant 1 : i32
      %add3A_134 = arith.addi %add3A_122, %add3A_133 : i32
      %mul3A_135 = arith.constant 6256 : i32
      %mul3A_136 = arith.muli %add3A_134, %mul3A_135 : i32
      %add3A_137 = arith.addi %mul3A_29, %mul3A_136 : i32
      %multiple_of3A_138 = tpu.assume_multiple %add3A_137, 8 : i32
      %dma_start3A_139 = tpu.memref_slice %arg4[%multiple_of3A_138] : memref<800768xi32, #tpu.memory_space<hbm>> -> memref<6256xi32, #tpu.memory_space<hbm>>
      %dma_start3A_140 = tpu.memref_slice %arg4[%multiple_of3A_138] : memref<800768xi32, #tpu.memory_space<hbm>> -> memref<6256xi32, #tpu.memory_space<hbm>>
      tpu.enqueue_dma source(%dma_start3A_140 : memref<6256xi32, #tpu.memory_space<hbm>>) target(%arg32 : memref<6256xi32, #tpu.memory_space<vmem>>) target_semaphore(%arg36 : memref<!tpu.dma_semaphore, #tpu.memory_space<semaphore_mem>>)
      %dma_start3A_141 = arith.constant 0 : i32
      %dma_start3A_142 = tpu.memref_slice %arg8[%dma_start3A_141] : memref<50176xf32, #tpu.memory_space<vmem_shared>> -> memref<50176xf32, #tpu.memory_space<vmem_shared>>
      tpu.enqueue_indirect_dma source(%arg33 : memref<6256xf32, #tpu.memory_space<vmem>>) target(%dma_start3A_142 : memref<50176xf32, #tpu.memory_space<vmem_shared>>) offsets(%arg31 : memref<6256xi32, #tpu.memory_space<vmem>>) semaphore(%arg39 : memref<!tpu.dma_semaphore, #tpu.memory_space<semaphore_mem>>) {add = true}
      %mul3A_143 = arith.constant 2 : i32
      %mul3A_144 = arith.muli %scan3A_118, %mul3A_143 : i32
      %add3A_145 = arith.constant 1 : i32
      %add3A_146 = arith.addi %mul3A_144, %add3A_145 : i32
      %mul3A_147 = arith.constant 6256 : i32
      %mul3A_148 = arith.muli %add3A_146, %mul3A_147 : i32
      %add3A_149 = arith.addi %mul3A_29, %mul3A_148 : i32
      %multiple_of3A_150 = tpu.assume_multiple %add3A_149, 8 : i32
      %dma_wait3A_151 = tpu.memref_slice %arg4[%multiple_of3A_150] : memref<800768xi32, #tpu.memory_space<hbm>> -> memref<6256xi32, #tpu.memory_space<hbm>>
      %dma_wait3A_152 = tpu.memref_slice %arg4[%multiple_of3A_150] : memref<800768xi32, #tpu.memory_space<hbm>> -> memref<6256xi32, #tpu.memory_space<hbm>>
      tpu.wait_dma2 semaphore(%arg36 : memref<!tpu.dma_semaphore, #tpu.memory_space<semaphore_mem>>) src(%dma_wait3A_152 : memref<6256xi32, #tpu.memory_space<hbm>>) dst(%arg32 : memref<6256xi32, #tpu.memory_space<vmem>>)
      %dma_wait3A_153 = arith.constant 0 : i32
      %dma_wait3A_154 = tpu.memref_slice %arg8[%dma_wait3A_153] : memref<50176xf32, #tpu.memory_space<vmem_shared>> -> memref<50176xf32, #tpu.memory_space<vmem_shared>>
      tpu.wait_indirect_dma semaphore(%arg39 : memref<!tpu.dma_semaphore, #tpu.memory_space<semaphore_mem>>) src(%arg33 : memref<6256xf32, #tpu.memory_space<vmem>>) dst(%dma_wait3A_154 : memref<50176xf32, #tpu.memory_space<vmem_shared>>)
      %add3A_155 = arith.constant 1 : i32
      %add3A_156 = arith.addi %scan3A_118, %add3A_155 : i32
      %lt3A = arith.constant 4 : i32
      %lt3A_157 = arith.cmpi slt, %add3A_156, %lt3A : i32
      %convert_element_type3A_158 = arith.extui %lt3A_157 : i1 to i32
      %cond3A_159 = arith.constant 0 : i32
      %cond3A_160 = arith.cmpi ne, %convert_element_type3A_158, %cond3A_159 : i32
      scf.if %cond3A_160 {
        %add3A_163 = arith.constant 1 : i32
        %add3A_164 = arith.addi %add3A_146, %add3A_163 : i32
        %mul3A_165 = arith.constant 6256 : i32
        %mul3A_166 = arith.muli %add3A_164, %mul3A_165 : i32
        %add3A_167 = arith.addi %mul3A_29, %mul3A_166 : i32
        %multiple_of3A_168 = tpu.assume_multiple %add3A_167, 8 : i32
        %dma_start3A_169 = tpu.memref_slice %arg4[%multiple_of3A_168] : memref<800768xi32, #tpu.memory_space<hbm>> -> memref<6256xi32, #tpu.memory_space<hbm>>
        %dma_start3A_170 = tpu.memref_slice %arg4[%multiple_of3A_168] : memref<800768xi32, #tpu.memory_space<hbm>> -> memref<6256xi32, #tpu.memory_space<hbm>>
        tpu.enqueue_dma source(%dma_start3A_170 : memref<6256xi32, #tpu.memory_space<hbm>>) target(%arg31 : memref<6256xi32, #tpu.memory_space<vmem>>) target_semaphore(%arg36 : memref<!tpu.dma_semaphore, #tpu.memory_space<semaphore_mem>>)
      } else {
      }
      %dma_start3A_161 = arith.constant 0 : i32
      %dma_start3A_162 = tpu.memref_slice %arg8[%dma_start3A_161] : memref<50176xf32, #tpu.memory_space<vmem_shared>> -> memref<50176xf32, #tpu.memory_space<vmem_shared>>
      tpu.enqueue_indirect_dma source(%arg33 : memref<6256xf32, #tpu.memory_space<vmem>>) target(%dma_start3A_162 : memref<50176xf32, #tpu.memory_space<vmem_shared>>) offsets(%arg32 : memref<6256xi32, #tpu.memory_space<vmem>>) semaphore(%arg39 : memref<!tpu.dma_semaphore, #tpu.memory_space<semaphore_mem>>) {add = true}
    }
    %scan3A_40 = arith.constant 4 : i32
    %dma_wait3A = arith.constant 0 : i32
    %dma_wait3A_41 = tpu.memref_slice %arg8[%dma_wait3A] : memref<50176xf32, #tpu.memory_space<vmem_shared>> -> memref<50176xf32, #tpu.memory_space<vmem_shared>>
    tpu.wait_indirect_dma semaphore(%arg39 : memref<!tpu.dma_semaphore, #tpu.memory_space<semaphore_mem>>) src(%arg33 : memref<6256xf32, #tpu.memory_space<vmem>>) dst(%dma_wait3A_41 : memref<50176xf32, #tpu.memory_space<vmem_shared>>)
    %barrier3A_42 = arith.constant 0 : index
    tpu.barrier barrier_id(%barrier3A_42)
    "tpu.region"() ({
      %run_scoped3A = tpu.sem_alloc : memref<!tpu.dma_semaphore, #tpu.memory_space<semaphore_mem>>
      %dma_start3A_118 = tpu.memref_slice %arg8[%multiple_of3A] : memref<50176xf32, #tpu.memory_space<vmem_shared>> -> memref<3136xf32, #tpu.memory_space<vmem_shared>>
      %dma_start3A_119 = tpu.memref_slice %arg8[%multiple_of3A] : memref<50176xf32, #tpu.memory_space<vmem_shared>> -> memref<3136xf32, #tpu.memory_space<vmem_shared>>
      tpu.enqueue_dma source(%dma_start3A_119 : memref<3136xf32, #tpu.memory_space<vmem_shared>>) target(%arg34 : memref<3136xf32, #tpu.memory_space<vmem>>) target_semaphore(%run_scoped3A : memref<!tpu.dma_semaphore, #tpu.memory_space<semaphore_mem>>)
      %dma_wait3A_120 = tpu.memref_slice %arg8[%multiple_of3A] : memref<50176xf32, #tpu.memory_space<vmem_shared>> -> memref<3136xf32, #tpu.memory_space<vmem_shared>>
      %dma_wait3A_121 = tpu.memref_slice %arg8[%multiple_of3A] : memref<50176xf32, #tpu.memory_space<vmem_shared>> -> memref<3136xf32, #tpu.memory_space<vmem_shared>>
      tpu.wait_dma2 semaphore(%run_scoped3A : memref<!tpu.dma_semaphore, #tpu.memory_space<semaphore_mem>>) src(%dma_wait3A_121 : memref<3136xf32, #tpu.memory_space<vmem_shared>>) dst(%arg34 : memref<3136xf32, #tpu.memory_space<vmem>>)
      tpu.yield
    }) : () -> ()
    %dma_wait3A_43 = tpu.memref_slice %arg2[%multiple_of3A_11] : memref<200704xf32, #tpu.memory_space<hbm>> -> memref<3136xf32, #tpu.memory_space<hbm>>
    %dma_wait3A_44 = tpu.memref_slice %arg2[%multiple_of3A_11] : memref<200704xf32, #tpu.memory_space<hbm>> -> memref<3136xf32, #tpu.memory_space<hbm>>
    tpu.wait_dma2 semaphore(%arg37 : memref<!tpu.dma_semaphore, #tpu.memory_space<semaphore_mem>>) src(%dma_wait3A_44 : memref<3136xf32, #tpu.memory_space<hbm>>) dst(%arg25 : memref<3136xf32, #tpu.memory_space<vmem>>)
    %dma_wait3A_45 = tpu.memref_slice %arg2[%multiple_of3A_15] : memref<200704xf32, #tpu.memory_space<hbm>> -> memref<3136xf32, #tpu.memory_space<hbm>>
    %dma_wait3A_46 = tpu.memref_slice %arg2[%multiple_of3A_15] : memref<200704xf32, #tpu.memory_space<hbm>> -> memref<3136xf32, #tpu.memory_space<hbm>>
    tpu.wait_dma2 semaphore(%arg37 : memref<!tpu.dma_semaphore, #tpu.memory_space<semaphore_mem>>) src(%dma_wait3A_46 : memref<3136xf32, #tpu.memory_space<hbm>>) dst(%arg26 : memref<3136xf32, #tpu.memory_space<vmem>>)
    %dma_wait3A_47 = tpu.memref_slice %arg2[%multiple_of3A_20] : memref<200704xf32, #tpu.memory_space<hbm>> -> memref<3136xf32, #tpu.memory_space<hbm>>
    %dma_wait3A_48 = tpu.memref_slice %arg2[%multiple_of3A_20] : memref<200704xf32, #tpu.memory_space<hbm>> -> memref<3136xf32, #tpu.memory_space<hbm>>
    tpu.wait_dma2 semaphore(%arg37 : memref<!tpu.dma_semaphore, #tpu.memory_space<semaphore_mem>>) src(%dma_wait3A_48 : memref<3136xf32, #tpu.memory_space<hbm>>) dst(%arg27 : memref<3136xf32, #tpu.memory_space<vmem>>)
    %dma_wait3A_49 = tpu.memref_slice %arg2[%multiple_of3A_25] : memref<200704xf32, #tpu.memory_space<hbm>> -> memref<3136xf32, #tpu.memory_space<hbm>>
    %dma_wait3A_50 = tpu.memref_slice %arg2[%multiple_of3A_25] : memref<200704xf32, #tpu.memory_space<hbm>> -> memref<3136xf32, #tpu.memory_space<hbm>>
    tpu.wait_dma2 semaphore(%arg37 : memref<!tpu.dma_semaphore, #tpu.memory_space<semaphore_mem>>) src(%dma_wait3A_50 : memref<3136xf32, #tpu.memory_space<hbm>>) dst(%arg28 : memref<3136xf32, #tpu.memory_space<vmem>>)
    %broadcast_in_dim3A_51 = arith.constant 1597463007 : i32
    %broadcast_in_dim3A_52 = vector.broadcast %broadcast_in_dim3A_51 : i32 to vector<16xi32>
    %scan3A_53 = arith.constant 0 : i32
    %scan3A_54 = arith.constant 0 : i32
    %scan3A_55 = arith.constant 196 : i32
    %scan3A_56 = arith.addi %scan3A_54, %scan3A_55 : i32
    %scan3A_57 = arith.constant 1 : i32
    scf.for %scan3A_118 = %scan3A_54 to %scan3A_56 step %scan3A_57  : i32 {
      %mul3A_119 = arith.constant 16 : i32
      %mul3A_120 = arith.muli %scan3A_118, %mul3A_119 : i32
      %get3A = arith.index_cast %mul3A_120 : i32 to index
      %get3A_121 = tpu.vector_load %arg34[%get3A] {strides = array<i32>} : memref<3136xf32, #tpu.memory_space<vmem>>, vector<16xf32>,
      %get3A_122 = vector.shape_cast %get3A_121 : vector<16xf32> to vector<16xf32>
      %add3A_123 = arith.constant 1.000000e+00 : f32
      %add3A_124 = vector.broadcast %add3A_123 : f32 to vector<16xf32>
      %add3A_125 = arith.addf %get3A_122, %add3A_124 : vector<16xf32>
      %bitcast_convert_type3A = tpu.bitcast %add3A_125 : vector<16xf32> -> vector<16xi32>
      %shift_right_logical3A = arith.constant 1 : i32
      %shift_right_logical3A_126 = vector.broadcast %shift_right_logical3A : i32 to vector<16xi32>
      %shift_right_logical3A_127 = arith.shrui %bitcast_convert_type3A, %shift_right_logical3A_126 : vector<16xi32>
      %sub3A = arith.subi %broadcast_in_dim3A_52, %shift_right_logical3A_127 : vector<16xi32>
      %bitcast_convert_type3A_128 = tpu.bitcast %sub3A : vector<16xi32> -> vector<16xf32>
      %mul3A_129 = arith.constant 5.000000e-01 : f32
      %mul3A_130 = vector.broadcast %mul3A_129 : f32 to vector<16xf32>
      %mul3A_131 = arith.mulf %mul3A_130, %add3A_125 : vector<16xf32>
      %mul3A_132 = arith.mulf %mul3A_131, %bitcast_convert_type3A_128 : vector<16xf32>
      %mul3A_133 = arith.mulf %mul3A_132, %bitcast_convert_type3A_128 : vector<16xf32>
      %sub3A_134 = arith.constant 1.500000e+00 : f32
      %sub3A_135 = vector.broadcast %sub3A_134 : f32 to vector<16xf32>
      %sub3A_136 = arith.subf %sub3A_135, %mul3A_133 : vector<16xf32>
      %mul3A_137 = arith.mulf %bitcast_convert_type3A_128, %sub3A_136 : vector<16xf32>
      %mul3A_138 = arith.constant 5.000000e-01 : f32
      %mul3A_139 = vector.broadcast %mul3A_138 : f32 to vector<16xf32>
      %mul3A_140 = arith.mulf %mul3A_139, %add3A_125 : vector<16xf32>
      %mul3A_141 = arith.mulf %mul3A_140, %mul3A_137 : vector<16xf32>
      %mul3A_142 = arith.mulf %mul3A_141, %mul3A_137 : vector<16xf32>
      %sub3A_143 = arith.constant 1.500000e+00 : f32
      %sub3A_144 = vector.broadcast %sub3A_143 : f32 to vector<16xf32>
      %sub3A_145 = arith.subf %sub3A_144, %mul3A_142 : vector<16xf32>
      %mul3A_146 = arith.mulf %mul3A_137, %sub3A_145 : vector<16xf32>
      %mul3A_147 = arith.constant 5.000000e-01 : f32
      %mul3A_148 = vector.broadcast %mul3A_147 : f32 to vector<16xf32>
      %mul3A_149 = arith.mulf %mul3A_148, %add3A_125 : vector<16xf32>
      %mul3A_150 = arith.mulf %mul3A_149, %mul3A_146 : vector<16xf32>
      %mul3A_151 = arith.mulf %mul3A_150, %mul3A_146 : vector<16xf32>
      %sub3A_152 = arith.constant 1.500000e+00 : f32
      %sub3A_153 = vector.broadcast %sub3A_152 : f32 to vector<16xf32>
      %sub3A_154 = arith.subf %sub3A_153, %mul3A_151 : vector<16xf32>
      %mul3A_155 = arith.mulf %mul3A_146, %sub3A_154 : vector<16xf32>
      %swap3A = arith.index_cast %mul3A_120 : i32 to index
      %swap3A_156 = tpu.vector_load %arg34[%swap3A] {strides = array<i32>} : memref<3136xf32, #tpu.memory_space<vmem>>, vector<16xf32>,
      %swap3A_157 = vector.shape_cast %swap3A_156 : vector<16xf32> to vector<16xf32>
      %swap3A_158 = vector.shape_cast %mul3A_155 : vector<16xf32> to vector<16xf32>
      tpu.vector_store %arg34[%swap3A], %swap3A_158 {strides = array<i32>} : memref<3136xf32, #tpu.memory_space<vmem>>, vector<16xf32>,
      %get3A_159 = arith.index_cast %mul3A_120 : i32 to index
      %get3A_160 = tpu.vector_load %arg25[%get3A_159] {strides = array<i32>} : memref<3136xf32, #tpu.memory_space<vmem>>, vector<16xf32>,
      %get3A_161 = vector.shape_cast %get3A_160 : vector<16xf32> to vector<16xf32>
      %mul3A_162 = arith.mulf %get3A_161, %mul3A_155 : vector<16xf32>
      %swap3A_163 = arith.index_cast %mul3A_120 : i32 to index
      %swap3A_164 = tpu.vector_load %arg25[%swap3A_163] {strides = array<i32>} : memref<3136xf32, #tpu.memory_space<vmem>>, vector<16xf32>,
      %swap3A_165 = vector.shape_cast %swap3A_164 : vector<16xf32> to vector<16xf32>
      %swap3A_166 = vector.shape_cast %mul3A_162 : vector<16xf32> to vector<16xf32>
      tpu.vector_store %arg25[%swap3A_163], %swap3A_166 {strides = array<i32>} : memref<3136xf32, #tpu.memory_space<vmem>>, vector<16xf32>,
      %get3A_167 = arith.index_cast %mul3A_120 : i32 to index
      %get3A_168 = tpu.vector_load %arg26[%get3A_167] {strides = array<i32>} : memref<3136xf32, #tpu.memory_space<vmem>>, vector<16xf32>,
      %get3A_169 = vector.shape_cast %get3A_168 : vector<16xf32> to vector<16xf32>
      %mul3A_170 = arith.mulf %get3A_169, %mul3A_155 : vector<16xf32>
      %swap3A_171 = arith.index_cast %mul3A_120 : i32 to index
      %swap3A_172 = tpu.vector_load %arg26[%swap3A_171] {strides = array<i32>} : memref<3136xf32, #tpu.memory_space<vmem>>, vector<16xf32>,
      %swap3A_173 = vector.shape_cast %swap3A_172 : vector<16xf32> to vector<16xf32>
      %swap3A_174 = vector.shape_cast %mul3A_170 : vector<16xf32> to vector<16xf32>
      tpu.vector_store %arg26[%swap3A_171], %swap3A_174 {strides = array<i32>} : memref<3136xf32, #tpu.memory_space<vmem>>, vector<16xf32>,
      %get3A_175 = arith.index_cast %mul3A_120 : i32 to index
      %get3A_176 = tpu.vector_load %arg27[%get3A_175] {strides = array<i32>} : memref<3136xf32, #tpu.memory_space<vmem>>, vector<16xf32>,
      %get3A_177 = vector.shape_cast %get3A_176 : vector<16xf32> to vector<16xf32>
      %mul3A_178 = arith.mulf %get3A_177, %mul3A_155 : vector<16xf32>
      %swap3A_179 = arith.index_cast %mul3A_120 : i32 to index
      %swap3A_180 = tpu.vector_load %arg27[%swap3A_179] {strides = array<i32>} : memref<3136xf32, #tpu.memory_space<vmem>>, vector<16xf32>,
      %swap3A_181 = vector.shape_cast %swap3A_180 : vector<16xf32> to vector<16xf32>
      %swap3A_182 = vector.shape_cast %mul3A_178 : vector<16xf32> to vector<16xf32>
      tpu.vector_store %arg27[%swap3A_179], %swap3A_182 {strides = array<i32>} : memref<3136xf32, #tpu.memory_space<vmem>>, vector<16xf32>,
      %get3A_183 = arith.index_cast %mul3A_120 : i32 to index
      %get3A_184 = tpu.vector_load %arg28[%get3A_183] {strides = array<i32>} : memref<3136xf32, #tpu.memory_space<vmem>>, vector<16xf32>,
      %get3A_185 = vector.shape_cast %get3A_184 : vector<16xf32> to vector<16xf32>
      %mul3A_186 = arith.mulf %get3A_185, %mul3A_155 : vector<16xf32>
      %swap3A_187 = arith.index_cast %mul3A_120 : i32 to index
      %swap3A_188 = tpu.vector_load %arg28[%swap3A_187] {strides = array<i32>} : memref<3136xf32, #tpu.memory_space<vmem>>, vector<16xf32>,
      %swap3A_189 = vector.shape_cast %swap3A_188 : vector<16xf32> to vector<16xf32>
      %swap3A_190 = vector.shape_cast %mul3A_186 : vector<16xf32> to vector<16xf32>
      tpu.vector_store %arg28[%swap3A_187], %swap3A_190 {strides = array<i32>} : memref<3136xf32, #tpu.memory_space<vmem>>, vector<16xf32>,
    }
    %scan3A_58 = arith.constant 196 : i32
    "tpu.region"() ({
      %run_scoped3A = tpu.sem_alloc : memref<!tpu.dma_semaphore, #tpu.memory_space<semaphore_mem>>
      %dma_start3A_118 = tpu.memref_slice %arg9[%multiple_of3A] : memref<50176xf32, #tpu.memory_space<vmem_shared>> -> memref<3136xf32, #tpu.memory_space<vmem_shared>>
      %dma_start3A_119 = tpu.memref_slice %arg9[%multiple_of3A] : memref<50176xf32, #tpu.memory_space<vmem_shared>> -> memref<3136xf32, #tpu.memory_space<vmem_shared>>
      tpu.enqueue_dma source(%arg25 : memref<3136xf32, #tpu.memory_space<vmem>>) target(%dma_start3A_119 : memref<3136xf32, #tpu.memory_space<vmem_shared>>) target_semaphore(%run_scoped3A : memref<!tpu.dma_semaphore, #tpu.memory_space<semaphore_mem>>)
      %dma_wait3A_120 = tpu.memref_slice %arg9[%multiple_of3A] : memref<50176xf32, #tpu.memory_space<vmem_shared>> -> memref<3136xf32, #tpu.memory_space<vmem_shared>>
      %dma_wait3A_121 = tpu.memref_slice %arg9[%multiple_of3A] : memref<50176xf32, #tpu.memory_space<vmem_shared>> -> memref<3136xf32, #tpu.memory_space<vmem_shared>>
      tpu.wait_dma2 semaphore(%run_scoped3A : memref<!tpu.dma_semaphore, #tpu.memory_space<semaphore_mem>>) src(%arg25 : memref<3136xf32, #tpu.memory_space<vmem>>) dst(%dma_wait3A_121 : memref<3136xf32, #tpu.memory_space<vmem_shared>>)
      tpu.yield
    }) : () -> ()
    "tpu.region"() ({
      %run_scoped3A = tpu.sem_alloc : memref<!tpu.dma_semaphore, #tpu.memory_space<semaphore_mem>>
      %dma_start3A_118 = tpu.memref_slice %arg10[%multiple_of3A] : memref<50176xf32, #tpu.memory_space<vmem_shared>> -> memref<3136xf32, #tpu.memory_space<vmem_shared>>
      %dma_start3A_119 = tpu.memref_slice %arg10[%multiple_of3A] : memref<50176xf32, #tpu.memory_space<vmem_shared>> -> memref<3136xf32, #tpu.memory_space<vmem_shared>>
      tpu.enqueue_dma source(%arg26 : memref<3136xf32, #tpu.memory_space<vmem>>) target(%dma_start3A_119 : memref<3136xf32, #tpu.memory_space<vmem_shared>>) target_semaphore(%run_scoped3A : memref<!tpu.dma_semaphore, #tpu.memory_space<semaphore_mem>>)
      %dma_wait3A_120 = tpu.memref_slice %arg10[%multiple_of3A] : memref<50176xf32, #tpu.memory_space<vmem_shared>> -> memref<3136xf32, #tpu.memory_space<vmem_shared>>
      %dma_wait3A_121 = tpu.memref_slice %arg10[%multiple_of3A] : memref<50176xf32, #tpu.memory_space<vmem_shared>> -> memref<3136xf32, #tpu.memory_space<vmem_shared>>
      tpu.wait_dma2 semaphore(%run_scoped3A : memref<!tpu.dma_semaphore, #tpu.memory_space<semaphore_mem>>) src(%arg26 : memref<3136xf32, #tpu.memory_space<vmem>>) dst(%dma_wait3A_121 : memref<3136xf32, #tpu.memory_space<vmem_shared>>)
      tpu.yield
    }) : () -> ()
    "tpu.region"() ({
      %run_scoped3A = tpu.sem_alloc : memref<!tpu.dma_semaphore, #tpu.memory_space<semaphore_mem>>
      %dma_start3A_118 = tpu.memref_slice %arg11[%multiple_of3A] : memref<50176xf32, #tpu.memory_space<vmem_shared>> -> memref<3136xf32, #tpu.memory_space<vmem_shared>>
      %dma_start3A_119 = tpu.memref_slice %arg11[%multiple_of3A] : memref<50176xf32, #tpu.memory_space<vmem_shared>> -> memref<3136xf32, #tpu.memory_space<vmem_shared>>
      tpu.enqueue_dma source(%arg27 : memref<3136xf32, #tpu.memory_space<vmem>>) target(%dma_start3A_119 : memref<3136xf32, #tpu.memory_space<vmem_shared>>) target_semaphore(%run_scoped3A : memref<!tpu.dma_semaphore, #tpu.memory_space<semaphore_mem>>)
      %dma_wait3A_120 = tpu.memref_slice %arg11[%multiple_of3A] : memref<50176xf32, #tpu.memory_space<vmem_shared>> -> memref<3136xf32, #tpu.memory_space<vmem_shared>>
      %dma_wait3A_121 = tpu.memref_slice %arg11[%multiple_of3A] : memref<50176xf32, #tpu.memory_space<vmem_shared>> -> memref<3136xf32, #tpu.memory_space<vmem_shared>>
      tpu.wait_dma2 semaphore(%run_scoped3A : memref<!tpu.dma_semaphore, #tpu.memory_space<semaphore_mem>>) src(%arg27 : memref<3136xf32, #tpu.memory_space<vmem>>) dst(%dma_wait3A_121 : memref<3136xf32, #tpu.memory_space<vmem_shared>>)
      tpu.yield
    }) : () -> ()
    "tpu.region"() ({
      %run_scoped3A = tpu.sem_alloc : memref<!tpu.dma_semaphore, #tpu.memory_space<semaphore_mem>>
      %dma_start3A_118 = tpu.memref_slice %arg12[%multiple_of3A] : memref<50176xf32, #tpu.memory_space<vmem_shared>> -> memref<3136xf32, #tpu.memory_space<vmem_shared>>
      %dma_start3A_119 = tpu.memref_slice %arg12[%multiple_of3A] : memref<50176xf32, #tpu.memory_space<vmem_shared>> -> memref<3136xf32, #tpu.memory_space<vmem_shared>>
      tpu.enqueue_dma source(%arg28 : memref<3136xf32, #tpu.memory_space<vmem>>) target(%dma_start3A_119 : memref<3136xf32, #tpu.memory_space<vmem_shared>>) target_semaphore(%run_scoped3A : memref<!tpu.dma_semaphore, #tpu.memory_space<semaphore_mem>>)
      %dma_wait3A_120 = tpu.memref_slice %arg12[%multiple_of3A] : memref<50176xf32, #tpu.memory_space<vmem_shared>> -> memref<3136xf32, #tpu.memory_space<vmem_shared>>
      %dma_wait3A_121 = tpu.memref_slice %arg12[%multiple_of3A] : memref<50176xf32, #tpu.memory_space<vmem_shared>> -> memref<3136xf32, #tpu.memory_space<vmem_shared>>
      tpu.wait_dma2 semaphore(%run_scoped3A : memref<!tpu.dma_semaphore, #tpu.memory_space<semaphore_mem>>) src(%arg28 : memref<3136xf32, #tpu.memory_space<vmem>>) dst(%dma_wait3A_121 : memref<3136xf32, #tpu.memory_space<vmem_shared>>)
      tpu.yield
    }) : () -> ()
    %eq3A = arith.constant 0 : i32
    %eq3A_59 = arith.cmpi eq, %arg0, %eq3A : i32
    %convert_element_type3A = arith.extui %eq3A_59 : i1 to i32
    %cond3A = arith.constant 0 : i32
    %cond3A_60 = arith.cmpi ne, %convert_element_type3A, %cond3A : i32
    scf.if %cond3A_60 {
      "tpu.region"() ({
        %run_scoped3A = tpu.sem_alloc : memref<!tpu.dma_semaphore, #tpu.memory_space<semaphore_mem>>
        %dma_start3A_118 = tpu.memref_slice %arg7[%multiple_of3A] : memref<50176xf32, #tpu.memory_space<hbm>> -> memref<3136xf32, #tpu.memory_space<hbm>>
        %dma_start3A_119 = tpu.memref_slice %arg7[%multiple_of3A] : memref<50176xf32, #tpu.memory_space<hbm>> -> memref<3136xf32, #tpu.memory_space<hbm>>
        tpu.enqueue_dma source(%arg34 : memref<3136xf32, #tpu.memory_space<vmem>>) target(%dma_start3A_119 : memref<3136xf32, #tpu.memory_space<hbm>>) target_semaphore(%run_scoped3A : memref<!tpu.dma_semaphore, #tpu.memory_space<semaphore_mem>>)
        %dma_wait3A_120 = tpu.memref_slice %arg7[%multiple_of3A] : memref<50176xf32, #tpu.memory_space<hbm>> -> memref<3136xf32, #tpu.memory_space<hbm>>
        %dma_wait3A_121 = tpu.memref_slice %arg7[%multiple_of3A] : memref<50176xf32, #tpu.memory_space<hbm>> -> memref<3136xf32, #tpu.memory_space<hbm>>
        tpu.wait_dma2 semaphore(%run_scoped3A : memref<!tpu.dma_semaphore, #tpu.memory_space<semaphore_mem>>) src(%arg34 : memref<3136xf32, #tpu.memory_space<vmem>>) dst(%dma_wait3A_121 : memref<3136xf32, #tpu.memory_space<hbm>>)
        tpu.yield
      }) : () -> ()
    } else {
    }
    %barrier3A_61 = arith.constant 0 : index
    tpu.barrier barrier_id(%barrier3A_61)
    %mul3A_62 = arith.constant 25024 : i32
    %mul3A_63 = arith.muli %add3A, %mul3A_62 : i32
    %add3A_64 = arith.constant 0 : i32
    %add3A_65 = arith.addi %mul3A_63, %add3A_64 : i32
    %multiple_of3A_66 = tpu.assume_multiple %add3A_65, 8 : i32
    %dma_start3A_67 = tpu.memref_slice %arg3[%multiple_of3A_66] : memref<800768xi32, #tpu.memory_space<hbm>> -> memref<6256xi32, #tpu.memory_space<hbm>>
    %dma_start3A_68 = tpu.memref_slice %arg3[%multiple_of3A_66] : memref<800768xi32, #tpu.memory_space<hbm>> -> memref<6256xi32, #tpu.memory_space<hbm>>
    tpu.enqueue_dma source(%dma_start3A_68 : memref<6256xi32, #tpu.memory_space<hbm>>) target(%arg29 : memref<6256xi32, #tpu.memory_space<vmem>>) target_semaphore(%arg36 : memref<!tpu.dma_semaphore, #tpu.memory_space<semaphore_mem>>)
    %dma_start3A_69 = tpu.memref_slice %arg4[%multiple_of3A_66] : memref<800768xi32, #tpu.memory_space<hbm>> -> memref<6256xi32, #tpu.memory_space<hbm>>
    %dma_start3A_70 = tpu.memref_slice %arg4[%multiple_of3A_66] : memref<800768xi32, #tpu.memory_space<hbm>> -> memref<6256xi32, #tpu.memory_space<hbm>>
    tpu.enqueue_dma source(%dma_start3A_70 : memref<6256xi32, #tpu.memory_space<hbm>>) target(%arg31 : memref<6256xi32, #tpu.memory_space<vmem>>) target_semaphore(%arg36 : memref<!tpu.dma_semaphore, #tpu.memory_space<semaphore_mem>>)
    %scan3A_71 = arith.constant 0 : i32
    %scan3A_72 = arith.constant 0 : i32
    %scan3A_73 = arith.constant 2 : i32
    %scan3A_74 = arith.addi %scan3A_72, %scan3A_73 : i32
    %scan3A_75 = arith.constant 1 : i32
    scf.for %scan3A_118 = %scan3A_72 to %scan3A_74 step %scan3A_75  : i32 {
      %mul3A_119 = arith.constant 2 : i32
      %mul3A_120 = arith.muli %scan3A_118, %mul3A_119 : i32
      %add3A_121 = arith.constant 0 : i32
      %add3A_122 = arith.addi %mul3A_120, %add3A_121 : i32
      %mul3A_123 = arith.constant 6256 : i32
      %mul3A_124 = arith.muli %add3A_122, %mul3A_123 : i32
      %add3A_125 = arith.addi %mul3A_63, %mul3A_124 : i32
      %multiple_of3A_126 = tpu.assume_multiple %add3A_125, 8 : i32
      %dma_wait3A_127 = tpu.memref_slice %arg3[%multiple_of3A_126] : memref<800768xi32, #tpu.memory_space<hbm>> -> memref<6256xi32, #tpu.memory_space<hbm>>
      %dma_wait3A_128 = tpu.memref_slice %arg3[%multiple_of3A_126] : memref<800768xi32, #tpu.memory_space<hbm>> -> memref<6256xi32, #tpu.memory_space<hbm>>
      tpu.wait_dma2 semaphore(%arg36 : memref<!tpu.dma_semaphore, #tpu.memory_space<semaphore_mem>>) src(%dma_wait3A_128 : memref<6256xi32, #tpu.memory_space<hbm>>) dst(%arg29 : memref<6256xi32, #tpu.memory_space<vmem>>)
      %dma_wait3A_129 = tpu.memref_slice %arg4[%multiple_of3A_126] : memref<800768xi32, #tpu.memory_space<hbm>> -> memref<6256xi32, #tpu.memory_space<hbm>>
      %dma_wait3A_130 = tpu.memref_slice %arg4[%multiple_of3A_126] : memref<800768xi32, #tpu.memory_space<hbm>> -> memref<6256xi32, #tpu.memory_space<hbm>>
      tpu.wait_dma2 semaphore(%arg36 : memref<!tpu.dma_semaphore, #tpu.memory_space<semaphore_mem>>) src(%dma_wait3A_130 : memref<6256xi32, #tpu.memory_space<hbm>>) dst(%arg31 : memref<6256xi32, #tpu.memory_space<vmem>>)
      %dma_start3A_131 = arith.constant 0 : i32
      %dma_start3A_132 = tpu.memref_slice %arg9[%dma_start3A_131] : memref<50176xf32, #tpu.memory_space<vmem_shared>> -> memref<50176xf32, #tpu.memory_space<vmem_shared>>
      tpu.enqueue_indirect_dma source(%dma_start3A_132 : memref<50176xf32, #tpu.memory_space<vmem_shared>>) target(%arg17 : memref<6256xf32, #tpu.memory_space<vmem>>) offsets(%arg29 : memref<6256xi32, #tpu.memory_space<vmem>>) semaphore(%arg38 : memref<!tpu.dma_semaphore, #tpu.memory_space<semaphore_mem>>)
      %dma_start3A_133 = arith.constant 0 : i32
      %dma_start3A_134 = tpu.memref_slice %arg10[%dma_start3A_133] : memref<50176xf32, #tpu.memory_space<vmem_shared>> -> memref<50176xf32, #tpu.memory_space<vmem_shared>>
      tpu.enqueue_indirect_dma source(%dma_start3A_134 : memref<50176xf32, #tpu.memory_space<vmem_shared>>) target(%arg19 : memref<6256xf32, #tpu.memory_space<vmem>>) offsets(%arg29 : memref<6256xi32, #tpu.memory_space<vmem>>) semaphore(%arg38 : memref<!tpu.dma_semaphore, #tpu.memory_space<semaphore_mem>>)
      %dma_start3A_135 = arith.constant 0 : i32
      %dma_start3A_136 = tpu.memref_slice %arg11[%dma_start3A_135] : memref<50176xf32, #tpu.memory_space<vmem_shared>> -> memref<50176xf32, #tpu.memory_space<vmem_shared>>
      tpu.enqueue_indirect_dma source(%dma_start3A_136 : memref<50176xf32, #tpu.memory_space<vmem_shared>>) target(%arg21 : memref<6256xf32, #tpu.memory_space<vmem>>) offsets(%arg29 : memref<6256xi32, #tpu.memory_space<vmem>>) semaphore(%arg38 : memref<!tpu.dma_semaphore, #tpu.memory_space<semaphore_mem>>)
      %dma_start3A_137 = arith.constant 0 : i32
      %dma_start3A_138 = tpu.memref_slice %arg12[%dma_start3A_137] : memref<50176xf32, #tpu.memory_space<vmem_shared>> -> memref<50176xf32, #tpu.memory_space<vmem_shared>>
      tpu.enqueue_indirect_dma source(%dma_start3A_138 : memref<50176xf32, #tpu.memory_space<vmem_shared>>) target(%arg23 : memref<6256xf32, #tpu.memory_space<vmem>>) offsets(%arg29 : memref<6256xi32, #tpu.memory_space<vmem>>) semaphore(%arg38 : memref<!tpu.dma_semaphore, #tpu.memory_space<semaphore_mem>>)
      %gt3A = arith.constant 0 : i32
      %gt3A_139 = arith.cmpi sgt, %scan3A_118, %gt3A : i32
      %convert_element_type3A_140 = arith.extui %gt3A_139 : i1 to i32
      %cond3A_141 = arith.constant 0 : i32
      %cond3A_142 = arith.cmpi ne, %convert_element_type3A_140, %cond3A_141 : i32
      scf.if %cond3A_142 {
        %dma_wait3A_219 = arith.constant 0 : i32
        %dma_wait3A_220 = tpu.memref_slice %arg13[%dma_wait3A_219] : memref<50176xf32, #tpu.memory_space<vmem_shared>> -> memref<50176xf32, #tpu.memory_space<vmem_shared>>
        tpu.wait_indirect_dma semaphore(%arg39 : memref<!tpu.dma_semaphore, #tpu.memory_space<semaphore_mem>>) src(%arg18 : memref<6256xf32, #tpu.memory_space<vmem>>) dst(%dma_wait3A_220 : memref<50176xf32, #tpu.memory_space<vmem_shared>>)
        %dma_wait3A_221 = arith.constant 0 : i32
        %dma_wait3A_222 = tpu.memref_slice %arg14[%dma_wait3A_221] : memref<50176xf32, #tpu.memory_space<vmem_shared>> -> memref<50176xf32, #tpu.memory_space<vmem_shared>>
        tpu.wait_indirect_dma semaphore(%arg39 : memref<!tpu.dma_semaphore, #tpu.memory_space<semaphore_mem>>) src(%arg20 : memref<6256xf32, #tpu.memory_space<vmem>>) dst(%dma_wait3A_222 : memref<50176xf32, #tpu.memory_space<vmem_shared>>)
        %dma_wait3A_223 = arith.constant 0 : i32
        %dma_wait3A_224 = tpu.memref_slice %arg15[%dma_wait3A_223] : memref<50176xf32, #tpu.memory_space<vmem_shared>> -> memref<50176xf32, #tpu.memory_space<vmem_shared>>
        tpu.wait_indirect_dma semaphore(%arg39 : memref<!tpu.dma_semaphore, #tpu.memory_space<semaphore_mem>>) src(%arg22 : memref<6256xf32, #tpu.memory_space<vmem>>) dst(%dma_wait3A_224 : memref<50176xf32, #tpu.memory_space<vmem_shared>>)
        %dma_wait3A_225 = arith.constant 0 : i32
        %dma_wait3A_226 = tpu.memref_slice %arg16[%dma_wait3A_225] : memref<50176xf32, #tpu.memory_space<vmem_shared>> -> memref<50176xf32, #tpu.memory_space<vmem_shared>>
        tpu.wait_indirect_dma semaphore(%arg39 : memref<!tpu.dma_semaphore, #tpu.memory_space<semaphore_mem>>) src(%arg24 : memref<6256xf32, #tpu.memory_space<vmem>>) dst(%dma_wait3A_226 : memref<50176xf32, #tpu.memory_space<vmem_shared>>)
      } else {
      }
      %add3A_143 = arith.constant 1 : i32
      %add3A_144 = arith.addi %add3A_122, %add3A_143 : i32
      %mul3A_145 = arith.constant 6256 : i32
      %mul3A_146 = arith.muli %add3A_144, %mul3A_145 : i32
      %add3A_147 = arith.addi %mul3A_63, %mul3A_146 : i32
      %multiple_of3A_148 = tpu.assume_multiple %add3A_147, 8 : i32
      %dma_start3A_149 = tpu.memref_slice %arg3[%multiple_of3A_148] : memref<800768xi32, #tpu.memory_space<hbm>> -> memref<6256xi32, #tpu.memory_space<hbm>>
      %dma_start3A_150 = tpu.memref_slice %arg3[%multiple_of3A_148] : memref<800768xi32, #tpu.memory_space<hbm>> -> memref<6256xi32, #tpu.memory_space<hbm>>
      tpu.enqueue_dma source(%dma_start3A_150 : memref<6256xi32, #tpu.memory_space<hbm>>) target(%arg30 : memref<6256xi32, #tpu.memory_space<vmem>>) target_semaphore(%arg36 : memref<!tpu.dma_semaphore, #tpu.memory_space<semaphore_mem>>)
      %dma_start3A_151 = tpu.memref_slice %arg4[%multiple_of3A_148] : memref<800768xi32, #tpu.memory_space<hbm>> -> memref<6256xi32, #tpu.memory_space<hbm>>
      %dma_start3A_152 = tpu.memref_slice %arg4[%multiple_of3A_148] : memref<800768xi32, #tpu.memory_space<hbm>> -> memref<6256xi32, #tpu.memory_space<hbm>>
      tpu.enqueue_dma source(%dma_start3A_152 : memref<6256xi32, #tpu.memory_space<hbm>>) target(%arg32 : memref<6256xi32, #tpu.memory_space<vmem>>) target_semaphore(%arg36 : memref<!tpu.dma_semaphore, #tpu.memory_space<semaphore_mem>>)
      %dma_wait3A_153 = arith.constant 0 : i32
      %dma_wait3A_154 = tpu.memref_slice %arg9[%dma_wait3A_153] : memref<50176xf32, #tpu.memory_space<vmem_shared>> -> memref<50176xf32, #tpu.memory_space<vmem_shared>>
      tpu.wait_indirect_dma semaphore(%arg38 : memref<!tpu.dma_semaphore, #tpu.memory_space<semaphore_mem>>) src(%dma_wait3A_154 : memref<50176xf32, #tpu.memory_space<vmem_shared>>) dst(%arg17 : memref<6256xf32, #tpu.memory_space<vmem>>)
      %dma_wait3A_155 = arith.constant 0 : i32
      %dma_wait3A_156 = tpu.memref_slice %arg10[%dma_wait3A_155] : memref<50176xf32, #tpu.memory_space<vmem_shared>> -> memref<50176xf32, #tpu.memory_space<vmem_shared>>
      tpu.wait_indirect_dma semaphore(%arg38 : memref<!tpu.dma_semaphore, #tpu.memory_space<semaphore_mem>>) src(%dma_wait3A_156 : memref<50176xf32, #tpu.memory_space<vmem_shared>>) dst(%arg19 : memref<6256xf32, #tpu.memory_space<vmem>>)
      %dma_wait3A_157 = arith.constant 0 : i32
      %dma_wait3A_158 = tpu.memref_slice %arg11[%dma_wait3A_157] : memref<50176xf32, #tpu.memory_space<vmem_shared>> -> memref<50176xf32, #tpu.memory_space<vmem_shared>>
      tpu.wait_indirect_dma semaphore(%arg38 : memref<!tpu.dma_semaphore, #tpu.memory_space<semaphore_mem>>) src(%dma_wait3A_158 : memref<50176xf32, #tpu.memory_space<vmem_shared>>) dst(%arg21 : memref<6256xf32, #tpu.memory_space<vmem>>)
      %dma_wait3A_159 = arith.constant 0 : i32
      %dma_wait3A_160 = tpu.memref_slice %arg12[%dma_wait3A_159] : memref<50176xf32, #tpu.memory_space<vmem_shared>> -> memref<50176xf32, #tpu.memory_space<vmem_shared>>
      tpu.wait_indirect_dma semaphore(%arg38 : memref<!tpu.dma_semaphore, #tpu.memory_space<semaphore_mem>>) src(%dma_wait3A_160 : memref<50176xf32, #tpu.memory_space<vmem_shared>>) dst(%arg23 : memref<6256xf32, #tpu.memory_space<vmem>>)
      %dma_start3A_161 = arith.constant 0 : i32
      %dma_start3A_162 = tpu.memref_slice %arg13[%dma_start3A_161] : memref<50176xf32, #tpu.memory_space<vmem_shared>> -> memref<50176xf32, #tpu.memory_space<vmem_shared>>
      tpu.enqueue_indirect_dma source(%arg17 : memref<6256xf32, #tpu.memory_space<vmem>>) target(%dma_start3A_162 : memref<50176xf32, #tpu.memory_space<vmem_shared>>) offsets(%arg31 : memref<6256xi32, #tpu.memory_space<vmem>>) semaphore(%arg39 : memref<!tpu.dma_semaphore, #tpu.memory_space<semaphore_mem>>) {add = true}
      %dma_start3A_163 = arith.constant 0 : i32
      %dma_start3A_164 = tpu.memref_slice %arg14[%dma_start3A_163] : memref<50176xf32, #tpu.memory_space<vmem_shared>> -> memref<50176xf32, #tpu.memory_space<vmem_shared>>
      tpu.enqueue_indirect_dma source(%arg19 : memref<6256xf32, #tpu.memory_space<vmem>>) target(%dma_start3A_164 : memref<50176xf32, #tpu.memory_space<vmem_shared>>) offsets(%arg31 : memref<6256xi32, #tpu.memory_space<vmem>>) semaphore(%arg39 : memref<!tpu.dma_semaphore, #tpu.memory_space<semaphore_mem>>) {add = true}
      %dma_start3A_165 = arith.constant 0 : i32
      %dma_start3A_166 = tpu.memref_slice %arg15[%dma_start3A_165] : memref<50176xf32, #tpu.memory_space<vmem_shared>> -> memref<50176xf32, #tpu.memory_space<vmem_shared>>
      tpu.enqueue_indirect_dma source(%arg21 : memref<6256xf32, #tpu.memory_space<vmem>>) target(%dma_start3A_166 : memref<50176xf32, #tpu.memory_space<vmem_shared>>) offsets(%arg31 : memref<6256xi32, #tpu.memory_space<vmem>>) semaphore(%arg39 : memref<!tpu.dma_semaphore, #tpu.memory_space<semaphore_mem>>) {add = true}
      %dma_start3A_167 = arith.constant 0 : i32
      %dma_start3A_168 = tpu.memref_slice %arg16[%dma_start3A_167] : memref<50176xf32, #tpu.memory_space<vmem_shared>> -> memref<50176xf32, #tpu.memory_space<vmem_shared>>
      tpu.enqueue_indirect_dma source(%arg23 : memref<6256xf32, #tpu.memory_space<vmem>>) target(%dma_start3A_168 : memref<50176xf32, #tpu.memory_space<vmem_shared>>) offsets(%arg31 : memref<6256xi32, #tpu.memory_space<vmem>>) semaphore(%arg39 : memref<!tpu.dma_semaphore, #tpu.memory_space<semaphore_mem>>) {add = true}
      %mul3A_169 = arith.constant 2 : i32
      %mul3A_170 = arith.muli %scan3A_118, %mul3A_169 : i32
      %add3A_171 = arith.constant 1 : i32
      %add3A_172 = arith.addi %mul3A_170, %add3A_171 : i32
      %mul3A_173 = arith.constant 6256 : i32
      %mul3A_174 = arith.muli %add3A_172, %mul3A_173 : i32
      %add3A_175 = arith.addi %mul3A_63, %mul3A_174 : i32
      %multiple_of3A_176 = tpu.assume_multiple %add3A_175, 8 : i32
      %dma_wait3A_177 = tpu.memref_slice %arg3[%multiple_of3A_176] : memref<800768xi32, #tpu.memory_space<hbm>> -> memref<6256xi32, #tpu.memory_space<hbm>>
      %dma_wait3A_178 = tpu.memref_slice %arg3[%multiple_of3A_176] : memref<800768xi32, #tpu.memory_space<hbm>> -> memref<6256xi32, #tpu.memory_space<hbm>>
      tpu.wait_dma2 semaphore(%arg36 : memref<!tpu.dma_semaphore, #tpu.memory_space<semaphore_mem>>) src(%dma_wait3A_178 : memref<6256xi32, #tpu.memory_space<hbm>>) dst(%arg30 : memref<6256xi32, #tpu.memory_space<vmem>>)
      %dma_wait3A_179 = tpu.memref_slice %arg4[%multiple_of3A_176] : memref<800768xi32, #tpu.memory_space<hbm>> -> memref<6256xi32, #tpu.memory_space<hbm>>
      %dma_wait3A_180 = tpu.memref_slice %arg4[%multiple_of3A_176] : memref<800768xi32, #tpu.memory_space<hbm>> -> memref<6256xi32, #tpu.memory_space<hbm>>
      tpu.wait_dma2 semaphore(%arg36 : memref<!tpu.dma_semaphore, #tpu.memory_space<semaphore_mem>>) src(%dma_wait3A_180 : memref<6256xi32, #tpu.memory_space<hbm>>) dst(%arg32 : memref<6256xi32, #tpu.memory_space<vmem>>)
      %dma_start3A_181 = arith.constant 0 : i32
      %dma_start3A_182 = tpu.memref_slice %arg9[%dma_start3A_181] : memref<50176xf32, #tpu.memory_space<vmem_shared>> -> memref<50176xf32, #tpu.memory_space<vmem_shared>>
      tpu.enqueue_indirect_dma source(%dma_start3A_182 : memref<50176xf32, #tpu.memory_space<vmem_shared>>) target(%arg18 : memref<6256xf32, #tpu.memory_space<vmem>>) offsets(%arg30 : memref<6256xi32, #tpu.memory_space<vmem>>) semaphore(%arg38 : memref<!tpu.dma_semaphore, #tpu.memory_space<semaphore_mem>>)
      %dma_start3A_183 = arith.constant 0 : i32
      %dma_start3A_184 = tpu.memref_slice %arg10[%dma_start3A_183] : memref<50176xf32, #tpu.memory_space<vmem_shared>> -> memref<50176xf32, #tpu.memory_space<vmem_shared>>
      tpu.enqueue_indirect_dma source(%dma_start3A_184 : memref<50176xf32, #tpu.memory_space<vmem_shared>>) target(%arg20 : memref<6256xf32, #tpu.memory_space<vmem>>) offsets(%arg30 : memref<6256xi32, #tpu.memory_space<vmem>>) semaphore(%arg38 : memref<!tpu.dma_semaphore, #tpu.memory_space<semaphore_mem>>)
      %dma_start3A_185 = arith.constant 0 : i32
      %dma_start3A_186 = tpu.memref_slice %arg11[%dma_start3A_185] : memref<50176xf32, #tpu.memory_space<vmem_shared>> -> memref<50176xf32, #tpu.memory_space<vmem_shared>>
      tpu.enqueue_indirect_dma source(%dma_start3A_186 : memref<50176xf32, #tpu.memory_space<vmem_shared>>) target(%arg22 : memref<6256xf32, #tpu.memory_space<vmem>>) offsets(%arg30 : memref<6256xi32, #tpu.memory_space<vmem>>) semaphore(%arg38 : memref<!tpu.dma_semaphore, #tpu.memory_space<semaphore_mem>>)
      %dma_start3A_187 = arith.constant 0 : i32
      %dma_start3A_188 = tpu.memref_slice %arg12[%dma_start3A_187] : memref<50176xf32, #tpu.memory_space<vmem_shared>> -> memref<50176xf32, #tpu.memory_space<vmem_shared>>
      tpu.enqueue_indirect_dma source(%dma_start3A_188 : memref<50176xf32, #tpu.memory_space<vmem_shared>>) target(%arg24 : memref<6256xf32, #tpu.memory_space<vmem>>) offsets(%arg30 : memref<6256xi32, #tpu.memory_space<vmem>>) semaphore(%arg38 : memref<!tpu.dma_semaphore, #tpu.memory_space<semaphore_mem>>)
      %dma_wait3A_189 = arith.constant 0 : i32
      %dma_wait3A_190 = tpu.memref_slice %arg13[%dma_wait3A_189] : memref<50176xf32, #tpu.memory_space<vmem_shared>> -> memref<50176xf32, #tpu.memory_space<vmem_shared>>
      tpu.wait_indirect_dma semaphore(%arg39 : memref<!tpu.dma_semaphore, #tpu.memory_space<semaphore_mem>>) src(%arg17 : memref<6256xf32, #tpu.memory_space<vmem>>) dst(%dma_wait3A_190 : memref<50176xf32, #tpu.memory_space<vmem_shared>>)
      %dma_wait3A_191 = arith.constant 0 : i32
      %dma_wait3A_192 = tpu.memref_slice %arg14[%dma_wait3A_191] : memref<50176xf32, #tpu.memory_space<vmem_shared>> -> memref<50176xf32, #tpu.memory_space<vmem_shared>>
      tpu.wait_indirect_dma semaphore(%arg39 : memref<!tpu.dma_semaphore, #tpu.memory_space<semaphore_mem>>) src(%arg19 : memref<6256xf32, #tpu.memory_space<vmem>>) dst(%dma_wait3A_192 : memref<50176xf32, #tpu.memory_space<vmem_shared>>)
      %dma_wait3A_193 = arith.constant 0 : i32
      %dma_wait3A_194 = tpu.memref_slice %arg15[%dma_wait3A_193] : memref<50176xf32, #tpu.memory_space<vmem_shared>> -> memref<50176xf32, #tpu.memory_space<vmem_shared>>
      tpu.wait_indirect_dma semaphore(%arg39 : memref<!tpu.dma_semaphore, #tpu.memory_space<semaphore_mem>>) src(%arg21 : memref<6256xf32, #tpu.memory_space<vmem>>) dst(%dma_wait3A_194 : memref<50176xf32, #tpu.memory_space<vmem_shared>>)
      %dma_wait3A_195 = arith.constant 0 : i32
      %dma_wait3A_196 = tpu.memref_slice %arg16[%dma_wait3A_195] : memref<50176xf32, #tpu.memory_space<vmem_shared>> -> memref<50176xf32, #tpu.memory_space<vmem_shared>>
      tpu.wait_indirect_dma semaphore(%arg39 : memref<!tpu.dma_semaphore, #tpu.memory_space<semaphore_mem>>) src(%arg23 : memref<6256xf32, #tpu.memory_space<vmem>>) dst(%dma_wait3A_196 : memref<50176xf32, #tpu.memory_space<vmem_shared>>)
      %add3A_197 = arith.constant 1 : i32
      %add3A_198 = arith.addi %scan3A_118, %add3A_197 : i32
      %lt3A = arith.constant 2 : i32
      %lt3A_199 = arith.cmpi slt, %add3A_198, %lt3A : i32
      %convert_element_type3A_200 = arith.extui %lt3A_199 : i1 to i32
      %cond3A_201 = arith.constant 0 : i32
      %cond3A_202 = arith.cmpi ne, %convert_element_type3A_200, %cond3A_201 : i32
      scf.if %cond3A_202 {
        %add3A_219 = arith.constant 1 : i32
        %add3A_220 = arith.addi %add3A_172, %add3A_219 : i32
        %mul3A_221 = arith.constant 6256 : i32
        %mul3A_222 = arith.muli %add3A_220, %mul3A_221 : i32
        %add3A_223 = arith.addi %mul3A_63, %mul3A_222 : i32
        %multiple_of3A_224 = tpu.assume_multiple %add3A_223, 8 : i32
        %dma_start3A_225 = tpu.memref_slice %arg3[%multiple_of3A_224] : memref<800768xi32, #tpu.memory_space<hbm>> -> memref<6256xi32, #tpu.memory_space<hbm>>
        %dma_start3A_226 = tpu.memref_slice %arg3[%multiple_of3A_224] : memref<800768xi32, #tpu.memory_space<hbm>> -> memref<6256xi32, #tpu.memory_space<hbm>>
        tpu.enqueue_dma source(%dma_start3A_226 : memref<6256xi32, #tpu.memory_space<hbm>>) target(%arg29 : memref<6256xi32, #tpu.memory_space<vmem>>) target_semaphore(%arg36 : memref<!tpu.dma_semaphore, #tpu.memory_space<semaphore_mem>>)
        %dma_start3A_227 = tpu.memref_slice %arg4[%multiple_of3A_224] : memref<800768xi32, #tpu.memory_space<hbm>> -> memref<6256xi32, #tpu.memory_space<hbm>>
        %dma_start3A_228 = tpu.memref_slice %arg4[%multiple_of3A_224] : memref<800768xi32, #tpu.memory_space<hbm>> -> memref<6256xi32, #tpu.memory_space<hbm>>
        tpu.enqueue_dma source(%dma_start3A_228 : memref<6256xi32, #tpu.memory_space<hbm>>) target(%arg31 : memref<6256xi32, #tpu.memory_space<vmem>>) target_semaphore(%arg36 : memref<!tpu.dma_semaphore, #tpu.memory_space<semaphore_mem>>)
      } else {
      }
      %dma_wait3A_203 = arith.constant 0 : i32
      %dma_wait3A_204 = tpu.memref_slice %arg9[%dma_wait3A_203] : memref<50176xf32, #tpu.memory_space<vmem_shared>> -> memref<50176xf32, #tpu.memory_space<vmem_shared>>
      tpu.wait_indirect_dma semaphore(%arg38 : memref<!tpu.dma_semaphore, #tpu.memory_space<semaphore_mem>>) src(%dma_wait3A_204 : memref<50176xf32, #tpu.memory_space<vmem_shared>>) dst(%arg18 : memref<6256xf32, #tpu.memory_space<vmem>>)
      %dma_wait3A_205 = arith.constant 0 : i32
      %dma_wait3A_206 = tpu.memref_slice %arg10[%dma_wait3A_205] : memref<50176xf32, #tpu.memory_space<vmem_shared>> -> memref<50176xf32, #tpu.memory_space<vmem_shared>>
      tpu.wait_indirect_dma semaphore(%arg38 : memref<!tpu.dma_semaphore, #tpu.memory_space<semaphore_mem>>) src(%dma_wait3A_206 : memref<50176xf32, #tpu.memory_space<vmem_shared>>) dst(%arg20 : memref<6256xf32, #tpu.memory_space<vmem>>)
      %dma_wait3A_207 = arith.constant 0 : i32
      %dma_wait3A_208 = tpu.memref_slice %arg11[%dma_wait3A_207] : memref<50176xf32, #tpu.memory_space<vmem_shared>> -> memref<50176xf32, #tpu.memory_space<vmem_shared>>
      tpu.wait_indirect_dma semaphore(%arg38 : memref<!tpu.dma_semaphore, #tpu.memory_space<semaphore_mem>>) src(%dma_wait3A_208 : memref<50176xf32, #tpu.memory_space<vmem_shared>>) dst(%arg22 : memref<6256xf32, #tpu.memory_space<vmem>>)
      %dma_wait3A_209 = arith.constant 0 : i32
      %dma_wait3A_210 = tpu.memref_slice %arg12[%dma_wait3A_209] : memref<50176xf32, #tpu.memory_space<vmem_shared>> -> memref<50176xf32, #tpu.memory_space<vmem_shared>>
      tpu.wait_indirect_dma semaphore(%arg38 : memref<!tpu.dma_semaphore, #tpu.memory_space<semaphore_mem>>) src(%dma_wait3A_210 : memref<50176xf32, #tpu.memory_space<vmem_shared>>) dst(%arg24 : memref<6256xf32, #tpu.memory_space<vmem>>)
      %dma_start3A_211 = arith.constant 0 : i32
      %dma_start3A_212 = tpu.memref_slice %arg13[%dma_start3A_211] : memref<50176xf32, #tpu.memory_space<vmem_shared>> -> memref<50176xf32, #tpu.memory_space<vmem_shared>>
      tpu.enqueue_indirect_dma source(%arg18 : memref<6256xf32, #tpu.memory_space<vmem>>) target(%dma_start3A_212 : memref<50176xf32, #tpu.memory_space<vmem_shared>>) offsets(%arg32 : memref<6256xi32, #tpu.memory_space<vmem>>) semaphore(%arg39 : memref<!tpu.dma_semaphore, #tpu.memory_space<semaphore_mem>>) {add = true}
      %dma_start3A_213 = arith.constant 0 : i32
      %dma_start3A_214 = tpu.memref_slice %arg14[%dma_start3A_213] : memref<50176xf32, #tpu.memory_space<vmem_shared>> -> memref<50176xf32, #tpu.memory_space<vmem_shared>>
      tpu.enqueue_indirect_dma source(%arg20 : memref<6256xf32, #tpu.memory_space<vmem>>) target(%dma_start3A_214 : memref<50176xf32, #tpu.memory_space<vmem_shared>>) offsets(%arg32 : memref<6256xi32, #tpu.memory_space<vmem>>) semaphore(%arg39 : memref<!tpu.dma_semaphore, #tpu.memory_space<semaphore_mem>>) {add = true}
      %dma_start3A_215 = arith.constant 0 : i32
      %dma_start3A_216 = tpu.memref_slice %arg15[%dma_start3A_215] : memref<50176xf32, #tpu.memory_space<vmem_shared>> -> memref<50176xf32, #tpu.memory_space<vmem_shared>>
      tpu.enqueue_indirect_dma source(%arg22 : memref<6256xf32, #tpu.memory_space<vmem>>) target(%dma_start3A_216 : memref<50176xf32, #tpu.memory_space<vmem_shared>>) offsets(%arg32 : memref<6256xi32, #tpu.memory_space<vmem>>) semaphore(%arg39 : memref<!tpu.dma_semaphore, #tpu.memory_space<semaphore_mem>>) {add = true}
      %dma_start3A_217 = arith.constant 0 : i32
      %dma_start3A_218 = tpu.memref_slice %arg16[%dma_start3A_217] : memref<50176xf32, #tpu.memory_space<vmem_shared>> -> memref<50176xf32, #tpu.memory_space<vmem_shared>>
      tpu.enqueue_indirect_dma source(%arg24 : memref<6256xf32, #tpu.memory_space<vmem>>) target(%dma_start3A_218 : memref<50176xf32, #tpu.memory_space<vmem_shared>>) offsets(%arg32 : memref<6256xi32, #tpu.memory_space<vmem>>) semaphore(%arg39 : memref<!tpu.dma_semaphore, #tpu.memory_space<semaphore_mem>>) {add = true}
    }
    %scan3A_76 = arith.constant 2 : i32
    %dma_wait3A_77 = arith.constant 0 : i32
    %dma_wait3A_78 = tpu.memref_slice %arg13[%dma_wait3A_77] : memref<50176xf32, #tpu.memory_space<vmem_shared>> -> memref<50176xf32, #tpu.memory_space<vmem_shared>>
    tpu.wait_indirect_dma semaphore(%arg39 : memref<!tpu.dma_semaphore, #tpu.memory_space<semaphore_mem>>) src(%arg18 : memref<6256xf32, #tpu.memory_space<vmem>>) dst(%dma_wait3A_78 : memref<50176xf32, #tpu.memory_space<vmem_shared>>)
    %dma_wait3A_79 = arith.constant 0 : i32
    %dma_wait3A_80 = tpu.memref_slice %arg14[%dma_wait3A_79] : memref<50176xf32, #tpu.memory_space<vmem_shared>> -> memref<50176xf32, #tpu.memory_space<vmem_shared>>
    tpu.wait_indirect_dma semaphore(%arg39 : memref<!tpu.dma_semaphore, #tpu.memory_space<semaphore_mem>>) src(%arg20 : memref<6256xf32, #tpu.memory_space<vmem>>) dst(%dma_wait3A_80 : memref<50176xf32, #tpu.memory_space<vmem_shared>>)
    %dma_wait3A_81 = arith.constant 0 : i32
    %dma_wait3A_82 = tpu.memref_slice %arg15[%dma_wait3A_81] : memref<50176xf32, #tpu.memory_space<vmem_shared>> -> memref<50176xf32, #tpu.memory_space<vmem_shared>>
    tpu.wait_indirect_dma semaphore(%arg39 : memref<!tpu.dma_semaphore, #tpu.memory_space<semaphore_mem>>) src(%arg22 : memref<6256xf32, #tpu.memory_space<vmem>>) dst(%dma_wait3A_82 : memref<50176xf32, #tpu.memory_space<vmem_shared>>)
    %dma_wait3A_83 = arith.constant 0 : i32
    %dma_wait3A_84 = tpu.memref_slice %arg16[%dma_wait3A_83] : memref<50176xf32, #tpu.memory_space<vmem_shared>> -> memref<50176xf32, #tpu.memory_space<vmem_shared>>
    tpu.wait_indirect_dma semaphore(%arg39 : memref<!tpu.dma_semaphore, #tpu.memory_space<semaphore_mem>>) src(%arg24 : memref<6256xf32, #tpu.memory_space<vmem>>) dst(%dma_wait3A_84 : memref<50176xf32, #tpu.memory_space<vmem_shared>>)
    %barrier3A_85 = arith.constant 0 : index
    tpu.barrier barrier_id(%barrier3A_85)
    "tpu.region"() ({
      %run_scoped3A = tpu.sem_alloc : memref<!tpu.dma_semaphore, #tpu.memory_space<semaphore_mem>>
      %dma_start3A_118 = tpu.memref_slice %arg13[%multiple_of3A] : memref<50176xf32, #tpu.memory_space<vmem_shared>> -> memref<3136xf32, #tpu.memory_space<vmem_shared>>
      %dma_start3A_119 = tpu.memref_slice %arg13[%multiple_of3A] : memref<50176xf32, #tpu.memory_space<vmem_shared>> -> memref<3136xf32, #tpu.memory_space<vmem_shared>>
      tpu.enqueue_dma source(%dma_start3A_119 : memref<3136xf32, #tpu.memory_space<vmem_shared>>) target(%arg35 : memref<3136xf32, #tpu.memory_space<vmem>>) target_semaphore(%run_scoped3A : memref<!tpu.dma_semaphore, #tpu.memory_space<semaphore_mem>>)
      %dma_wait3A_120 = tpu.memref_slice %arg13[%multiple_of3A] : memref<50176xf32, #tpu.memory_space<vmem_shared>> -> memref<3136xf32, #tpu.memory_space<vmem_shared>>
      %dma_wait3A_121 = tpu.memref_slice %arg13[%multiple_of3A] : memref<50176xf32, #tpu.memory_space<vmem_shared>> -> memref<3136xf32, #tpu.memory_space<vmem_shared>>
      tpu.wait_dma2 semaphore(%run_scoped3A : memref<!tpu.dma_semaphore, #tpu.memory_space<semaphore_mem>>) src(%dma_wait3A_121 : memref<3136xf32, #tpu.memory_space<vmem_shared>>) dst(%arg35 : memref<3136xf32, #tpu.memory_space<vmem>>)
      tpu.yield
    }) : () -> ()
    %mul3A_86 = arith.constant 4 : i32
    %mul3A_87 = arith.muli %arg0, %mul3A_86 : i32
    %add3A_88 = arith.constant 0 : i32
    %add3A_89 = arith.addi %mul3A_87, %add3A_88 : i32
    %mul3A_90 = arith.constant 50176 : i32
    %mul3A_91 = arith.muli %add3A_89, %mul3A_90 : i32
    %add3A_92 = arith.addi %mul3A_91, %multiple_of3A : i32
    %multiple_of3A_93 = tpu.assume_multiple %add3A_92, 8 : i32
    "tpu.region"() ({
      %run_scoped3A = tpu.sem_alloc : memref<!tpu.dma_semaphore, #tpu.memory_space<semaphore_mem>>
      %dma_start3A_118 = tpu.memref_slice %arg6[%multiple_of3A_93] : memref<401408xf32, #tpu.memory_space<hbm>> -> memref<3136xf32, #tpu.memory_space<hbm>>
      %dma_start3A_119 = tpu.memref_slice %arg6[%multiple_of3A_93] : memref<401408xf32, #tpu.memory_space<hbm>> -> memref<3136xf32, #tpu.memory_space<hbm>>
      tpu.enqueue_dma source(%arg35 : memref<3136xf32, #tpu.memory_space<vmem>>) target(%dma_start3A_119 : memref<3136xf32, #tpu.memory_space<hbm>>) target_semaphore(%run_scoped3A : memref<!tpu.dma_semaphore, #tpu.memory_space<semaphore_mem>>)
      %dma_wait3A_120 = tpu.memref_slice %arg6[%multiple_of3A_93] : memref<401408xf32, #tpu.memory_space<hbm>> -> memref<3136xf32, #tpu.memory_space<hbm>>
      %dma_wait3A_121 = tpu.memref_slice %arg6[%multiple_of3A_93] : memref<401408xf32, #tpu.memory_space<hbm>> -> memref<3136xf32, #tpu.memory_space<hbm>>
      tpu.wait_dma2 semaphore(%run_scoped3A : memref<!tpu.dma_semaphore, #tpu.memory_space<semaphore_mem>>) src(%arg35 : memref<3136xf32, #tpu.memory_space<vmem>>) dst(%dma_wait3A_121 : memref<3136xf32, #tpu.memory_space<hbm>>)
      tpu.yield
    }) : () -> ()
    "tpu.region"() ({
      %run_scoped3A = tpu.sem_alloc : memref<!tpu.dma_semaphore, #tpu.memory_space<semaphore_mem>>
      %dma_start3A_118 = tpu.memref_slice %arg14[%multiple_of3A] : memref<50176xf32, #tpu.memory_space<vmem_shared>> -> memref<3136xf32, #tpu.memory_space<vmem_shared>>
      %dma_start3A_119 = tpu.memref_slice %arg14[%multiple_of3A] : memref<50176xf32, #tpu.memory_space<vmem_shared>> -> memref<3136xf32, #tpu.memory_space<vmem_shared>>
      tpu.enqueue_dma source(%dma_start3A_119 : memref<3136xf32, #tpu.memory_space<vmem_shared>>) target(%arg35 : memref<3136xf32, #tpu.memory_space<vmem>>) target_semaphore(%run_scoped3A : memref<!tpu.dma_semaphore, #tpu.memory_space<semaphore_mem>>)
      %dma_wait3A_120 = tpu.memref_slice %arg14[%multiple_of3A] : memref<50176xf32, #tpu.memory_space<vmem_shared>> -> memref<3136xf32, #tpu.memory_space<vmem_shared>>
      %dma_wait3A_121 = tpu.memref_slice %arg14[%multiple_of3A] : memref<50176xf32, #tpu.memory_space<vmem_shared>> -> memref<3136xf32, #tpu.memory_space<vmem_shared>>
      tpu.wait_dma2 semaphore(%run_scoped3A : memref<!tpu.dma_semaphore, #tpu.memory_space<semaphore_mem>>) src(%dma_wait3A_121 : memref<3136xf32, #tpu.memory_space<vmem_shared>>) dst(%arg35 : memref<3136xf32, #tpu.memory_space<vmem>>)
      tpu.yield
    }) : () -> ()
    %mul3A_94 = arith.constant 4 : i32
    %mul3A_95 = arith.muli %arg0, %mul3A_94 : i32
    %add3A_96 = arith.constant 1 : i32
    %add3A_97 = arith.addi %mul3A_95, %add3A_96 : i32
    %mul3A_98 = arith.constant 50176 : i32
    %mul3A_99 = arith.muli %add3A_97, %mul3A_98 : i32
    %add3A_100 = arith.addi %mul3A_99, %multiple_of3A : i32
    %multiple_of3A_101 = tpu.assume_multiple %add3A_100, 8 : i32
    "tpu.region"() ({
      %run_scoped3A = tpu.sem_alloc : memref<!tpu.dma_semaphore, #tpu.memory_space<semaphore_mem>>
      %dma_start3A_118 = tpu.memref_slice %arg6[%multiple_of3A_101] : memref<401408xf32, #tpu.memory_space<hbm>> -> memref<3136xf32, #tpu.memory_space<hbm>>
      %dma_start3A_119 = tpu.memref_slice %arg6[%multiple_of3A_101] : memref<401408xf32, #tpu.memory_space<hbm>> -> memref<3136xf32, #tpu.memory_space<hbm>>
      tpu.enqueue_dma source(%arg35 : memref<3136xf32, #tpu.memory_space<vmem>>) target(%dma_start3A_119 : memref<3136xf32, #tpu.memory_space<hbm>>) target_semaphore(%run_scoped3A : memref<!tpu.dma_semaphore, #tpu.memory_space<semaphore_mem>>)
      %dma_wait3A_120 = tpu.memref_slice %arg6[%multiple_of3A_101] : memref<401408xf32, #tpu.memory_space<hbm>> -> memref<3136xf32, #tpu.memory_space<hbm>>
      %dma_wait3A_121 = tpu.memref_slice %arg6[%multiple_of3A_101] : memref<401408xf32, #tpu.memory_space<hbm>> -> memref<3136xf32, #tpu.memory_space<hbm>>
      tpu.wait_dma2 semaphore(%run_scoped3A : memref<!tpu.dma_semaphore, #tpu.memory_space<semaphore_mem>>) src(%arg35 : memref<3136xf32, #tpu.memory_space<vmem>>) dst(%dma_wait3A_121 : memref<3136xf32, #tpu.memory_space<hbm>>)
      tpu.yield
    }) : () -> ()
    "tpu.region"() ({
      %run_scoped3A = tpu.sem_alloc : memref<!tpu.dma_semaphore, #tpu.memory_space<semaphore_mem>>
      %dma_start3A_118 = tpu.memref_slice %arg15[%multiple_of3A] : memref<50176xf32, #tpu.memory_space<vmem_shared>> -> memref<3136xf32, #tpu.memory_space<vmem_shared>>
      %dma_start3A_119 = tpu.memref_slice %arg15[%multiple_of3A] : memref<50176xf32, #tpu.memory_space<vmem_shared>> -> memref<3136xf32, #tpu.memory_space<vmem_shared>>
      tpu.enqueue_dma source(%dma_start3A_119 : memref<3136xf32, #tpu.memory_space<vmem_shared>>) target(%arg35 : memref<3136xf32, #tpu.memory_space<vmem>>) target_semaphore(%run_scoped3A : memref<!tpu.dma_semaphore, #tpu.memory_space<semaphore_mem>>)
      %dma_wait3A_120 = tpu.memref_slice %arg15[%multiple_of3A] : memref<50176xf32, #tpu.memory_space<vmem_shared>> -> memref<3136xf32, #tpu.memory_space<vmem_shared>>
      %dma_wait3A_121 = tpu.memref_slice %arg15[%multiple_of3A] : memref<50176xf32, #tpu.memory_space<vmem_shared>> -> memref<3136xf32, #tpu.memory_space<vmem_shared>>
      tpu.wait_dma2 semaphore(%run_scoped3A : memref<!tpu.dma_semaphore, #tpu.memory_space<semaphore_mem>>) src(%dma_wait3A_121 : memref<3136xf32, #tpu.memory_space<vmem_shared>>) dst(%arg35 : memref<3136xf32, #tpu.memory_space<vmem>>)
      tpu.yield
    }) : () -> ()
    %mul3A_102 = arith.constant 4 : i32
    %mul3A_103 = arith.muli %arg0, %mul3A_102 : i32
    %add3A_104 = arith.constant 2 : i32
    %add3A_105 = arith.addi %mul3A_103, %add3A_104 : i32
    %mul3A_106 = arith.constant 50176 : i32
    %mul3A_107 = arith.muli %add3A_105, %mul3A_106 : i32
    %add3A_108 = arith.addi %mul3A_107, %multiple_of3A : i32
    %multiple_of3A_109 = tpu.assume_multiple %add3A_108, 8 : i32
    "tpu.region"() ({
      %run_scoped3A = tpu.sem_alloc : memref<!tpu.dma_semaphore, #tpu.memory_space<semaphore_mem>>
      %dma_start3A_118 = tpu.memref_slice %arg6[%multiple_of3A_109] : memref<401408xf32, #tpu.memory_space<hbm>> -> memref<3136xf32, #tpu.memory_space<hbm>>
      %dma_start3A_119 = tpu.memref_slice %arg6[%multiple_of3A_109] : memref<401408xf32, #tpu.memory_space<hbm>> -> memref<3136xf32, #tpu.memory_space<hbm>>
      tpu.enqueue_dma source(%arg35 : memref<3136xf32, #tpu.memory_space<vmem>>) target(%dma_start3A_119 : memref<3136xf32, #tpu.memory_space<hbm>>) target_semaphore(%run_scoped3A : memref<!tpu.dma_semaphore, #tpu.memory_space<semaphore_mem>>)
      %dma_wait3A_120 = tpu.memref_slice %arg6[%multiple_of3A_109] : memref<401408xf32, #tpu.memory_space<hbm>> -> memref<3136xf32, #tpu.memory_space<hbm>>
      %dma_wait3A_121 = tpu.memref_slice %arg6[%multiple_of3A_109] : memref<401408xf32, #tpu.memory_space<hbm>> -> memref<3136xf32, #tpu.memory_space<hbm>>
      tpu.wait_dma2 semaphore(%run_scoped3A : memref<!tpu.dma_semaphore, #tpu.memory_space<semaphore_mem>>) src(%arg35 : memref<3136xf32, #tpu.memory_space<vmem>>) dst(%dma_wait3A_121 : memref<3136xf32, #tpu.memory_space<hbm>>)
      tpu.yield
    }) : () -> ()
    "tpu.region"() ({
      %run_scoped3A = tpu.sem_alloc : memref<!tpu.dma_semaphore, #tpu.memory_space<semaphore_mem>>
      %dma_start3A_118 = tpu.memref_slice %arg16[%multiple_of3A] : memref<50176xf32, #tpu.memory_space<vmem_shared>> -> memref<3136xf32, #tpu.memory_space<vmem_shared>>
      %dma_start3A_119 = tpu.memref_slice %arg16[%multiple_of3A] : memref<50176xf32, #tpu.memory_space<vmem_shared>> -> memref<3136xf32, #tpu.memory_space<vmem_shared>>
      tpu.enqueue_dma source(%dma_start3A_119 : memref<3136xf32, #tpu.memory_space<vmem_shared>>) target(%arg35 : memref<3136xf32, #tpu.memory_space<vmem>>) target_semaphore(%run_scoped3A : memref<!tpu.dma_semaphore, #tpu.memory_space<semaphore_mem>>)
      %dma_wait3A_120 = tpu.memref_slice %arg16[%multiple_of3A] : memref<50176xf32, #tpu.memory_space<vmem_shared>> -> memref<3136xf32, #tpu.memory_space<vmem_shared>>
      %dma_wait3A_121 = tpu.memref_slice %arg16[%multiple_of3A] : memref<50176xf32, #tpu.memory_space<vmem_shared>> -> memref<3136xf32, #tpu.memory_space<vmem_shared>>
      tpu.wait_dma2 semaphore(%run_scoped3A : memref<!tpu.dma_semaphore, #tpu.memory_space<semaphore_mem>>) src(%dma_wait3A_121 : memref<3136xf32, #tpu.memory_space<vmem_shared>>) dst(%arg35 : memref<3136xf32, #tpu.memory_space<vmem>>)
      tpu.yield
    }) : () -> ()
    %mul3A_110 = arith.constant 4 : i32
    %mul3A_111 = arith.muli %arg0, %mul3A_110 : i32
    %add3A_112 = arith.constant 3 : i32
    %add3A_113 = arith.addi %mul3A_111, %add3A_112 : i32
    %mul3A_114 = arith.constant 50176 : i32
    %mul3A_115 = arith.muli %add3A_113, %mul3A_114 : i32
    %add3A_116 = arith.addi %mul3A_115, %multiple_of3A : i32
    %multiple_of3A_117 = tpu.assume_multiple %add3A_116, 8 : i32
    "tpu.region"() ({
      %run_scoped3A = tpu.sem_alloc : memref<!tpu.dma_semaphore, #tpu.memory_space<semaphore_mem>>
      %dma_start3A_118 = tpu.memref_slice %arg6[%multiple_of3A_117] : memref<401408xf32, #tpu.memory_space<hbm>> -> memref<3136xf32, #tpu.memory_space<hbm>>
      %dma_start3A_119 = tpu.memref_slice %arg6[%multiple_of3A_117] : memref<401408xf32, #tpu.memory_space<hbm>> -> memref<3136xf32, #tpu.memory_space<hbm>>
      tpu.enqueue_dma source(%arg35 : memref<3136xf32, #tpu.memory_space<vmem>>) target(%dma_start3A_119 : memref<3136xf32, #tpu.memory_space<hbm>>) target_semaphore(%run_scoped3A : memref<!tpu.dma_semaphore, #tpu.memory_space<semaphore_mem>>)
      %dma_wait3A_120 = tpu.memref_slice %arg6[%multiple_of3A_117] : memref<401408xf32, #tpu.memory_space<hbm>> -> memref<3136xf32, #tpu.memory_space<hbm>>
      %dma_wait3A_121 = tpu.memref_slice %arg6[%multiple_of3A_117] : memref<401408xf32, #tpu.memory_space<hbm>> -> memref<3136xf32, #tpu.memory_space<hbm>>
      tpu.wait_dma2 semaphore(%run_scoped3A : memref<!tpu.dma_semaphore, #tpu.memory_space<semaphore_mem>>) src(%arg35 : memref<3136xf32, #tpu.memory_space<vmem>>) dst(%dma_wait3A_121 : memref<3136xf32, #tpu.memory_space<hbm>>)
      tpu.yield
    }) : () -> ()
    return
  }
}

#map = affine_map<(d0, d1) -> (0)>
module attributes {stable_mosaic.version = 14 : i64} {
  func.func @edge2(%arg0: i32, %arg1: i32, %arg2: memref<200704xf32, #tpu.memory_space<hbm>>, %arg3: memref<800768xi32, #tpu.memory_space<hbm>>, %arg4: memref<800768xi32, #tpu.memory_space<hbm>>, %arg5: memref<401408xf32, #tpu.memory_space<hbm>>, %arg6: memref<50176xf32, #tpu.memory_space<vmem_shared>>, %arg7: memref<50176xf32, #tpu.memory_space<vmem_shared>>, %arg8: memref<50176xf32, #tpu.memory_space<vmem_shared>>, %arg9: memref<50176xf32, #tpu.memory_space<vmem_shared>>, %arg10: memref<50176xf32, #tpu.memory_space<vmem_shared>>, %arg11: memref<50176xf32, #tpu.memory_space<vmem_shared>>, %arg12: memref<50176xf32, #tpu.memory_space<vmem_shared>>, %arg13: memref<50176xf32, #tpu.memory_space<vmem_shared>>, %arg14: memref<6256xf32, #tpu.memory_space<vmem>>, %arg15: memref<6256xf32, #tpu.memory_space<vmem>>, %arg16: memref<6256xf32, #tpu.memory_space<vmem>>, %arg17: memref<6256xf32, #tpu.memory_space<vmem>>, %arg18: memref<6256xf32, #tpu.memory_space<vmem>>, %arg19: memref<6256xf32, #tpu.memory_space<vmem>>, %arg20: memref<6256xf32, #tpu.memory_space<vmem>>, %arg21: memref<6256xf32, #tpu.memory_space<vmem>>, %arg22: memref<6256xi32, #tpu.memory_space<vmem>>, %arg23: memref<6256xi32, #tpu.memory_space<vmem>>, %arg24: memref<6256xi32, #tpu.memory_space<vmem>>, %arg25: memref<6256xi32, #tpu.memory_space<vmem>>, %arg26: memref<3136xf32, #tpu.memory_space<vmem>>, %arg27: memref<!tpu.dma_semaphore, #tpu.memory_space<semaphore_mem>>, %arg28: memref<!tpu.dma_semaphore, #tpu.memory_space<semaphore_mem>>, %arg29: memref<!tpu.dma_semaphore, #tpu.memory_space<semaphore_mem>>) attributes {dimension_semantics = [#tpu.dimension_semantics<core_parallel>, #tpu.dimension_semantics<subcore_parallel>], iteration_bounds = array<i64: 2, 16>, scalar_prefetch = 0 : i64, scratch_operands = 24 : i64, tpu.core_type = #tpu.core_type<sc_vector_subcore>, window_params = [{transform_indices = #map}, {transform_indices = #map}, {transform_indices = #map}, {transform_indices = #map}]} {
    %mul3A = arith.constant 16 : i32
    %mul3A_0 = arith.muli %arg0, %mul3A : i32
    %add3A = arith.addi %mul3A_0, %arg1 : i32
    %mul3A_1 = arith.constant 3136 : i32
    %mul3A_2 = arith.muli %arg1, %mul3A_1 : i32
    %multiple_of3A = tpu.assume_multiple %mul3A_2, 8 : i32
    %broadcast_in_dim3A = arith.constant 0.000000e+00 : f32
    %broadcast_in_dim3A_3 = vector.broadcast %broadcast_in_dim3A : f32 to vector<16xf32>
    %scan3A = arith.constant 0 : i32
    %scan3A_4 = arith.constant 0 : i32
    %scan3A_5 = arith.constant 196 : i32
    %scan3A_6 = arith.addi %scan3A_4, %scan3A_5 : i32
    %scan3A_7 = arith.constant 1 : i32
    scf.for %scan3A_75 = %scan3A_4 to %scan3A_6 step %scan3A_7  : i32 {
      %mul3A_76 = arith.constant 16 : i32
      %mul3A_77 = arith.muli %scan3A_75, %mul3A_76 : i32
      %swap3A = arith.index_cast %mul3A_77 : i32 to index
      %swap3A_78 = tpu.vector_load %arg26[%swap3A] {strides = array<i32>} : memref<3136xf32, #tpu.memory_space<vmem>>, vector<16xf32>,
      %swap3A_79 = vector.shape_cast %swap3A_78 : vector<16xf32> to vector<16xf32>
      %swap3A_80 = vector.shape_cast %broadcast_in_dim3A_3 : vector<16xf32> to vector<16xf32>
      tpu.vector_store %arg26[%swap3A], %swap3A_80 {strides = array<i32>} : memref<3136xf32, #tpu.memory_space<vmem>>, vector<16xf32>,
    }
    %scan3A_8 = arith.constant 196 : i32
    "tpu.region"() ({
      %run_scoped3A = tpu.sem_alloc : memref<!tpu.dma_semaphore, #tpu.memory_space<semaphore_mem>>
      %dma_start3A_75 = tpu.memref_slice %arg10[%multiple_of3A] : memref<50176xf32, #tpu.memory_space<vmem_shared>> -> memref<3136xf32, #tpu.memory_space<vmem_shared>>
      %dma_start3A_76 = tpu.memref_slice %arg10[%multiple_of3A] : memref<50176xf32, #tpu.memory_space<vmem_shared>> -> memref<3136xf32, #tpu.memory_space<vmem_shared>>
      tpu.enqueue_dma source(%arg26 : memref<3136xf32, #tpu.memory_space<vmem>>) target(%dma_start3A_76 : memref<3136xf32, #tpu.memory_space<vmem_shared>>) target_semaphore(%run_scoped3A : memref<!tpu.dma_semaphore, #tpu.memory_space<semaphore_mem>>)
      %dma_wait3A_77 = tpu.memref_slice %arg10[%multiple_of3A] : memref<50176xf32, #tpu.memory_space<vmem_shared>> -> memref<3136xf32, #tpu.memory_space<vmem_shared>>
      %dma_wait3A_78 = tpu.memref_slice %arg10[%multiple_of3A] : memref<50176xf32, #tpu.memory_space<vmem_shared>> -> memref<3136xf32, #tpu.memory_space<vmem_shared>>
      tpu.wait_dma2 semaphore(%run_scoped3A : memref<!tpu.dma_semaphore, #tpu.memory_space<semaphore_mem>>) src(%arg26 : memref<3136xf32, #tpu.memory_space<vmem>>) dst(%dma_wait3A_78 : memref<3136xf32, #tpu.memory_space<vmem_shared>>)
      tpu.yield
    }) : () -> ()
    "tpu.region"() ({
      %run_scoped3A = tpu.sem_alloc : memref<!tpu.dma_semaphore, #tpu.memory_space<semaphore_mem>>
      %dma_start3A_75 = tpu.memref_slice %arg11[%multiple_of3A] : memref<50176xf32, #tpu.memory_space<vmem_shared>> -> memref<3136xf32, #tpu.memory_space<vmem_shared>>
      %dma_start3A_76 = tpu.memref_slice %arg11[%multiple_of3A] : memref<50176xf32, #tpu.memory_space<vmem_shared>> -> memref<3136xf32, #tpu.memory_space<vmem_shared>>
      tpu.enqueue_dma source(%arg26 : memref<3136xf32, #tpu.memory_space<vmem>>) target(%dma_start3A_76 : memref<3136xf32, #tpu.memory_space<vmem_shared>>) target_semaphore(%run_scoped3A : memref<!tpu.dma_semaphore, #tpu.memory_space<semaphore_mem>>)
      %dma_wait3A_77 = tpu.memref_slice %arg11[%multiple_of3A] : memref<50176xf32, #tpu.memory_space<vmem_shared>> -> memref<3136xf32, #tpu.memory_space<vmem_shared>>
      %dma_wait3A_78 = tpu.memref_slice %arg11[%multiple_of3A] : memref<50176xf32, #tpu.memory_space<vmem_shared>> -> memref<3136xf32, #tpu.memory_space<vmem_shared>>
      tpu.wait_dma2 semaphore(%run_scoped3A : memref<!tpu.dma_semaphore, #tpu.memory_space<semaphore_mem>>) src(%arg26 : memref<3136xf32, #tpu.memory_space<vmem>>) dst(%dma_wait3A_78 : memref<3136xf32, #tpu.memory_space<vmem_shared>>)
      tpu.yield
    }) : () -> ()
    "tpu.region"() ({
      %run_scoped3A = tpu.sem_alloc : memref<!tpu.dma_semaphore, #tpu.memory_space<semaphore_mem>>
      %dma_start3A_75 = tpu.memref_slice %arg12[%multiple_of3A] : memref<50176xf32, #tpu.memory_space<vmem_shared>> -> memref<3136xf32, #tpu.memory_space<vmem_shared>>
      %dma_start3A_76 = tpu.memref_slice %arg12[%multiple_of3A] : memref<50176xf32, #tpu.memory_space<vmem_shared>> -> memref<3136xf32, #tpu.memory_space<vmem_shared>>
      tpu.enqueue_dma source(%arg26 : memref<3136xf32, #tpu.memory_space<vmem>>) target(%dma_start3A_76 : memref<3136xf32, #tpu.memory_space<vmem_shared>>) target_semaphore(%run_scoped3A : memref<!tpu.dma_semaphore, #tpu.memory_space<semaphore_mem>>)
      %dma_wait3A_77 = tpu.memref_slice %arg12[%multiple_of3A] : memref<50176xf32, #tpu.memory_space<vmem_shared>> -> memref<3136xf32, #tpu.memory_space<vmem_shared>>
      %dma_wait3A_78 = tpu.memref_slice %arg12[%multiple_of3A] : memref<50176xf32, #tpu.memory_space<vmem_shared>> -> memref<3136xf32, #tpu.memory_space<vmem_shared>>
      tpu.wait_dma2 semaphore(%run_scoped3A : memref<!tpu.dma_semaphore, #tpu.memory_space<semaphore_mem>>) src(%arg26 : memref<3136xf32, #tpu.memory_space<vmem>>) dst(%dma_wait3A_78 : memref<3136xf32, #tpu.memory_space<vmem_shared>>)
      tpu.yield
    }) : () -> ()
    "tpu.region"() ({
      %run_scoped3A = tpu.sem_alloc : memref<!tpu.dma_semaphore, #tpu.memory_space<semaphore_mem>>
      %dma_start3A_75 = tpu.memref_slice %arg13[%multiple_of3A] : memref<50176xf32, #tpu.memory_space<vmem_shared>> -> memref<3136xf32, #tpu.memory_space<vmem_shared>>
      %dma_start3A_76 = tpu.memref_slice %arg13[%multiple_of3A] : memref<50176xf32, #tpu.memory_space<vmem_shared>> -> memref<3136xf32, #tpu.memory_space<vmem_shared>>
      tpu.enqueue_dma source(%arg26 : memref<3136xf32, #tpu.memory_space<vmem>>) target(%dma_start3A_76 : memref<3136xf32, #tpu.memory_space<vmem_shared>>) target_semaphore(%run_scoped3A : memref<!tpu.dma_semaphore, #tpu.memory_space<semaphore_mem>>)
      %dma_wait3A_77 = tpu.memref_slice %arg13[%multiple_of3A] : memref<50176xf32, #tpu.memory_space<vmem_shared>> -> memref<3136xf32, #tpu.memory_space<vmem_shared>>
      %dma_wait3A_78 = tpu.memref_slice %arg13[%multiple_of3A] : memref<50176xf32, #tpu.memory_space<vmem_shared>> -> memref<3136xf32, #tpu.memory_space<vmem_shared>>
      tpu.wait_dma2 semaphore(%run_scoped3A : memref<!tpu.dma_semaphore, #tpu.memory_space<semaphore_mem>>) src(%arg26 : memref<3136xf32, #tpu.memory_space<vmem>>) dst(%dma_wait3A_78 : memref<3136xf32, #tpu.memory_space<vmem_shared>>)
      tpu.yield
    }) : () -> ()
    %add3A_9 = arith.constant 0 : i32
    %add3A_10 = arith.addi %add3A_9, %multiple_of3A : i32
    %multiple_of3A_11 = tpu.assume_multiple %add3A_10, 8 : i32
    "tpu.region"() ({
      %run_scoped3A = tpu.sem_alloc : memref<!tpu.dma_semaphore, #tpu.memory_space<semaphore_mem>>
      %dma_start3A_75 = tpu.memref_slice %arg2[%multiple_of3A_11] : memref<200704xf32, #tpu.memory_space<hbm>> -> memref<3136xf32, #tpu.memory_space<hbm>>
      %dma_start3A_76 = tpu.memref_slice %arg2[%multiple_of3A_11] : memref<200704xf32, #tpu.memory_space<hbm>> -> memref<3136xf32, #tpu.memory_space<hbm>>
      tpu.enqueue_dma source(%dma_start3A_76 : memref<3136xf32, #tpu.memory_space<hbm>>) target(%arg26 : memref<3136xf32, #tpu.memory_space<vmem>>) target_semaphore(%run_scoped3A : memref<!tpu.dma_semaphore, #tpu.memory_space<semaphore_mem>>)
      %dma_wait3A_77 = tpu.memref_slice %arg2[%multiple_of3A_11] : memref<200704xf32, #tpu.memory_space<hbm>> -> memref<3136xf32, #tpu.memory_space<hbm>>
      %dma_wait3A_78 = tpu.memref_slice %arg2[%multiple_of3A_11] : memref<200704xf32, #tpu.memory_space<hbm>> -> memref<3136xf32, #tpu.memory_space<hbm>>
      tpu.wait_dma2 semaphore(%run_scoped3A : memref<!tpu.dma_semaphore, #tpu.memory_space<semaphore_mem>>) src(%dma_wait3A_78 : memref<3136xf32, #tpu.memory_space<hbm>>) dst(%arg26 : memref<3136xf32, #tpu.memory_space<vmem>>)
      tpu.yield
    }) : () -> ()
    "tpu.region"() ({
      %run_scoped3A = tpu.sem_alloc : memref<!tpu.dma_semaphore, #tpu.memory_space<semaphore_mem>>
      %dma_start3A_75 = tpu.memref_slice %arg6[%multiple_of3A] : memref<50176xf32, #tpu.memory_space<vmem_shared>> -> memref<3136xf32, #tpu.memory_space<vmem_shared>>
      %dma_start3A_76 = tpu.memref_slice %arg6[%multiple_of3A] : memref<50176xf32, #tpu.memory_space<vmem_shared>> -> memref<3136xf32, #tpu.memory_space<vmem_shared>>
      tpu.enqueue_dma source(%arg26 : memref<3136xf32, #tpu.memory_space<vmem>>) target(%dma_start3A_76 : memref<3136xf32, #tpu.memory_space<vmem_shared>>) target_semaphore(%run_scoped3A : memref<!tpu.dma_semaphore, #tpu.memory_space<semaphore_mem>>)
      %dma_wait3A_77 = tpu.memref_slice %arg6[%multiple_of3A] : memref<50176xf32, #tpu.memory_space<vmem_shared>> -> memref<3136xf32, #tpu.memory_space<vmem_shared>>
      %dma_wait3A_78 = tpu.memref_slice %arg6[%multiple_of3A] : memref<50176xf32, #tpu.memory_space<vmem_shared>> -> memref<3136xf32, #tpu.memory_space<vmem_shared>>
      tpu.wait_dma2 semaphore(%run_scoped3A : memref<!tpu.dma_semaphore, #tpu.memory_space<semaphore_mem>>) src(%arg26 : memref<3136xf32, #tpu.memory_space<vmem>>) dst(%dma_wait3A_78 : memref<3136xf32, #tpu.memory_space<vmem_shared>>)
      tpu.yield
    }) : () -> ()
    %add3A_12 = arith.constant 50176 : i32
    %add3A_13 = arith.addi %add3A_12, %multiple_of3A : i32
    %multiple_of3A_14 = tpu.assume_multiple %add3A_13, 8 : i32
    "tpu.region"() ({
      %run_scoped3A = tpu.sem_alloc : memref<!tpu.dma_semaphore, #tpu.memory_space<semaphore_mem>>
      %dma_start3A_75 = tpu.memref_slice %arg2[%multiple_of3A_14] : memref<200704xf32, #tpu.memory_space<hbm>> -> memref<3136xf32, #tpu.memory_space<hbm>>
      %dma_start3A_76 = tpu.memref_slice %arg2[%multiple_of3A_14] : memref<200704xf32, #tpu.memory_space<hbm>> -> memref<3136xf32, #tpu.memory_space<hbm>>
      tpu.enqueue_dma source(%dma_start3A_76 : memref<3136xf32, #tpu.memory_space<hbm>>) target(%arg26 : memref<3136xf32, #tpu.memory_space<vmem>>) target_semaphore(%run_scoped3A : memref<!tpu.dma_semaphore, #tpu.memory_space<semaphore_mem>>)
      %dma_wait3A_77 = tpu.memref_slice %arg2[%multiple_of3A_14] : memref<200704xf32, #tpu.memory_space<hbm>> -> memref<3136xf32, #tpu.memory_space<hbm>>
      %dma_wait3A_78 = tpu.memref_slice %arg2[%multiple_of3A_14] : memref<200704xf32, #tpu.memory_space<hbm>> -> memref<3136xf32, #tpu.memory_space<hbm>>
      tpu.wait_dma2 semaphore(%run_scoped3A : memref<!tpu.dma_semaphore, #tpu.memory_space<semaphore_mem>>) src(%dma_wait3A_78 : memref<3136xf32, #tpu.memory_space<hbm>>) dst(%arg26 : memref<3136xf32, #tpu.memory_space<vmem>>)
      tpu.yield
    }) : () -> ()
    "tpu.region"() ({
      %run_scoped3A = tpu.sem_alloc : memref<!tpu.dma_semaphore, #tpu.memory_space<semaphore_mem>>
      %dma_start3A_75 = tpu.memref_slice %arg7[%multiple_of3A] : memref<50176xf32, #tpu.memory_space<vmem_shared>> -> memref<3136xf32, #tpu.memory_space<vmem_shared>>
      %dma_start3A_76 = tpu.memref_slice %arg7[%multiple_of3A] : memref<50176xf32, #tpu.memory_space<vmem_shared>> -> memref<3136xf32, #tpu.memory_space<vmem_shared>>
      tpu.enqueue_dma source(%arg26 : memref<3136xf32, #tpu.memory_space<vmem>>) target(%dma_start3A_76 : memref<3136xf32, #tpu.memory_space<vmem_shared>>) target_semaphore(%run_scoped3A : memref<!tpu.dma_semaphore, #tpu.memory_space<semaphore_mem>>)
      %dma_wait3A_77 = tpu.memref_slice %arg7[%multiple_of3A] : memref<50176xf32, #tpu.memory_space<vmem_shared>> -> memref<3136xf32, #tpu.memory_space<vmem_shared>>
      %dma_wait3A_78 = tpu.memref_slice %arg7[%multiple_of3A] : memref<50176xf32, #tpu.memory_space<vmem_shared>> -> memref<3136xf32, #tpu.memory_space<vmem_shared>>
      tpu.wait_dma2 semaphore(%run_scoped3A : memref<!tpu.dma_semaphore, #tpu.memory_space<semaphore_mem>>) src(%arg26 : memref<3136xf32, #tpu.memory_space<vmem>>) dst(%dma_wait3A_78 : memref<3136xf32, #tpu.memory_space<vmem_shared>>)
      tpu.yield
    }) : () -> ()
    %add3A_15 = arith.constant 100352 : i32
    %add3A_16 = arith.addi %add3A_15, %multiple_of3A : i32
    %multiple_of3A_17 = tpu.assume_multiple %add3A_16, 8 : i32
    "tpu.region"() ({
      %run_scoped3A = tpu.sem_alloc : memref<!tpu.dma_semaphore, #tpu.memory_space<semaphore_mem>>
      %dma_start3A_75 = tpu.memref_slice %arg2[%multiple_of3A_17] : memref<200704xf32, #tpu.memory_space<hbm>> -> memref<3136xf32, #tpu.memory_space<hbm>>
      %dma_start3A_76 = tpu.memref_slice %arg2[%multiple_of3A_17] : memref<200704xf32, #tpu.memory_space<hbm>> -> memref<3136xf32, #tpu.memory_space<hbm>>
      tpu.enqueue_dma source(%dma_start3A_76 : memref<3136xf32, #tpu.memory_space<hbm>>) target(%arg26 : memref<3136xf32, #tpu.memory_space<vmem>>) target_semaphore(%run_scoped3A : memref<!tpu.dma_semaphore, #tpu.memory_space<semaphore_mem>>)
      %dma_wait3A_77 = tpu.memref_slice %arg2[%multiple_of3A_17] : memref<200704xf32, #tpu.memory_space<hbm>> -> memref<3136xf32, #tpu.memory_space<hbm>>
      %dma_wait3A_78 = tpu.memref_slice %arg2[%multiple_of3A_17] : memref<200704xf32, #tpu.memory_space<hbm>> -> memref<3136xf32, #tpu.memory_space<hbm>>
      tpu.wait_dma2 semaphore(%run_scoped3A : memref<!tpu.dma_semaphore, #tpu.memory_space<semaphore_mem>>) src(%dma_wait3A_78 : memref<3136xf32, #tpu.memory_space<hbm>>) dst(%arg26 : memref<3136xf32, #tpu.memory_space<vmem>>)
      tpu.yield
    }) : () -> ()
    "tpu.region"() ({
      %run_scoped3A = tpu.sem_alloc : memref<!tpu.dma_semaphore, #tpu.memory_space<semaphore_mem>>
      %dma_start3A_75 = tpu.memref_slice %arg8[%multiple_of3A] : memref<50176xf32, #tpu.memory_space<vmem_shared>> -> memref<3136xf32, #tpu.memory_space<vmem_shared>>
      %dma_start3A_76 = tpu.memref_slice %arg8[%multiple_of3A] : memref<50176xf32, #tpu.memory_space<vmem_shared>> -> memref<3136xf32, #tpu.memory_space<vmem_shared>>
      tpu.enqueue_dma source(%arg26 : memref<3136xf32, #tpu.memory_space<vmem>>) target(%dma_start3A_76 : memref<3136xf32, #tpu.memory_space<vmem_shared>>) target_semaphore(%run_scoped3A : memref<!tpu.dma_semaphore, #tpu.memory_space<semaphore_mem>>)
      %dma_wait3A_77 = tpu.memref_slice %arg8[%multiple_of3A] : memref<50176xf32, #tpu.memory_space<vmem_shared>> -> memref<3136xf32, #tpu.memory_space<vmem_shared>>
      %dma_wait3A_78 = tpu.memref_slice %arg8[%multiple_of3A] : memref<50176xf32, #tpu.memory_space<vmem_shared>> -> memref<3136xf32, #tpu.memory_space<vmem_shared>>
      tpu.wait_dma2 semaphore(%run_scoped3A : memref<!tpu.dma_semaphore, #tpu.memory_space<semaphore_mem>>) src(%arg26 : memref<3136xf32, #tpu.memory_space<vmem>>) dst(%dma_wait3A_78 : memref<3136xf32, #tpu.memory_space<vmem_shared>>)
      tpu.yield
    }) : () -> ()
    %add3A_18 = arith.constant 150528 : i32
    %add3A_19 = arith.addi %add3A_18, %multiple_of3A : i32
    %multiple_of3A_20 = tpu.assume_multiple %add3A_19, 8 : i32
    "tpu.region"() ({
      %run_scoped3A = tpu.sem_alloc : memref<!tpu.dma_semaphore, #tpu.memory_space<semaphore_mem>>
      %dma_start3A_75 = tpu.memref_slice %arg2[%multiple_of3A_20] : memref<200704xf32, #tpu.memory_space<hbm>> -> memref<3136xf32, #tpu.memory_space<hbm>>
      %dma_start3A_76 = tpu.memref_slice %arg2[%multiple_of3A_20] : memref<200704xf32, #tpu.memory_space<hbm>> -> memref<3136xf32, #tpu.memory_space<hbm>>
      tpu.enqueue_dma source(%dma_start3A_76 : memref<3136xf32, #tpu.memory_space<hbm>>) target(%arg26 : memref<3136xf32, #tpu.memory_space<vmem>>) target_semaphore(%run_scoped3A : memref<!tpu.dma_semaphore, #tpu.memory_space<semaphore_mem>>)
      %dma_wait3A_77 = tpu.memref_slice %arg2[%multiple_of3A_20] : memref<200704xf32, #tpu.memory_space<hbm>> -> memref<3136xf32, #tpu.memory_space<hbm>>
      %dma_wait3A_78 = tpu.memref_slice %arg2[%multiple_of3A_20] : memref<200704xf32, #tpu.memory_space<hbm>> -> memref<3136xf32, #tpu.memory_space<hbm>>
      tpu.wait_dma2 semaphore(%run_scoped3A : memref<!tpu.dma_semaphore, #tpu.memory_space<semaphore_mem>>) src(%dma_wait3A_78 : memref<3136xf32, #tpu.memory_space<hbm>>) dst(%arg26 : memref<3136xf32, #tpu.memory_space<vmem>>)
      tpu.yield
    }) : () -> ()
    "tpu.region"() ({
      %run_scoped3A = tpu.sem_alloc : memref<!tpu.dma_semaphore, #tpu.memory_space<semaphore_mem>>
      %dma_start3A_75 = tpu.memref_slice %arg9[%multiple_of3A] : memref<50176xf32, #tpu.memory_space<vmem_shared>> -> memref<3136xf32, #tpu.memory_space<vmem_shared>>
      %dma_start3A_76 = tpu.memref_slice %arg9[%multiple_of3A] : memref<50176xf32, #tpu.memory_space<vmem_shared>> -> memref<3136xf32, #tpu.memory_space<vmem_shared>>
      tpu.enqueue_dma source(%arg26 : memref<3136xf32, #tpu.memory_space<vmem>>) target(%dma_start3A_76 : memref<3136xf32, #tpu.memory_space<vmem_shared>>) target_semaphore(%run_scoped3A : memref<!tpu.dma_semaphore, #tpu.memory_space<semaphore_mem>>)
      %dma_wait3A_77 = tpu.memref_slice %arg9[%multiple_of3A] : memref<50176xf32, #tpu.memory_space<vmem_shared>> -> memref<3136xf32, #tpu.memory_space<vmem_shared>>
      %dma_wait3A_78 = tpu.memref_slice %arg9[%multiple_of3A] : memref<50176xf32, #tpu.memory_space<vmem_shared>> -> memref<3136xf32, #tpu.memory_space<vmem_shared>>
      tpu.wait_dma2 semaphore(%run_scoped3A : memref<!tpu.dma_semaphore, #tpu.memory_space<semaphore_mem>>) src(%arg26 : memref<3136xf32, #tpu.memory_space<vmem>>) dst(%dma_wait3A_78 : memref<3136xf32, #tpu.memory_space<vmem_shared>>)
      tpu.yield
    }) : () -> ()
    %barrier3A = arith.constant 0 : index
    tpu.barrier barrier_id(%barrier3A)
    %mul3A_21 = arith.constant 25024 : i32
    %mul3A_22 = arith.muli %add3A, %mul3A_21 : i32
    %add3A_23 = arith.constant 0 : i32
    %add3A_24 = arith.addi %mul3A_22, %add3A_23 : i32
    %multiple_of3A_25 = tpu.assume_multiple %add3A_24, 8 : i32
    %dma_start3A = tpu.memref_slice %arg3[%multiple_of3A_25] : memref<800768xi32, #tpu.memory_space<hbm>> -> memref<6256xi32, #tpu.memory_space<hbm>>
    %dma_start3A_26 = tpu.memref_slice %arg3[%multiple_of3A_25] : memref<800768xi32, #tpu.memory_space<hbm>> -> memref<6256xi32, #tpu.memory_space<hbm>>
    tpu.enqueue_dma source(%dma_start3A_26 : memref<6256xi32, #tpu.memory_space<hbm>>) target(%arg22 : memref<6256xi32, #tpu.memory_space<vmem>>) target_semaphore(%arg27 : memref<!tpu.dma_semaphore, #tpu.memory_space<semaphore_mem>>)
    %dma_start3A_27 = tpu.memref_slice %arg4[%multiple_of3A_25] : memref<800768xi32, #tpu.memory_space<hbm>> -> memref<6256xi32, #tpu.memory_space<hbm>>
    %dma_start3A_28 = tpu.memref_slice %arg4[%multiple_of3A_25] : memref<800768xi32, #tpu.memory_space<hbm>> -> memref<6256xi32, #tpu.memory_space<hbm>>
    tpu.enqueue_dma source(%dma_start3A_28 : memref<6256xi32, #tpu.memory_space<hbm>>) target(%arg24 : memref<6256xi32, #tpu.memory_space<vmem>>) target_semaphore(%arg27 : memref<!tpu.dma_semaphore, #tpu.memory_space<semaphore_mem>>)
    %scan3A_29 = arith.constant 0 : i32
    %scan3A_30 = arith.constant 0 : i32
    %scan3A_31 = arith.constant 2 : i32
    %scan3A_32 = arith.addi %scan3A_30, %scan3A_31 : i32
    %scan3A_33 = arith.constant 1 : i32
    scf.for %scan3A_75 = %scan3A_30 to %scan3A_32 step %scan3A_33  : i32 {
      %mul3A_76 = arith.constant 2 : i32
      %mul3A_77 = arith.muli %scan3A_75, %mul3A_76 : i32
      %add3A_78 = arith.constant 0 : i32
      %add3A_79 = arith.addi %mul3A_77, %add3A_78 : i32
      %mul3A_80 = arith.constant 6256 : i32
      %mul3A_81 = arith.muli %add3A_79, %mul3A_80 : i32
      %add3A_82 = arith.addi %mul3A_22, %mul3A_81 : i32
      %multiple_of3A_83 = tpu.assume_multiple %add3A_82, 8 : i32
      %dma_wait3A_84 = tpu.memref_slice %arg3[%multiple_of3A_83] : memref<800768xi32, #tpu.memory_space<hbm>> -> memref<6256xi32, #tpu.memory_space<hbm>>
      %dma_wait3A_85 = tpu.memref_slice %arg3[%multiple_of3A_83] : memref<800768xi32, #tpu.memory_space<hbm>> -> memref<6256xi32, #tpu.memory_space<hbm>>
      tpu.wait_dma2 semaphore(%arg27 : memref<!tpu.dma_semaphore, #tpu.memory_space<semaphore_mem>>) src(%dma_wait3A_85 : memref<6256xi32, #tpu.memory_space<hbm>>) dst(%arg22 : memref<6256xi32, #tpu.memory_space<vmem>>)
      %dma_wait3A_86 = tpu.memref_slice %arg4[%multiple_of3A_83] : memref<800768xi32, #tpu.memory_space<hbm>> -> memref<6256xi32, #tpu.memory_space<hbm>>
      %dma_wait3A_87 = tpu.memref_slice %arg4[%multiple_of3A_83] : memref<800768xi32, #tpu.memory_space<hbm>> -> memref<6256xi32, #tpu.memory_space<hbm>>
      tpu.wait_dma2 semaphore(%arg27 : memref<!tpu.dma_semaphore, #tpu.memory_space<semaphore_mem>>) src(%dma_wait3A_87 : memref<6256xi32, #tpu.memory_space<hbm>>) dst(%arg24 : memref<6256xi32, #tpu.memory_space<vmem>>)
      %dma_start3A_88 = arith.constant 0 : i32
      %dma_start3A_89 = tpu.memref_slice %arg6[%dma_start3A_88] : memref<50176xf32, #tpu.memory_space<vmem_shared>> -> memref<50176xf32, #tpu.memory_space<vmem_shared>>
      tpu.enqueue_indirect_dma source(%dma_start3A_89 : memref<50176xf32, #tpu.memory_space<vmem_shared>>) target(%arg14 : memref<6256xf32, #tpu.memory_space<vmem>>) offsets(%arg22 : memref<6256xi32, #tpu.memory_space<vmem>>) semaphore(%arg28 : memref<!tpu.dma_semaphore, #tpu.memory_space<semaphore_mem>>)
      %dma_start3A_90 = arith.constant 0 : i32
      %dma_start3A_91 = tpu.memref_slice %arg7[%dma_start3A_90] : memref<50176xf32, #tpu.memory_space<vmem_shared>> -> memref<50176xf32, #tpu.memory_space<vmem_shared>>
      tpu.enqueue_indirect_dma source(%dma_start3A_91 : memref<50176xf32, #tpu.memory_space<vmem_shared>>) target(%arg16 : memref<6256xf32, #tpu.memory_space<vmem>>) offsets(%arg22 : memref<6256xi32, #tpu.memory_space<vmem>>) semaphore(%arg28 : memref<!tpu.dma_semaphore, #tpu.memory_space<semaphore_mem>>)
      %dma_start3A_92 = arith.constant 0 : i32
      %dma_start3A_93 = tpu.memref_slice %arg8[%dma_start3A_92] : memref<50176xf32, #tpu.memory_space<vmem_shared>> -> memref<50176xf32, #tpu.memory_space<vmem_shared>>
      tpu.enqueue_indirect_dma source(%dma_start3A_93 : memref<50176xf32, #tpu.memory_space<vmem_shared>>) target(%arg18 : memref<6256xf32, #tpu.memory_space<vmem>>) offsets(%arg22 : memref<6256xi32, #tpu.memory_space<vmem>>) semaphore(%arg28 : memref<!tpu.dma_semaphore, #tpu.memory_space<semaphore_mem>>)
      %dma_start3A_94 = arith.constant 0 : i32
      %dma_start3A_95 = tpu.memref_slice %arg9[%dma_start3A_94] : memref<50176xf32, #tpu.memory_space<vmem_shared>> -> memref<50176xf32, #tpu.memory_space<vmem_shared>>
      tpu.enqueue_indirect_dma source(%dma_start3A_95 : memref<50176xf32, #tpu.memory_space<vmem_shared>>) target(%arg20 : memref<6256xf32, #tpu.memory_space<vmem>>) offsets(%arg22 : memref<6256xi32, #tpu.memory_space<vmem>>) semaphore(%arg28 : memref<!tpu.dma_semaphore, #tpu.memory_space<semaphore_mem>>)
      %gt3A = arith.constant 0 : i32
      %gt3A_96 = arith.cmpi sgt, %scan3A_75, %gt3A : i32
      %convert_element_type3A = arith.extui %gt3A_96 : i1 to i32
      %cond3A = arith.constant 0 : i32
      %cond3A_97 = arith.cmpi ne, %convert_element_type3A, %cond3A : i32
      scf.if %cond3A_97 {
        %dma_wait3A_174 = arith.constant 0 : i32
        %dma_wait3A_175 = tpu.memref_slice %arg10[%dma_wait3A_174] : memref<50176xf32, #tpu.memory_space<vmem_shared>> -> memref<50176xf32, #tpu.memory_space<vmem_shared>>
        tpu.wait_indirect_dma semaphore(%arg29 : memref<!tpu.dma_semaphore, #tpu.memory_space<semaphore_mem>>) src(%arg15 : memref<6256xf32, #tpu.memory_space<vmem>>) dst(%dma_wait3A_175 : memref<50176xf32, #tpu.memory_space<vmem_shared>>)
        %dma_wait3A_176 = arith.constant 0 : i32
        %dma_wait3A_177 = tpu.memref_slice %arg11[%dma_wait3A_176] : memref<50176xf32, #tpu.memory_space<vmem_shared>> -> memref<50176xf32, #tpu.memory_space<vmem_shared>>
        tpu.wait_indirect_dma semaphore(%arg29 : memref<!tpu.dma_semaphore, #tpu.memory_space<semaphore_mem>>) src(%arg17 : memref<6256xf32, #tpu.memory_space<vmem>>) dst(%dma_wait3A_177 : memref<50176xf32, #tpu.memory_space<vmem_shared>>)
        %dma_wait3A_178 = arith.constant 0 : i32
        %dma_wait3A_179 = tpu.memref_slice %arg12[%dma_wait3A_178] : memref<50176xf32, #tpu.memory_space<vmem_shared>> -> memref<50176xf32, #tpu.memory_space<vmem_shared>>
        tpu.wait_indirect_dma semaphore(%arg29 : memref<!tpu.dma_semaphore, #tpu.memory_space<semaphore_mem>>) src(%arg19 : memref<6256xf32, #tpu.memory_space<vmem>>) dst(%dma_wait3A_179 : memref<50176xf32, #tpu.memory_space<vmem_shared>>)
        %dma_wait3A_180 = arith.constant 0 : i32
        %dma_wait3A_181 = tpu.memref_slice %arg13[%dma_wait3A_180] : memref<50176xf32, #tpu.memory_space<vmem_shared>> -> memref<50176xf32, #tpu.memory_space<vmem_shared>>
        tpu.wait_indirect_dma semaphore(%arg29 : memref<!tpu.dma_semaphore, #tpu.memory_space<semaphore_mem>>) src(%arg21 : memref<6256xf32, #tpu.memory_space<vmem>>) dst(%dma_wait3A_181 : memref<50176xf32, #tpu.memory_space<vmem_shared>>)
      } else {
      }
      %add3A_98 = arith.constant 1 : i32
      %add3A_99 = arith.addi %add3A_79, %add3A_98 : i32
      %mul3A_100 = arith.constant 6256 : i32
      %mul3A_101 = arith.muli %add3A_99, %mul3A_100 : i32
      %add3A_102 = arith.addi %mul3A_22, %mul3A_101 : i32
      %multiple_of3A_103 = tpu.assume_multiple %add3A_102, 8 : i32
      %dma_start3A_104 = tpu.memref_slice %arg3[%multiple_of3A_103] : memref<800768xi32, #tpu.memory_space<hbm>> -> memref<6256xi32, #tpu.memory_space<hbm>>
      %dma_start3A_105 = tpu.memref_slice %arg3[%multiple_of3A_103] : memref<800768xi32, #tpu.memory_space<hbm>> -> memref<6256xi32, #tpu.memory_space<hbm>>
      tpu.enqueue_dma source(%dma_start3A_105 : memref<6256xi32, #tpu.memory_space<hbm>>) target(%arg23 : memref<6256xi32, #tpu.memory_space<vmem>>) target_semaphore(%arg27 : memref<!tpu.dma_semaphore, #tpu.memory_space<semaphore_mem>>)
      %dma_start3A_106 = tpu.memref_slice %arg4[%multiple_of3A_103] : memref<800768xi32, #tpu.memory_space<hbm>> -> memref<6256xi32, #tpu.memory_space<hbm>>
      %dma_start3A_107 = tpu.memref_slice %arg4[%multiple_of3A_103] : memref<800768xi32, #tpu.memory_space<hbm>> -> memref<6256xi32, #tpu.memory_space<hbm>>
      tpu.enqueue_dma source(%dma_start3A_107 : memref<6256xi32, #tpu.memory_space<hbm>>) target(%arg25 : memref<6256xi32, #tpu.memory_space<vmem>>) target_semaphore(%arg27 : memref<!tpu.dma_semaphore, #tpu.memory_space<semaphore_mem>>)
      %dma_wait3A_108 = arith.constant 0 : i32
      %dma_wait3A_109 = tpu.memref_slice %arg6[%dma_wait3A_108] : memref<50176xf32, #tpu.memory_space<vmem_shared>> -> memref<50176xf32, #tpu.memory_space<vmem_shared>>
      tpu.wait_indirect_dma semaphore(%arg28 : memref<!tpu.dma_semaphore, #tpu.memory_space<semaphore_mem>>) src(%dma_wait3A_109 : memref<50176xf32, #tpu.memory_space<vmem_shared>>) dst(%arg14 : memref<6256xf32, #tpu.memory_space<vmem>>)
      %dma_wait3A_110 = arith.constant 0 : i32
      %dma_wait3A_111 = tpu.memref_slice %arg7[%dma_wait3A_110] : memref<50176xf32, #tpu.memory_space<vmem_shared>> -> memref<50176xf32, #tpu.memory_space<vmem_shared>>
      tpu.wait_indirect_dma semaphore(%arg28 : memref<!tpu.dma_semaphore, #tpu.memory_space<semaphore_mem>>) src(%dma_wait3A_111 : memref<50176xf32, #tpu.memory_space<vmem_shared>>) dst(%arg16 : memref<6256xf32, #tpu.memory_space<vmem>>)
      %dma_wait3A_112 = arith.constant 0 : i32
      %dma_wait3A_113 = tpu.memref_slice %arg8[%dma_wait3A_112] : memref<50176xf32, #tpu.memory_space<vmem_shared>> -> memref<50176xf32, #tpu.memory_space<vmem_shared>>
      tpu.wait_indirect_dma semaphore(%arg28 : memref<!tpu.dma_semaphore, #tpu.memory_space<semaphore_mem>>) src(%dma_wait3A_113 : memref<50176xf32, #tpu.memory_space<vmem_shared>>) dst(%arg18 : memref<6256xf32, #tpu.memory_space<vmem>>)
      %dma_wait3A_114 = arith.constant 0 : i32
      %dma_wait3A_115 = tpu.memref_slice %arg9[%dma_wait3A_114] : memref<50176xf32, #tpu.memory_space<vmem_shared>> -> memref<50176xf32, #tpu.memory_space<vmem_shared>>
      tpu.wait_indirect_dma semaphore(%arg28 : memref<!tpu.dma_semaphore, #tpu.memory_space<semaphore_mem>>) src(%dma_wait3A_115 : memref<50176xf32, #tpu.memory_space<vmem_shared>>) dst(%arg20 : memref<6256xf32, #tpu.memory_space<vmem>>)
      %dma_start3A_116 = arith.constant 0 : i32
      %dma_start3A_117 = tpu.memref_slice %arg10[%dma_start3A_116] : memref<50176xf32, #tpu.memory_space<vmem_shared>> -> memref<50176xf32, #tpu.memory_space<vmem_shared>>
      tpu.enqueue_indirect_dma source(%arg14 : memref<6256xf32, #tpu.memory_space<vmem>>) target(%dma_start3A_117 : memref<50176xf32, #tpu.memory_space<vmem_shared>>) offsets(%arg24 : memref<6256xi32, #tpu.memory_space<vmem>>) semaphore(%arg29 : memref<!tpu.dma_semaphore, #tpu.memory_space<semaphore_mem>>) {add = true}
      %dma_start3A_118 = arith.constant 0 : i32
      %dma_start3A_119 = tpu.memref_slice %arg11[%dma_start3A_118] : memref<50176xf32, #tpu.memory_space<vmem_shared>> -> memref<50176xf32, #tpu.memory_space<vmem_shared>>
      tpu.enqueue_indirect_dma source(%arg16 : memref<6256xf32, #tpu.memory_space<vmem>>) target(%dma_start3A_119 : memref<50176xf32, #tpu.memory_space<vmem_shared>>) offsets(%arg24 : memref<6256xi32, #tpu.memory_space<vmem>>) semaphore(%arg29 : memref<!tpu.dma_semaphore, #tpu.memory_space<semaphore_mem>>) {add = true}
      %dma_start3A_120 = arith.constant 0 : i32
      %dma_start3A_121 = tpu.memref_slice %arg12[%dma_start3A_120] : memref<50176xf32, #tpu.memory_space<vmem_shared>> -> memref<50176xf32, #tpu.memory_space<vmem_shared>>
      tpu.enqueue_indirect_dma source(%arg18 : memref<6256xf32, #tpu.memory_space<vmem>>) target(%dma_start3A_121 : memref<50176xf32, #tpu.memory_space<vmem_shared>>) offsets(%arg24 : memref<6256xi32, #tpu.memory_space<vmem>>) semaphore(%arg29 : memref<!tpu.dma_semaphore, #tpu.memory_space<semaphore_mem>>) {add = true}
      %dma_start3A_122 = arith.constant 0 : i32
      %dma_start3A_123 = tpu.memref_slice %arg13[%dma_start3A_122] : memref<50176xf32, #tpu.memory_space<vmem_shared>> -> memref<50176xf32, #tpu.memory_space<vmem_shared>>
      tpu.enqueue_indirect_dma source(%arg20 : memref<6256xf32, #tpu.memory_space<vmem>>) target(%dma_start3A_123 : memref<50176xf32, #tpu.memory_space<vmem_shared>>) offsets(%arg24 : memref<6256xi32, #tpu.memory_space<vmem>>) semaphore(%arg29 : memref<!tpu.dma_semaphore, #tpu.memory_space<semaphore_mem>>) {add = true}
      %mul3A_124 = arith.constant 2 : i32
      %mul3A_125 = arith.muli %scan3A_75, %mul3A_124 : i32
      %add3A_126 = arith.constant 1 : i32
      %add3A_127 = arith.addi %mul3A_125, %add3A_126 : i32
      %mul3A_128 = arith.constant 6256 : i32
      %mul3A_129 = arith.muli %add3A_127, %mul3A_128 : i32
      %add3A_130 = arith.addi %mul3A_22, %mul3A_129 : i32
      %multiple_of3A_131 = tpu.assume_multiple %add3A_130, 8 : i32
      %dma_wait3A_132 = tpu.memref_slice %arg3[%multiple_of3A_131] : memref<800768xi32, #tpu.memory_space<hbm>> -> memref<6256xi32, #tpu.memory_space<hbm>>
      %dma_wait3A_133 = tpu.memref_slice %arg3[%multiple_of3A_131] : memref<800768xi32, #tpu.memory_space<hbm>> -> memref<6256xi32, #tpu.memory_space<hbm>>
      tpu.wait_dma2 semaphore(%arg27 : memref<!tpu.dma_semaphore, #tpu.memory_space<semaphore_mem>>) src(%dma_wait3A_133 : memref<6256xi32, #tpu.memory_space<hbm>>) dst(%arg23 : memref<6256xi32, #tpu.memory_space<vmem>>)
      %dma_wait3A_134 = tpu.memref_slice %arg4[%multiple_of3A_131] : memref<800768xi32, #tpu.memory_space<hbm>> -> memref<6256xi32, #tpu.memory_space<hbm>>
      %dma_wait3A_135 = tpu.memref_slice %arg4[%multiple_of3A_131] : memref<800768xi32, #tpu.memory_space<hbm>> -> memref<6256xi32, #tpu.memory_space<hbm>>
      tpu.wait_dma2 semaphore(%arg27 : memref<!tpu.dma_semaphore, #tpu.memory_space<semaphore_mem>>) src(%dma_wait3A_135 : memref<6256xi32, #tpu.memory_space<hbm>>) dst(%arg25 : memref<6256xi32, #tpu.memory_space<vmem>>)
      %dma_start3A_136 = arith.constant 0 : i32
      %dma_start3A_137 = tpu.memref_slice %arg6[%dma_start3A_136] : memref<50176xf32, #tpu.memory_space<vmem_shared>> -> memref<50176xf32, #tpu.memory_space<vmem_shared>>
      tpu.enqueue_indirect_dma source(%dma_start3A_137 : memref<50176xf32, #tpu.memory_space<vmem_shared>>) target(%arg15 : memref<6256xf32, #tpu.memory_space<vmem>>) offsets(%arg23 : memref<6256xi32, #tpu.memory_space<vmem>>) semaphore(%arg28 : memref<!tpu.dma_semaphore, #tpu.memory_space<semaphore_mem>>)
      %dma_start3A_138 = arith.constant 0 : i32
      %dma_start3A_139 = tpu.memref_slice %arg7[%dma_start3A_138] : memref<50176xf32, #tpu.memory_space<vmem_shared>> -> memref<50176xf32, #tpu.memory_space<vmem_shared>>
      tpu.enqueue_indirect_dma source(%dma_start3A_139 : memref<50176xf32, #tpu.memory_space<vmem_shared>>) target(%arg17 : memref<6256xf32, #tpu.memory_space<vmem>>) offsets(%arg23 : memref<6256xi32, #tpu.memory_space<vmem>>) semaphore(%arg28 : memref<!tpu.dma_semaphore, #tpu.memory_space<semaphore_mem>>)
      %dma_start3A_140 = arith.constant 0 : i32
      %dma_start3A_141 = tpu.memref_slice %arg8[%dma_start3A_140] : memref<50176xf32, #tpu.memory_space<vmem_shared>> -> memref<50176xf32, #tpu.memory_space<vmem_shared>>
      tpu.enqueue_indirect_dma source(%dma_start3A_141 : memref<50176xf32, #tpu.memory_space<vmem_shared>>) target(%arg19 : memref<6256xf32, #tpu.memory_space<vmem>>) offsets(%arg23 : memref<6256xi32, #tpu.memory_space<vmem>>) semaphore(%arg28 : memref<!tpu.dma_semaphore, #tpu.memory_space<semaphore_mem>>)
      %dma_start3A_142 = arith.constant 0 : i32
      %dma_start3A_143 = tpu.memref_slice %arg9[%dma_start3A_142] : memref<50176xf32, #tpu.memory_space<vmem_shared>> -> memref<50176xf32, #tpu.memory_space<vmem_shared>>
      tpu.enqueue_indirect_dma source(%dma_start3A_143 : memref<50176xf32, #tpu.memory_space<vmem_shared>>) target(%arg21 : memref<6256xf32, #tpu.memory_space<vmem>>) offsets(%arg23 : memref<6256xi32, #tpu.memory_space<vmem>>) semaphore(%arg28 : memref<!tpu.dma_semaphore, #tpu.memory_space<semaphore_mem>>)
      %dma_wait3A_144 = arith.constant 0 : i32
      %dma_wait3A_145 = tpu.memref_slice %arg10[%dma_wait3A_144] : memref<50176xf32, #tpu.memory_space<vmem_shared>> -> memref<50176xf32, #tpu.memory_space<vmem_shared>>
      tpu.wait_indirect_dma semaphore(%arg29 : memref<!tpu.dma_semaphore, #tpu.memory_space<semaphore_mem>>) src(%arg14 : memref<6256xf32, #tpu.memory_space<vmem>>) dst(%dma_wait3A_145 : memref<50176xf32, #tpu.memory_space<vmem_shared>>)
      %dma_wait3A_146 = arith.constant 0 : i32
      %dma_wait3A_147 = tpu.memref_slice %arg11[%dma_wait3A_146] : memref<50176xf32, #tpu.memory_space<vmem_shared>> -> memref<50176xf32, #tpu.memory_space<vmem_shared>>
      tpu.wait_indirect_dma semaphore(%arg29 : memref<!tpu.dma_semaphore, #tpu.memory_space<semaphore_mem>>) src(%arg16 : memref<6256xf32, #tpu.memory_space<vmem>>) dst(%dma_wait3A_147 : memref<50176xf32, #tpu.memory_space<vmem_shared>>)
      %dma_wait3A_148 = arith.constant 0 : i32
      %dma_wait3A_149 = tpu.memref_slice %arg12[%dma_wait3A_148] : memref<50176xf32, #tpu.memory_space<vmem_shared>> -> memref<50176xf32, #tpu.memory_space<vmem_shared>>
      tpu.wait_indirect_dma semaphore(%arg29 : memref<!tpu.dma_semaphore, #tpu.memory_space<semaphore_mem>>) src(%arg18 : memref<6256xf32, #tpu.memory_space<vmem>>) dst(%dma_wait3A_149 : memref<50176xf32, #tpu.memory_space<vmem_shared>>)
      %dma_wait3A_150 = arith.constant 0 : i32
      %dma_wait3A_151 = tpu.memref_slice %arg13[%dma_wait3A_150] : memref<50176xf32, #tpu.memory_space<vmem_shared>> -> memref<50176xf32, #tpu.memory_space<vmem_shared>>
      tpu.wait_indirect_dma semaphore(%arg29 : memref<!tpu.dma_semaphore, #tpu.memory_space<semaphore_mem>>) src(%arg20 : memref<6256xf32, #tpu.memory_space<vmem>>) dst(%dma_wait3A_151 : memref<50176xf32, #tpu.memory_space<vmem_shared>>)
      %add3A_152 = arith.constant 1 : i32
      %add3A_153 = arith.addi %scan3A_75, %add3A_152 : i32
      %lt3A = arith.constant 2 : i32
      %lt3A_154 = arith.cmpi slt, %add3A_153, %lt3A : i32
      %convert_element_type3A_155 = arith.extui %lt3A_154 : i1 to i32
      %cond3A_156 = arith.constant 0 : i32
      %cond3A_157 = arith.cmpi ne, %convert_element_type3A_155, %cond3A_156 : i32
      scf.if %cond3A_157 {
        %add3A_174 = arith.constant 1 : i32
        %add3A_175 = arith.addi %add3A_127, %add3A_174 : i32
        %mul3A_176 = arith.constant 6256 : i32
        %mul3A_177 = arith.muli %add3A_175, %mul3A_176 : i32
        %add3A_178 = arith.addi %mul3A_22, %mul3A_177 : i32
        %multiple_of3A_179 = tpu.assume_multiple %add3A_178, 8 : i32
        %dma_start3A_180 = tpu.memref_slice %arg3[%multiple_of3A_179] : memref<800768xi32, #tpu.memory_space<hbm>> -> memref<6256xi32, #tpu.memory_space<hbm>>
        %dma_start3A_181 = tpu.memref_slice %arg3[%multiple_of3A_179] : memref<800768xi32, #tpu.memory_space<hbm>> -> memref<6256xi32, #tpu.memory_space<hbm>>
        tpu.enqueue_dma source(%dma_start3A_181 : memref<6256xi32, #tpu.memory_space<hbm>>) target(%arg22 : memref<6256xi32, #tpu.memory_space<vmem>>) target_semaphore(%arg27 : memref<!tpu.dma_semaphore, #tpu.memory_space<semaphore_mem>>)
        %dma_start3A_182 = tpu.memref_slice %arg4[%multiple_of3A_179] : memref<800768xi32, #tpu.memory_space<hbm>> -> memref<6256xi32, #tpu.memory_space<hbm>>
        %dma_start3A_183 = tpu.memref_slice %arg4[%multiple_of3A_179] : memref<800768xi32, #tpu.memory_space<hbm>> -> memref<6256xi32, #tpu.memory_space<hbm>>
        tpu.enqueue_dma source(%dma_start3A_183 : memref<6256xi32, #tpu.memory_space<hbm>>) target(%arg24 : memref<6256xi32, #tpu.memory_space<vmem>>) target_semaphore(%arg27 : memref<!tpu.dma_semaphore, #tpu.memory_space<semaphore_mem>>)
      } else {
      }
      %dma_wait3A_158 = arith.constant 0 : i32
      %dma_wait3A_159 = tpu.memref_slice %arg6[%dma_wait3A_158] : memref<50176xf32, #tpu.memory_space<vmem_shared>> -> memref<50176xf32, #tpu.memory_space<vmem_shared>>
      tpu.wait_indirect_dma semaphore(%arg28 : memref<!tpu.dma_semaphore, #tpu.memory_space<semaphore_mem>>) src(%dma_wait3A_159 : memref<50176xf32, #tpu.memory_space<vmem_shared>>) dst(%arg15 : memref<6256xf32, #tpu.memory_space<vmem>>)
      %dma_wait3A_160 = arith.constant 0 : i32
      %dma_wait3A_161 = tpu.memref_slice %arg7[%dma_wait3A_160] : memref<50176xf32, #tpu.memory_space<vmem_shared>> -> memref<50176xf32, #tpu.memory_space<vmem_shared>>
      tpu.wait_indirect_dma semaphore(%arg28 : memref<!tpu.dma_semaphore, #tpu.memory_space<semaphore_mem>>) src(%dma_wait3A_161 : memref<50176xf32, #tpu.memory_space<vmem_shared>>) dst(%arg17 : memref<6256xf32, #tpu.memory_space<vmem>>)
      %dma_wait3A_162 = arith.constant 0 : i32
      %dma_wait3A_163 = tpu.memref_slice %arg8[%dma_wait3A_162] : memref<50176xf32, #tpu.memory_space<vmem_shared>> -> memref<50176xf32, #tpu.memory_space<vmem_shared>>
      tpu.wait_indirect_dma semaphore(%arg28 : memref<!tpu.dma_semaphore, #tpu.memory_space<semaphore_mem>>) src(%dma_wait3A_163 : memref<50176xf32, #tpu.memory_space<vmem_shared>>) dst(%arg19 : memref<6256xf32, #tpu.memory_space<vmem>>)
      %dma_wait3A_164 = arith.constant 0 : i32
      %dma_wait3A_165 = tpu.memref_slice %arg9[%dma_wait3A_164] : memref<50176xf32, #tpu.memory_space<vmem_shared>> -> memref<50176xf32, #tpu.memory_space<vmem_shared>>
      tpu.wait_indirect_dma semaphore(%arg28 : memref<!tpu.dma_semaphore, #tpu.memory_space<semaphore_mem>>) src(%dma_wait3A_165 : memref<50176xf32, #tpu.memory_space<vmem_shared>>) dst(%arg21 : memref<6256xf32, #tpu.memory_space<vmem>>)
      %dma_start3A_166 = arith.constant 0 : i32
      %dma_start3A_167 = tpu.memref_slice %arg10[%dma_start3A_166] : memref<50176xf32, #tpu.memory_space<vmem_shared>> -> memref<50176xf32, #tpu.memory_space<vmem_shared>>
      tpu.enqueue_indirect_dma source(%arg15 : memref<6256xf32, #tpu.memory_space<vmem>>) target(%dma_start3A_167 : memref<50176xf32, #tpu.memory_space<vmem_shared>>) offsets(%arg25 : memref<6256xi32, #tpu.memory_space<vmem>>) semaphore(%arg29 : memref<!tpu.dma_semaphore, #tpu.memory_space<semaphore_mem>>) {add = true}
      %dma_start3A_168 = arith.constant 0 : i32
      %dma_start3A_169 = tpu.memref_slice %arg11[%dma_start3A_168] : memref<50176xf32, #tpu.memory_space<vmem_shared>> -> memref<50176xf32, #tpu.memory_space<vmem_shared>>
      tpu.enqueue_indirect_dma source(%arg17 : memref<6256xf32, #tpu.memory_space<vmem>>) target(%dma_start3A_169 : memref<50176xf32, #tpu.memory_space<vmem_shared>>) offsets(%arg25 : memref<6256xi32, #tpu.memory_space<vmem>>) semaphore(%arg29 : memref<!tpu.dma_semaphore, #tpu.memory_space<semaphore_mem>>) {add = true}
      %dma_start3A_170 = arith.constant 0 : i32
      %dma_start3A_171 = tpu.memref_slice %arg12[%dma_start3A_170] : memref<50176xf32, #tpu.memory_space<vmem_shared>> -> memref<50176xf32, #tpu.memory_space<vmem_shared>>
      tpu.enqueue_indirect_dma source(%arg19 : memref<6256xf32, #tpu.memory_space<vmem>>) target(%dma_start3A_171 : memref<50176xf32, #tpu.memory_space<vmem_shared>>) offsets(%arg25 : memref<6256xi32, #tpu.memory_space<vmem>>) semaphore(%arg29 : memref<!tpu.dma_semaphore, #tpu.memory_space<semaphore_mem>>) {add = true}
      %dma_start3A_172 = arith.constant 0 : i32
      %dma_start3A_173 = tpu.memref_slice %arg13[%dma_start3A_172] : memref<50176xf32, #tpu.memory_space<vmem_shared>> -> memref<50176xf32, #tpu.memory_space<vmem_shared>>
      tpu.enqueue_indirect_dma source(%arg21 : memref<6256xf32, #tpu.memory_space<vmem>>) target(%dma_start3A_173 : memref<50176xf32, #tpu.memory_space<vmem_shared>>) offsets(%arg25 : memref<6256xi32, #tpu.memory_space<vmem>>) semaphore(%arg29 : memref<!tpu.dma_semaphore, #tpu.memory_space<semaphore_mem>>) {add = true}
    }
    %scan3A_34 = arith.constant 2 : i32
    %dma_wait3A = arith.constant 0 : i32
    %dma_wait3A_35 = tpu.memref_slice %arg10[%dma_wait3A] : memref<50176xf32, #tpu.memory_space<vmem_shared>> -> memref<50176xf32, #tpu.memory_space<vmem_shared>>
    tpu.wait_indirect_dma semaphore(%arg29 : memref<!tpu.dma_semaphore, #tpu.memory_space<semaphore_mem>>) src(%arg15 : memref<6256xf32, #tpu.memory_space<vmem>>) dst(%dma_wait3A_35 : memref<50176xf32, #tpu.memory_space<vmem_shared>>)
    %dma_wait3A_36 = arith.constant 0 : i32
    %dma_wait3A_37 = tpu.memref_slice %arg11[%dma_wait3A_36] : memref<50176xf32, #tpu.memory_space<vmem_shared>> -> memref<50176xf32, #tpu.memory_space<vmem_shared>>
    tpu.wait_indirect_dma semaphore(%arg29 : memref<!tpu.dma_semaphore, #tpu.memory_space<semaphore_mem>>) src(%arg17 : memref<6256xf32, #tpu.memory_space<vmem>>) dst(%dma_wait3A_37 : memref<50176xf32, #tpu.memory_space<vmem_shared>>)
    %dma_wait3A_38 = arith.constant 0 : i32
    %dma_wait3A_39 = tpu.memref_slice %arg12[%dma_wait3A_38] : memref<50176xf32, #tpu.memory_space<vmem_shared>> -> memref<50176xf32, #tpu.memory_space<vmem_shared>>
    tpu.wait_indirect_dma semaphore(%arg29 : memref<!tpu.dma_semaphore, #tpu.memory_space<semaphore_mem>>) src(%arg19 : memref<6256xf32, #tpu.memory_space<vmem>>) dst(%dma_wait3A_39 : memref<50176xf32, #tpu.memory_space<vmem_shared>>)
    %dma_wait3A_40 = arith.constant 0 : i32
    %dma_wait3A_41 = tpu.memref_slice %arg13[%dma_wait3A_40] : memref<50176xf32, #tpu.memory_space<vmem_shared>> -> memref<50176xf32, #tpu.memory_space<vmem_shared>>
    tpu.wait_indirect_dma semaphore(%arg29 : memref<!tpu.dma_semaphore, #tpu.memory_space<semaphore_mem>>) src(%arg21 : memref<6256xf32, #tpu.memory_space<vmem>>) dst(%dma_wait3A_41 : memref<50176xf32, #tpu.memory_space<vmem_shared>>)
    %barrier3A_42 = arith.constant 0 : index
    tpu.barrier barrier_id(%barrier3A_42)
    "tpu.region"() ({
      %run_scoped3A = tpu.sem_alloc : memref<!tpu.dma_semaphore, #tpu.memory_space<semaphore_mem>>
      %dma_start3A_75 = tpu.memref_slice %arg10[%multiple_of3A] : memref<50176xf32, #tpu.memory_space<vmem_shared>> -> memref<3136xf32, #tpu.memory_space<vmem_shared>>
      %dma_start3A_76 = tpu.memref_slice %arg10[%multiple_of3A] : memref<50176xf32, #tpu.memory_space<vmem_shared>> -> memref<3136xf32, #tpu.memory_space<vmem_shared>>
      tpu.enqueue_dma source(%dma_start3A_76 : memref<3136xf32, #tpu.memory_space<vmem_shared>>) target(%arg26 : memref<3136xf32, #tpu.memory_space<vmem>>) target_semaphore(%run_scoped3A : memref<!tpu.dma_semaphore, #tpu.memory_space<semaphore_mem>>)
      %dma_wait3A_77 = tpu.memref_slice %arg10[%multiple_of3A] : memref<50176xf32, #tpu.memory_space<vmem_shared>> -> memref<3136xf32, #tpu.memory_space<vmem_shared>>
      %dma_wait3A_78 = tpu.memref_slice %arg10[%multiple_of3A] : memref<50176xf32, #tpu.memory_space<vmem_shared>> -> memref<3136xf32, #tpu.memory_space<vmem_shared>>
      tpu.wait_dma2 semaphore(%run_scoped3A : memref<!tpu.dma_semaphore, #tpu.memory_space<semaphore_mem>>) src(%dma_wait3A_78 : memref<3136xf32, #tpu.memory_space<vmem_shared>>) dst(%arg26 : memref<3136xf32, #tpu.memory_space<vmem>>)
      tpu.yield
    }) : () -> ()
    %mul3A_43 = arith.constant 4 : i32
    %mul3A_44 = arith.muli %arg0, %mul3A_43 : i32
    %add3A_45 = arith.constant 0 : i32
    %add3A_46 = arith.addi %mul3A_44, %add3A_45 : i32
    %mul3A_47 = arith.constant 50176 : i32
    %mul3A_48 = arith.muli %add3A_46, %mul3A_47 : i32
    %add3A_49 = arith.addi %mul3A_48, %multiple_of3A : i32
    %multiple_of3A_50 = tpu.assume_multiple %add3A_49, 8 : i32
    "tpu.region"() ({
      %run_scoped3A = tpu.sem_alloc : memref<!tpu.dma_semaphore, #tpu.memory_space<semaphore_mem>>
      %dma_start3A_75 = tpu.memref_slice %arg5[%multiple_of3A_50] : memref<401408xf32, #tpu.memory_space<hbm>> -> memref<3136xf32, #tpu.memory_space<hbm>>
      %dma_start3A_76 = tpu.memref_slice %arg5[%multiple_of3A_50] : memref<401408xf32, #tpu.memory_space<hbm>> -> memref<3136xf32, #tpu.memory_space<hbm>>
      tpu.enqueue_dma source(%arg26 : memref<3136xf32, #tpu.memory_space<vmem>>) target(%dma_start3A_76 : memref<3136xf32, #tpu.memory_space<hbm>>) target_semaphore(%run_scoped3A : memref<!tpu.dma_semaphore, #tpu.memory_space<semaphore_mem>>)
      %dma_wait3A_77 = tpu.memref_slice %arg5[%multiple_of3A_50] : memref<401408xf32, #tpu.memory_space<hbm>> -> memref<3136xf32, #tpu.memory_space<hbm>>
      %dma_wait3A_78 = tpu.memref_slice %arg5[%multiple_of3A_50] : memref<401408xf32, #tpu.memory_space<hbm>> -> memref<3136xf32, #tpu.memory_space<hbm>>
      tpu.wait_dma2 semaphore(%run_scoped3A : memref<!tpu.dma_semaphore, #tpu.memory_space<semaphore_mem>>) src(%arg26 : memref<3136xf32, #tpu.memory_space<vmem>>) dst(%dma_wait3A_78 : memref<3136xf32, #tpu.memory_space<hbm>>)
      tpu.yield
    }) : () -> ()
    "tpu.region"() ({
      %run_scoped3A = tpu.sem_alloc : memref<!tpu.dma_semaphore, #tpu.memory_space<semaphore_mem>>
      %dma_start3A_75 = tpu.memref_slice %arg11[%multiple_of3A] : memref<50176xf32, #tpu.memory_space<vmem_shared>> -> memref<3136xf32, #tpu.memory_space<vmem_shared>>
      %dma_start3A_76 = tpu.memref_slice %arg11[%multiple_of3A] : memref<50176xf32, #tpu.memory_space<vmem_shared>> -> memref<3136xf32, #tpu.memory_space<vmem_shared>>
      tpu.enqueue_dma source(%dma_start3A_76 : memref<3136xf32, #tpu.memory_space<vmem_shared>>) target(%arg26 : memref<3136xf32, #tpu.memory_space<vmem>>) target_semaphore(%run_scoped3A : memref<!tpu.dma_semaphore, #tpu.memory_space<semaphore_mem>>)
      %dma_wait3A_77 = tpu.memref_slice %arg11[%multiple_of3A] : memref<50176xf32, #tpu.memory_space<vmem_shared>> -> memref<3136xf32, #tpu.memory_space<vmem_shared>>
      %dma_wait3A_78 = tpu.memref_slice %arg11[%multiple_of3A] : memref<50176xf32, #tpu.memory_space<vmem_shared>> -> memref<3136xf32, #tpu.memory_space<vmem_shared>>
      tpu.wait_dma2 semaphore(%run_scoped3A : memref<!tpu.dma_semaphore, #tpu.memory_space<semaphore_mem>>) src(%dma_wait3A_78 : memref<3136xf32, #tpu.memory_space<vmem_shared>>) dst(%arg26 : memref<3136xf32, #tpu.memory_space<vmem>>)
      tpu.yield
    }) : () -> ()
    %mul3A_51 = arith.constant 4 : i32
    %mul3A_52 = arith.muli %arg0, %mul3A_51 : i32
    %add3A_53 = arith.constant 1 : i32
    %add3A_54 = arith.addi %mul3A_52, %add3A_53 : i32
    %mul3A_55 = arith.constant 50176 : i32
    %mul3A_56 = arith.muli %add3A_54, %mul3A_55 : i32
    %add3A_57 = arith.addi %mul3A_56, %multiple_of3A : i32
    %multiple_of3A_58 = tpu.assume_multiple %add3A_57, 8 : i32
    "tpu.region"() ({
      %run_scoped3A = tpu.sem_alloc : memref<!tpu.dma_semaphore, #tpu.memory_space<semaphore_mem>>
      %dma_start3A_75 = tpu.memref_slice %arg5[%multiple_of3A_58] : memref<401408xf32, #tpu.memory_space<hbm>> -> memref<3136xf32, #tpu.memory_space<hbm>>
      %dma_start3A_76 = tpu.memref_slice %arg5[%multiple_of3A_58] : memref<401408xf32, #tpu.memory_space<hbm>> -> memref<3136xf32, #tpu.memory_space<hbm>>
      tpu.enqueue_dma source(%arg26 : memref<3136xf32, #tpu.memory_space<vmem>>) target(%dma_start3A_76 : memref<3136xf32, #tpu.memory_space<hbm>>) target_semaphore(%run_scoped3A : memref<!tpu.dma_semaphore, #tpu.memory_space<semaphore_mem>>)
      %dma_wait3A_77 = tpu.memref_slice %arg5[%multiple_of3A_58] : memref<401408xf32, #tpu.memory_space<hbm>> -> memref<3136xf32, #tpu.memory_space<hbm>>
      %dma_wait3A_78 = tpu.memref_slice %arg5[%multiple_of3A_58] : memref<401408xf32, #tpu.memory_space<hbm>> -> memref<3136xf32, #tpu.memory_space<hbm>>
      tpu.wait_dma2 semaphore(%run_scoped3A : memref<!tpu.dma_semaphore, #tpu.memory_space<semaphore_mem>>) src(%arg26 : memref<3136xf32, #tpu.memory_space<vmem>>) dst(%dma_wait3A_78 : memref<3136xf32, #tpu.memory_space<hbm>>)
      tpu.yield
    }) : () -> ()
    "tpu.region"() ({
      %run_scoped3A = tpu.sem_alloc : memref<!tpu.dma_semaphore, #tpu.memory_space<semaphore_mem>>
      %dma_start3A_75 = tpu.memref_slice %arg12[%multiple_of3A] : memref<50176xf32, #tpu.memory_space<vmem_shared>> -> memref<3136xf32, #tpu.memory_space<vmem_shared>>
      %dma_start3A_76 = tpu.memref_slice %arg12[%multiple_of3A] : memref<50176xf32, #tpu.memory_space<vmem_shared>> -> memref<3136xf32, #tpu.memory_space<vmem_shared>>
      tpu.enqueue_dma source(%dma_start3A_76 : memref<3136xf32, #tpu.memory_space<vmem_shared>>) target(%arg26 : memref<3136xf32, #tpu.memory_space<vmem>>) target_semaphore(%run_scoped3A : memref<!tpu.dma_semaphore, #tpu.memory_space<semaphore_mem>>)
      %dma_wait3A_77 = tpu.memref_slice %arg12[%multiple_of3A] : memref<50176xf32, #tpu.memory_space<vmem_shared>> -> memref<3136xf32, #tpu.memory_space<vmem_shared>>
      %dma_wait3A_78 = tpu.memref_slice %arg12[%multiple_of3A] : memref<50176xf32, #tpu.memory_space<vmem_shared>> -> memref<3136xf32, #tpu.memory_space<vmem_shared>>
      tpu.wait_dma2 semaphore(%run_scoped3A : memref<!tpu.dma_semaphore, #tpu.memory_space<semaphore_mem>>) src(%dma_wait3A_78 : memref<3136xf32, #tpu.memory_space<vmem_shared>>) dst(%arg26 : memref<3136xf32, #tpu.memory_space<vmem>>)
      tpu.yield
    }) : () -> ()
    %mul3A_59 = arith.constant 4 : i32
    %mul3A_60 = arith.muli %arg0, %mul3A_59 : i32
    %add3A_61 = arith.constant 2 : i32
    %add3A_62 = arith.addi %mul3A_60, %add3A_61 : i32
    %mul3A_63 = arith.constant 50176 : i32
    %mul3A_64 = arith.muli %add3A_62, %mul3A_63 : i32
    %add3A_65 = arith.addi %mul3A_64, %multiple_of3A : i32
    %multiple_of3A_66 = tpu.assume_multiple %add3A_65, 8 : i32
    "tpu.region"() ({
      %run_scoped3A = tpu.sem_alloc : memref<!tpu.dma_semaphore, #tpu.memory_space<semaphore_mem>>
      %dma_start3A_75 = tpu.memref_slice %arg5[%multiple_of3A_66] : memref<401408xf32, #tpu.memory_space<hbm>> -> memref<3136xf32, #tpu.memory_space<hbm>>
      %dma_start3A_76 = tpu.memref_slice %arg5[%multiple_of3A_66] : memref<401408xf32, #tpu.memory_space<hbm>> -> memref<3136xf32, #tpu.memory_space<hbm>>
      tpu.enqueue_dma source(%arg26 : memref<3136xf32, #tpu.memory_space<vmem>>) target(%dma_start3A_76 : memref<3136xf32, #tpu.memory_space<hbm>>) target_semaphore(%run_scoped3A : memref<!tpu.dma_semaphore, #tpu.memory_space<semaphore_mem>>)
      %dma_wait3A_77 = tpu.memref_slice %arg5[%multiple_of3A_66] : memref<401408xf32, #tpu.memory_space<hbm>> -> memref<3136xf32, #tpu.memory_space<hbm>>
      %dma_wait3A_78 = tpu.memref_slice %arg5[%multiple_of3A_66] : memref<401408xf32, #tpu.memory_space<hbm>> -> memref<3136xf32, #tpu.memory_space<hbm>>
      tpu.wait_dma2 semaphore(%run_scoped3A : memref<!tpu.dma_semaphore, #tpu.memory_space<semaphore_mem>>) src(%arg26 : memref<3136xf32, #tpu.memory_space<vmem>>) dst(%dma_wait3A_78 : memref<3136xf32, #tpu.memory_space<hbm>>)
      tpu.yield
    }) : () -> ()
    "tpu.region"() ({
      %run_scoped3A = tpu.sem_alloc : memref<!tpu.dma_semaphore, #tpu.memory_space<semaphore_mem>>
      %dma_start3A_75 = tpu.memref_slice %arg13[%multiple_of3A] : memref<50176xf32, #tpu.memory_space<vmem_shared>> -> memref<3136xf32, #tpu.memory_space<vmem_shared>>
      %dma_start3A_76 = tpu.memref_slice %arg13[%multiple_of3A] : memref<50176xf32, #tpu.memory_space<vmem_shared>> -> memref<3136xf32, #tpu.memory_space<vmem_shared>>
      tpu.enqueue_dma source(%dma_start3A_76 : memref<3136xf32, #tpu.memory_space<vmem_shared>>) target(%arg26 : memref<3136xf32, #tpu.memory_space<vmem>>) target_semaphore(%run_scoped3A : memref<!tpu.dma_semaphore, #tpu.memory_space<semaphore_mem>>)
      %dma_wait3A_77 = tpu.memref_slice %arg13[%multiple_of3A] : memref<50176xf32, #tpu.memory_space<vmem_shared>> -> memref<3136xf32, #tpu.memory_space<vmem_shared>>
      %dma_wait3A_78 = tpu.memref_slice %arg13[%multiple_of3A] : memref<50176xf32, #tpu.memory_space<vmem_shared>> -> memref<3136xf32, #tpu.memory_space<vmem_shared>>
      tpu.wait_dma2 semaphore(%run_scoped3A : memref<!tpu.dma_semaphore, #tpu.memory_space<semaphore_mem>>) src(%dma_wait3A_78 : memref<3136xf32, #tpu.memory_space<vmem_shared>>) dst(%arg26 : memref<3136xf32, #tpu.memory_space<vmem>>)
      tpu.yield
    }) : () -> ()
    %mul3A_67 = arith.constant 4 : i32
    %mul3A_68 = arith.muli %arg0, %mul3A_67 : i32
    %add3A_69 = arith.constant 3 : i32
    %add3A_70 = arith.addi %mul3A_68, %add3A_69 : i32
    %mul3A_71 = arith.constant 50176 : i32
    %mul3A_72 = arith.muli %add3A_70, %mul3A_71 : i32
    %add3A_73 = arith.addi %mul3A_72, %multiple_of3A : i32
    %multiple_of3A_74 = tpu.assume_multiple %add3A_73, 8 : i32
    "tpu.region"() ({
      %run_scoped3A = tpu.sem_alloc : memref<!tpu.dma_semaphore, #tpu.memory_space<semaphore_mem>>
      %dma_start3A_75 = tpu.memref_slice %arg5[%multiple_of3A_74] : memref<401408xf32, #tpu.memory_space<hbm>> -> memref<3136xf32, #tpu.memory_space<hbm>>
      %dma_start3A_76 = tpu.memref_slice %arg5[%multiple_of3A_74] : memref<401408xf32, #tpu.memory_space<hbm>> -> memref<3136xf32, #tpu.memory_space<hbm>>
      tpu.enqueue_dma source(%arg26 : memref<3136xf32, #tpu.memory_space<vmem>>) target(%dma_start3A_76 : memref<3136xf32, #tpu.memory_space<hbm>>) target_semaphore(%run_scoped3A : memref<!tpu.dma_semaphore, #tpu.memory_space<semaphore_mem>>)
      %dma_wait3A_77 = tpu.memref_slice %arg5[%multiple_of3A_74] : memref<401408xf32, #tpu.memory_space<hbm>> -> memref<3136xf32, #tpu.memory_space<hbm>>
      %dma_wait3A_78 = tpu.memref_slice %arg5[%multiple_of3A_74] : memref<401408xf32, #tpu.memory_space<hbm>> -> memref<3136xf32, #tpu.memory_space<hbm>>
      tpu.wait_dma2 semaphore(%run_scoped3A : memref<!tpu.dma_semaphore, #tpu.memory_space<semaphore_mem>>) src(%arg26 : memref<3136xf32, #tpu.memory_space<vmem>>) dst(%dma_wait3A_78 : memref<3136xf32, #tpu.memory_space<hbm>>)
      tpu.yield
    }) : () -> ()
    return
  }
}

module attributes {stable_mosaic.version = 14 : i64} {
  func.func @body(%arg0: i32, %arg1: memref<2x4x3584xf32, #tpu.memory_space<vmem>>, %arg2: memref<1x3584xf32, #tpu.memory_space<vmem>>, %arg3: memref<4x3584xf32, #tpu.memory_space<vmem>>, %arg4: memref<64xf32, #tpu.memory_space<smem>>, %arg5: memref<64xf32, #tpu.memory_space<smem>>, %arg6: memref<64xf32, #tpu.memory_space<smem>>, %arg7: memref<4x3584xf32, #tpu.memory_space<vmem>>) attributes {dimension_semantics = [#tpu.dimension_semantics<arbitrary>], iteration_bounds = array<i64: 14>, scalar_prefetch = 0 : i64, scratch_operands = 0 : i64, tpu.core_type = #tpu.core_type<tc>, window_params = [{transform_indices = @transform_0, window_bounds = array<i64: 2, 4, 3584>}, {transform_indices = @transform_1, window_bounds = array<i64: 1, 3584>}, {transform_indices = @transform_2, window_bounds = array<i64: 4, 3584>}, {transform_indices = @transform_3, window_bounds = array<i64: 64>}, {transform_indices = @transform_4, window_bounds = array<i64: 64>}, {transform_indices = @transform_5, window_bounds = array<i64: 64>}, {transform_indices = @transform_6, window_bounds = array<i64: 4, 3584>}]} {
    %get3A = arith.constant 0 : index
    %get3A_0 = arith.constant 0 : index
    %get3A_1 = vector.load %arg2[%get3A, %get3A_0] : memref<1x3584xf32, #tpu.memory_space<vmem>>, vector<1x3584xf32>
    %get3A_2 = arith.constant 0 : index
    %get3A_3 = arith.constant 0 : index
    %get3A_4 = arith.constant 0 : index
    %get3A_5 = vector.load %arg1[%get3A_2, %get3A_3, %get3A_4] : memref<2x4x3584xf32, #tpu.memory_space<vmem>>, vector<1x4x3584xf32>
    %get3A_6 = vector.shape_cast %get3A_5 : vector<1x4x3584xf32> to vector<4x3584xf32>
    %get3A_7 = arith.constant 1 : index
    %get3A_8 = arith.constant 0 : index
    %get3A_9 = arith.constant 0 : index
    %get3A_10 = vector.load %arg1[%get3A_7, %get3A_8, %get3A_9] : memref<2x4x3584xf32, #tpu.memory_space<vmem>>, vector<1x4x3584xf32>
    %get3A_11 = vector.shape_cast %get3A_10 : vector<1x4x3584xf32> to vector<4x3584xf32>
    %add3A = arith.addf %get3A_6, %get3A_11 : vector<4x3584xf32>
    %get3A_12 = arith.constant 0 : index
    %get3A_13 = arith.constant 0 : index
    %get3A_14 = vector.load %arg3[%get3A_12, %get3A_13] : memref<4x3584xf32, #tpu.memory_space<vmem>>, vector<4x3584xf32>
    %mul3A = vector.broadcast %get3A_1 : vector<1x3584xf32> to vector<4x3584xf32>
    %mul3A_15 = arith.mulf %get3A_14, %mul3A : vector<4x3584xf32>
    %add3A_16 = arith.addf %add3A, %mul3A_15 : vector<4x3584xf32>
    %mul3A_17 = vector.broadcast %get3A_1 : vector<1x3584xf32> to vector<4x3584xf32>
    %mul3A_18 = arith.mulf %add3A_16, %mul3A_17 : vector<4x3584xf32>
    %broadcast_in_dim3A = arith.constant 0.000000e+00 : f32
    %broadcast_in_dim3A_19 = vector.broadcast %broadcast_in_dim3A : f32 to vector<4x3584xf32>
    %scan3A = arith.constant 0 : i32
    %scan3A_20 = arith.constant 64 : i32
    %scan3A_21 = arith.addi %scan3A, %scan3A_20 : i32
    %scan3A_22 = arith.constant 1 : i32
    %scan3A_23 = scf.for %scan3A_29 = %scan3A to %scan3A_21 step %scan3A_22 iter_args(%scan3A_30 = %broadcast_in_dim3A_19) -> (vector<4x3584xf32>)  : i32 {
      %get3A_31 = arith.index_cast %scan3A_29 : i32 to index
      %get3A_32 = memref.load %arg4[%get3A_31] : memref<64xf32, #tpu.memory_space<smem>>
      %mul3A_33 = vector.broadcast %get3A_32 : f32 to vector<4x3584xf32>
      %mul3A_34 = arith.mulf %mul3A_18, %mul3A_33 : vector<4x3584xf32>
      %get3A_35 = arith.index_cast %scan3A_29 : i32 to index
      %get3A_36 = memref.load %arg5[%get3A_35] : memref<64xf32, #tpu.memory_space<smem>>
      %add3A_37 = vector.broadcast %get3A_36 : f32 to vector<4x3584xf32>
      %add3A_38 = arith.addf %mul3A_34, %add3A_37 : vector<4x3584xf32>
      %max3A = arith.constant 0.000000e+00 : f32
      %max3A_39 = vector.broadcast %max3A : f32 to vector<4x3584xf32>
      %max3A_40 = arith.maximumf %add3A_38, %max3A_39 : vector<4x3584xf32>
      %get3A_41 = arith.index_cast %scan3A_29 : i32 to index
      %get3A_42 = memref.load %arg6[%get3A_41] : memref<64xf32, #tpu.memory_space<smem>>
      %mul3A_43 = vector.broadcast %get3A_42 : f32 to vector<4x3584xf32>
      %mul3A_44 = arith.mulf %max3A_40, %mul3A_43 : vector<4x3584xf32>
      %add3A_45 = arith.addf %scan3A_30, %mul3A_44 : vector<4x3584xf32>
      scf.yield %add3A_45 : vector<4x3584xf32>
    }
    %scan3A_24 = arith.constant 64 : i32
    %mul3A_25 = vector.broadcast %get3A_1 : vector<1x3584xf32> to vector<4x3584xf32>
    %mul3A_26 = arith.mulf %scan3A_23, %mul3A_25 : vector<4x3584xf32>
    %swap3A = arith.constant 0 : index
    %swap3A_27 = arith.constant 0 : index
    %swap3A_28 = vector.load %arg7[%swap3A, %swap3A_27] : memref<4x3584xf32, #tpu.memory_space<vmem>>, vector<4x3584xf32>
    tpu.vector_store %arg7[%swap3A, %swap3A_27], %mul3A_26 {strides = array<i32>} : memref<4x3584xf32, #tpu.memory_space<vmem>>, vector<4x3584xf32>,
    return
  }
  func.func @transform_0(%arg0: i32) -> (i32, i32, i32) {
    %c0_i32 = arith.constant 0 : i32
    %c0_i32_0 = arith.constant 0 : i32
    %c0_i32_1 = arith.constant 0 : i32
    return %c0_i32, %c0_i32_0, %arg0 : i32, i32, i32
  }
  func.func @transform_1(%arg0: i32) -> (i32, i32) {
    %c0_i32 = arith.constant 0 : i32
    %c0_i32_0 = arith.constant 0 : i32
    return %c0_i32, %arg0 : i32, i32
  }
  func.func @transform_2(%arg0: i32) -> (i32, i32) {
    %c0_i32 = arith.constant 0 : i32
    %c0_i32_0 = arith.constant 0 : i32
    return %c0_i32, %arg0 : i32, i32
  }
  func.func @transform_3(%arg0: i32) -> i32 {
    %c0_i32 = arith.constant 0 : i32
    %c0_i32_0 = arith.constant 0 : i32
    return %c0_i32 : i32
  }
  func.func @transform_4(%arg0: i32) -> i32 {
    %c0_i32 = arith.constant 0 : i32
    %c0_i32_0 = arith.constant 0 : i32
    return %c0_i32 : i32
  }
  func.func @transform_5(%arg0: i32) -> i32 {
    %c0_i32 = arith.constant 0 : i32
    %c0_i32_0 = arith.constant 0 : i32
    return %c0_i32 : i32
  }
  func.func @transform_6(%arg0: i32) -> (i32, i32) {
    %c0_i32 = arith.constant 0 : i32
    %c0_i32_0 = arith.constant 0 : i32
    return %c0_i32, %arg0 : i32, i32
  }
}

module attributes {stable_mosaic.version = 14 : i64} {
  func.func @body(%arg0: memref<2x4x50176xf32, #tpu.memory_space<vmem>>, %arg1: memref<1x50176xf32, #tpu.memory_space<vmem>>, %arg2: memref<4x50176xf32, #tpu.memory_space<vmem>>, %arg3: memref<1xf32, #tpu.memory_space<smem>>, %arg4: memref<4x50176xf32, #tpu.memory_space<vmem>>) attributes {dimension_semantics = [], scalar_prefetch = 0 : i64, scratch_operands = 0 : i64, tpu.core_type = #tpu.core_type<tc>} {
    %get3A = arith.constant 0 : index
    %get3A_0 = arith.constant 0 : index
    %get3A_1 = vector.load %arg1[%get3A, %get3A_0] : memref<1x50176xf32, #tpu.memory_space<vmem>>, vector<1x50176xf32>
    %get3A_2 = arith.constant 0 : index
    %get3A_3 = arith.constant 0 : index
    %get3A_4 = arith.constant 0 : index
    %get3A_5 = vector.load %arg0[%get3A_2, %get3A_3, %get3A_4] : memref<2x4x50176xf32, #tpu.memory_space<vmem>>, vector<1x4x50176xf32>
    %get3A_6 = vector.shape_cast %get3A_5 : vector<1x4x50176xf32> to vector<4x50176xf32>
    %get3A_7 = arith.constant 1 : index
    %get3A_8 = arith.constant 0 : index
    %get3A_9 = arith.constant 0 : index
    %get3A_10 = vector.load %arg0[%get3A_7, %get3A_8, %get3A_9] : memref<2x4x50176xf32, #tpu.memory_space<vmem>>, vector<1x4x50176xf32>
    %get3A_11 = vector.shape_cast %get3A_10 : vector<1x4x50176xf32> to vector<4x50176xf32>
    %add3A = arith.addf %get3A_6, %get3A_11 : vector<4x50176xf32>
    %get3A_12 = arith.constant 0 : index
    %get3A_13 = arith.constant 0 : index
    %get3A_14 = vector.load %arg2[%get3A_12, %get3A_13] : memref<4x50176xf32, #tpu.memory_space<vmem>>, vector<4x50176xf32>
    %add3A_15 = arith.addf %add3A, %get3A_14 : vector<4x50176xf32>
    %mul3A = vector.broadcast %get3A_1 : vector<1x50176xf32> to vector<4x50176xf32>
    %mul3A_16 = arith.mulf %add3A_15, %mul3A : vector<4x50176xf32>
    %get3A_17 = arith.constant 0 : index
    %get3A_18 = memref.load %arg3[%get3A_17] : memref<1xf32, #tpu.memory_space<smem>>
    %add3A_19 = vector.broadcast %get3A_18 : f32 to vector<4x50176xf32>
    %add3A_20 = arith.addf %mul3A_16, %add3A_19 : vector<4x50176xf32>
    %swap3A = arith.constant 0 : index
    %swap3A_21 = arith.constant 0 : index
    %swap3A_22 = vector.load %arg4[%swap3A, %swap3A_21] : memref<4x50176xf32, #tpu.memory_space<vmem>>, vector<4x50176xf32>
    tpu.vector_store %arg4[%swap3A, %swap3A_21], %add3A_20 {strides = array<i32>} : memref<4x50176xf32, #tpu.memory_space<vmem>>, vector<4x50176xf32>,
    return
  }
}

</mosaic_0001>

<sc_bundles>
// kernel: kernel.6.cloned.1.call-start
scs
__scs_entry_jumppad:
0x0: {  	(pc) =	sbr.rel $0x88, $3  }
0x1: {  	(tag) =	ssettag $0x0;
	lr =	simm.s32 $0x1  }
0x2: {  	[smem:$0x3F9B] =	sst lr;
	_ =	strace $0xD0000000  }
0x3: {  	_ = 	snop  }
0x4: {  	_ = 	snop  }
0x5: {  	_ = 	snop  }
0x6: {  	_ = 	snop  }
0x7: {  	_ = 	snop  }
__scs_overlays_trampoline_lowered:
0x8: {  	[smem:$0x3FAA] =	sst s0  }
0x9: {  	[smem:$0x3FAB] =	sst s1  }
0xa: {  	[smem:$0x3FAC] =	sst s2  }
0xb: {  	[smem:$0x3FAD] =	sst s3  }
0xc: {  	[smem:$0x3FAE] =	sst s4  }
0xd: {  	[smem:$0x3FAF] =	sst s5  }
0xe: {  	[smem:$0x3FB0] =	sst s6  }
0xf: {  	[smem:$0x3FB1] =	sst s7  }
0x10: {  	[smem:$0x3FB2] =	sst s8  }
0x11: {  	[smem:$0x3FB3] =	sst s9;
	s0 =	simm.s32 @!p0 $0x0  }
0x12: {  	s1 =	sld [smem:$0x3F99];
	s0 =	simm.s32 @p0 $0x1  }
0x13: {  	[smem:$0x3FB4] =	sst s0;
	s0 =	simm.s32 @!p1 $0x0  }
0x14: {  	s2 =	sld [smem:$0x3F98];
	s0 =	simm.s32 @p1 $0x1  }
0x15: {  	[smem:$0x3FB5] =	sst s0;
	s0 =	simm.s32 @!p2 $0x0  }
0x16: {  	s3 =	sld [smem:$0x3FDB];
	s0 =	simm.s32 @p2 $0x1  }
0x17: {  	s4 =	simm.s32 $0x1BF5;
	[smem:$0x3FB7] =	sst s0  }
0x18: {  	s0 =	sld [smem:$0x3F9A];
	_ =	swait.ge [sflag:s4], $0x0  }
0x19: {  	s7 =	sld [smem:$0x3F9B]  }
0x1a: {  	s8 =	sadd.s32 $0xFFFFE003, lr  }
0x1b: {  	s9 =	sadd.s32 $0xFFFFFEF7, lr;
	s5 =	simm.s32 $0xFFFFFFFF;
	p2 =	slt.u32 s8, $0xFFFFF086  }
0x1c: {  	p1 =	slt.u32 s9, $0xF7A;
	s5 =	simm.s32 @!p2 $0x0  }
0x1d: {  	s5 =	simm.s32 @p1 $0x1;
	p0 =	seq.s32 s7, s2  }
0x1e: {  	s7 =	smul.u32 @!p0 $0xF7A, s2;
	p2 =	seq.s32 @!p0 s5, $0x0  }
0x1f: {  	s9 =	smul.u32 $0xF7A, s1;
	s8 =	simm.s32 @!p0 $0x1BF5;
	p2 =	por !p2, p0  }
0x20: {  	[sflag:s8] =	ssyncset.s32 @!p0 $0xFFFFF086;
	s6 =	sadd.s32 @!p0 s3, s7;
	s7 =	simm.s32 @!p0 $0x108  }
0x21: {  	s3 =	sadd.s32 s3, s9;
	s6 =	sadd.s32 @!p0 $0x88, s6;
	s7 =	simm.s32 @p2 $0x1082  }
0x22: {  	[simem:s7], [sflag:s8] =	dma.local @!p0 [hbm:s6], $0xF7A  }
0x23: {  	s9 =	sor.u32 $0xD0000000, s2;
	s6 =	simm.s32 $0x108;
	_ =	swait.ge @!p0 [sflag:s8], $0x0  }
0x24: {  	s3 =	sadd.s32 $0x88, s3;
	s6 =	simm.s32 @!p1 $0x1082;
	[sflag:s4] =	ssyncset.s32 $0xFFFFF086  }
0x25: {  	[simem:s6], [sflag:s4] =	dma.local [hbm:s3], $0xF7A  }
0x26: {  	[smem:$0x3F9B] =	sst s1;
	(tag) =	ssettag s2;
	_ =	strace s9  }
0x27: {  	s1 =	sld [smem:$0x3FAB]  }
0x28: {  	s2 =	sld [smem:$0x3FAC]  }
0x29: {  	s4 =	sld [smem:$0x3FAE]  }
0x2a: {  	p0 =	seq.s32 s5, $0x0;
	s5 =	sld [smem:$0x3FAF]  }
0x2b: {  	s6 =	sld [smem:$0x3FB0]  }
0x2c: {  	s7 =	sld [smem:$0x3FB1]  }
0x2d: {  	s3 =	simm.s32 $0x108;
	s8 =	sld [smem:$0x3FB2]  }
0x2e: {  	s3 =	simm.s32 @!p0 $0x1082;
	s9 =	sld [smem:$0x3FB3]  }
0x2f: {  	lr =	sadd.s32 s0, s3;
	s0 =	sld [smem:$0x3FAA]  }
0x30: {  	s3 =	sld [smem:$0x3FAD]  }
0x31: {  	[smem:$0x3FB6] =	sst s10  }
0x32: {  	s10 =	sld [smem:$0x3FB4];
	_ =	sdelay $0x3  }
0x33: {  	p0 =	seq.s32 s10, $0x1;
	s10 =	sld [smem:$0x3FB6];
	_ =	sdelay $0x3  }
0x34: {  	[smem:$0x3FB6] =	sst s10  }
0x35: {  	s10 =	sld [smem:$0x3FB5];
	_ =	sdelay $0x3  }
0x36: {  	p1 =	seq.s32 s10, $0x1;
	s10 =	sld [smem:$0x3FB6];
	_ =	sdelay $0x3  }
0x37: {  	[smem:$0x3FB6] =	sst s10  }
0x38: {  	s10 =	sld [smem:$0x3FB7]  }
0x39: {  	_ = 	snop;
	(pc) =	sbr.ind lr, $3  }
0x3a: {  	_ = 	snop  }
0x3b: {  	_ = 	snop  }
0x3c: {  	p2 =	seq.s32 s10, $0x1;
	s10 =	sld [smem:$0x3FB6]  }
0x3d: {  	_ =	shalt  }
0x3e: {  	_ =	shalt  }
0x3f: {  	_ =	shalt  }
0x40: {  	_ =	shalt  }
0x41: {  	_ =	shalt  }
0x42: {  	_ =	shalt  }
0x43: {  	_ =	shalt  }
0x44: {  	_ =	shalt  }
0x45: {  	_ =	shalt  }
0x46: {  	_ =	shalt  }
0x47: {  	_ =	shalt  }
0x48: {  	_ =	shalt  }
0x49: {  	_ =	shalt  }
0x4a: {  	_ =	shalt  }
0x4b: {  	_ =	shalt  }
0x4c: {  	_ =	shalt  }
0x4d: {  	_ =	shalt  }
0x4e: {  	_ =	shalt  }
0x4f: {  	_ =	shalt  }
0x50: {  	_ =	shalt  }
0x51: {  	_ =	shalt  }
0x52: {  	_ =	shalt  }
0x53: {  	_ =	shalt  }
0x54: {  	_ =	shalt  }
0x55: {  	_ =	shalt  }
0x56: {  	_ =	shalt  }
0x57: {  	_ =	shalt  }
0x58: {  	_ =	shalt  }
0x59: {  	_ =	shalt  }
0x5a: {  	_ =	shalt  }
0x5b: {  	_ =	shalt  }
0x5c: {  	_ =	shalt  }
0x5d: {  	_ =	shalt  }
0x5e: {  	_ =	shalt  }
0x5f: {  	_ =	shalt  }
0x60: {  	_ =	shalt  }
0x61: {  	_ =	shalt  }
0x62: {  	_ =	shalt  }
0x63: {  	_ =	shalt  }
0x64: {  	_ =	shalt  }
0x65: {  	_ =	shalt  }
0x66: {  	_ =	shalt  }
0x67: {  	_ =	shalt  }
0x68: {  	_ =	shalt  }
0x69: {  	_ =	shalt  }
0x6a: {  	_ =	shalt  }
0x6b: {  	_ =	shalt  }
0x6c: {  	_ =	shalt  }
0x6d: {  	_ =	shalt  }
0x6e: {  	_ =	shalt  }
0x6f: {  	_ =	shalt  }
0x70: {  	_ =	shalt  }
0x71: {  	_ =	shalt  }
0x72: {  	_ =	shalt  }
0x73: {  	_ =	shalt  }
0x74: {  	_ =	shalt  }
0x75: {  	_ =	shalt  }
0x76: {  	_ =	shalt  }
0x77: {  	_ =	shalt  }
0x78: {  	_ =	shalt  }
0x79: {  	_ =	shalt  }
0x7a: {  	_ =	shalt  }
0x7b: {  	_ =	shalt  }
0x7c: {  	_ =	shalt  }
0x7d: {  	_ =	shalt  }
0x7e: {  	_ =	shalt  }
0x7f: {  	_ =	shalt  }
0x80: {  	_ =	shalt  }
0x81: {  	_ =	shalt  }
0x82: {  	_ =	shalt  }
0x83: {  	_ =	shalt  }
0x84: {  	_ =	shalt  }
0x85: {  	_ =	shalt  }
0x86: {  	_ =	shalt  }
0x87: {  	_ =	shalt  }
.Lfunc_end0:
.L_simem_size_0:
called_computation_lowered:
.L_overlay_start_0:
0x88: {  	s2 =	sld [smem:$0x3FD9]  }
0x89: {  	s3 =	sld [smem:$0x3FFE];
	_ =	sdelay $0x1  }
0x8a: {  	s1 =	srdreg.scid  }
0x8b: {  	s0 =	sand.u32 $0x1, s1  }
0x8c: {  	s17 =	sshll.u32 s0, $0xA;
	s2 =	sadd.s32 s3, s2  }
0x8d: {  	s2 =	sadd.s32 s2, s17  }
0x8e: {  	[smem:$0x3FC2] =	sst s2  }
0x8f: {  	_ = 	snop  }
0x90: {  	s2 =	sld [smem:$0x3FD0];
	(tm) =	ssettm $0x1  }
0x91: {  	s18 =	sld [smem:$0x3FFB];
	_ =	sdelay $0x3  }
0x92: {  	_ =	strace s18  }
0x93: {  	s3 =	sld [smem:$0x3FFC];
	_ =	sdelay $0x3  }
0x94: {  	_ =	strace s3  }
0x95: {  	s3 =	sld [smem:$0x3FFD];
	_ =	sdelay $0x3  }
0x96: {  	_ =	strace s3  }
0x97: {  	_ =	strace $0x8FFFFFFF  }
0x98: {  	s19 =	sld [smem:$0x3FDB];
	_ =	sdelay $0x1  }
0x99: {  	s4 =	simm.s32 $_scs_section_size  }
0x9a: {  	s5 =	simm.s32 $_size__tile_overlayer_lowered;
	s6 =	simm.s32 $_tile_overlayer_lowered  }
0x9b: {  	s22 =	simm.s32 $0x1BFF;
	s21 =	sshll.u32 s6, $0x1;
	s3 =	sadd.s32 s4, s19  }
0x9c: {  	s7 =	simm.s32 $0x0;
	s20 =	sshll.u32 s5, $0x1;
	s5 =	sadd.s32 s21, s3  }
0x9d: {  	[timem:s7], [sflag:s22] =	dma.local [hbm:s5], s20  }
0x9e: {  	_ =	swait.ge [sflag:s22], s20  }
0x9f: {  	s4 =	ssub.s32 $0x0, s20;
	[sflag:s22] =	ssyncset.done $0x0  }
0xa0: {  	[sflag:s22] =	ssyncadd.s32 s4;
	_ =	sdelay $0x1  }
0xa1: {  	s23 =	simm.s32 $0x1B8B  }
0xa2: {  	_ =	swait.ge [sflag:s23], $0x1  }
0xa3: {  	[sflag:s23] =	ssyncset.done $0x0  }
0xa4: {  	s25 =	simm.s32 $0x1B8E;
	s24 =	sld [smem:$0x3FFE];
	[sflag:s23] =	ssyncadd.s32 $0xFFFFFFFF  }
0xa5: {  	s26 =	simm.s32 $execute0_lowered;
	[smem:$0x3FD2] =	sst s25  }
0xa6: {  	s5 =	sshll.u32 s26, $0x1;
	_ =	strace $0x80000046;
	[dreg:$0x1] =	wrdreg $0xFFFFFFFF  }
0xa7: {  	s28 =	simm.s32 $_size_execute0_lowered;
	s3 =	sadd.s32 s3, s5;
	[dreg:$0x0] =	wrdreg $0x0  }
0xa8: {  	s5 =	sshll.u32 s28, $0x1;
	[dreg:$0x2] =	wrdreg s3  }
0xa9: {  	[dreg:$0x3] =	wrdreg s5  }
0xaa: {  	[dreg:$0x4] =	wrdreg $0xC0  }
0xab: {  	_ =	task [dreg:s7], $0x5FFFF  }
0xac: {  	[dreg:$0x1] =	wrdreg $0xFFFFFFFF  }
0xad: {  	[dreg:$0x0] =	wrdreg $0x60  }
0xae: {  	[dreg:$0x2] =	wrdreg s24  }
0xaf: {  	[dreg:$0x3] =	wrdreg s2  }
0xb0: {  	[dreg:$0x4] =	wrdreg $0x0  }
0xb1: {  	[dreg:$0x5] =	wrdreg $0x3D400  }
0xb2: {  	[dreg:$0x6] =	wrdreg $0x49800  }
0xb3: {  	[dreg:$0x7] =	wrdreg $0x55C00  }
0xb4: {  	[dreg:$0x8] =	wrdreg $0x62000  }
0xb5: {  	[dreg:$0x9] =	wrdreg $0xC400  }
0xb6: {  	[dreg:$0xa] =	wrdreg $0x18800  }
0xb7: {  	[dreg:$0xb] =	wrdreg $0x24C00  }
0xb8: {  	[dreg:$0xc] =	wrdreg $0x31000  }
0xb9: {  	[dreg:$0xd] =	wrdreg $0x9  }
0xba: {  	_ =	task.clear_ibuf [dreg:s7], $0xEFFFF;
	_ =	strace $0x90000046  }
0xbb: {  	s29 =	simm.s32 $0x9;
	_ =	strace $0x80000048  }
0xbc: {  	_ =	swait.ge [sflag:s29], $0x1  }
0xbd: {  	[sflag:s29] =	ssyncadd.s32 $0xFFFFFFFF  }
0xbe: {  	_ =	strace $0x90000048  }
0xbf: {  	_ =	sfence  }
0xc0: {  	s30 =	sld [smem:$0x0];
	_ =	sdelay $0x2  }
0xc1: {  	s31 =	sshll.u32 s1, $0xD;
	s1 =	sshrl.u32 s1, $0x2  }
0xc2: {  	s3 =	sand.u32 $0x4000, s31;
	s1 =	sadd.s32 s1, s30  }
0xc3: {  	s0 =	sor.u32 s3, s0;
	s1 =	sshll.u32 s1, $0x11  }
0xc4: {  	s0 =	sor.u32 s1, s0  }
0xc5: {  	s0 =	sadd.s32 $0x8F2B, s0  }
0xc6: {  	[sflag:s0] =	ssyncadd.remote.s32 $0x1  }
0xc7: {  	_ =	sfence.sel $0xFFFF  }
0xc8: {  	[dreg:$0x0] =	wrdreg $0xFFFFFFFF;
	(pc) =	sbr.abs _section_cstart, $3  }
0xc9: {  	[dreg:$0x1] =	wrdreg $0xFFFFFFFF  }
0xca: {  	_ =	task.clear_ibuf [dreg:s7], $0x2FFFF;
	_ =	strace $0x9FFFFFFF  }
0xcb: {  	(tm) =	ssettm $0x7FFFFFFF  }
tec
execute0_lowered:
.L_overlay_start_1:
0x0: {  	(tag) =	ssettag $0x1  }
0x1: {  	s0 =	rddreg [dreg:$0x0]  }
0x2: {  	s1 =	rddreg [dreg:$0x1]  }
0x3: {  	s4 =	rddreg [dreg:$0x2]  }
0x4: {  	s17 =	rddreg [dreg:$0x3]  }
0x5: {  	s18 =	rddreg [dreg:$0x4]  }
0x6: {  	s6 =	rddreg [dreg:$0x5]  }
0x7: {  	s8 =	rddreg [dreg:$0x6]  }
0x8: {  	s9 =	rddreg [dreg:$0x7]  }
0x9: {  	s10 =	rddreg [dreg:$0x8]  }
0xa: {  	s20 =	rddreg [dreg:$0x9]  }
0xb: {  	s12 =	rddreg [dreg:$0xa]  }
0xc: {  	s19 =	stileid.u32;
	s3 =	srdreg.scid  }
0xd: {  	s5 =	simm.s32 $0x0;
	s29 =	simm.s32 $0x1;
	s30 =	simm.s32 $0x1870  }
0xe: {  	s31 =	simm.s32 $0x16440;
	s2 =	smul.u32 $0xC40, s19;
	s3 =	sand.u32 $0x1, s3  }
0xf: {  	[smem:$0x7FF] =	sst s5;
	s13 =	sadd.s32 $0x1A200, s0;
	s15 =	sadd.s32 $0x38C00, s0  }
0x10: {  	s11 =	sadd.s32 $0x1A00, s0;
	_ =	strace $0x80000047;
	[dreg:$0xe] =	wrdreg s15  }
0x11: {  	s24 =	smul.u32 $0xC380, s19;
	s16 =	sshll.u32 s3, $0x4;
	[dreg:$0xc] =	wrdreg s13  }
0x12: {  	[dreg:$0xd] =	wrdreg s11;
	s23 =	sor.u32 s19, s16;
	s4 =	sadd.s32 s2, s4  }
0x13: {  	s19 =	sshrl.u32 s24, $0x3;
	s24 =	sadd.s32 s2, s18;
	[dreg:$0xf] =	wrdreg s4  }
0x14: {  	s28 =	simm.s32 $0xB7C0;
	s6 =	sadd.s32 s2, s6;
	[dreg:$0x17] =	wrdreg s24  }
0x15: {  	s5 =	sshrl.u32 s2, $0x3;
	s8 =	sadd.s32 s2, s8;
	[dreg:$0x18] =	wrdreg s6  }
0x16: {  	s25 =	smov.u32 s17;
	s1 =	sadd.s32 s1, s5;
	[dreg:$0x19] =	wrdreg s8  }
0x17: {  	s4 =	sadd.s32 s2, s25;
	s25 =	sadd.s32 s2, s9;
	[dreg:$0x11] =	wrdreg s1  }
0x18: {  	s7 =	smul.u32 $0x31000, s3;
	s9 =	sadd.s32 s2, s20;
	[dreg:$0x1a] =	wrdreg s25  }
0x19: {  	s14 =	sadd.s32 s5, s0;
	s5 =	sadd.s32 s11, s19;
	[dreg:$0x1c] =	wrdreg s9  }
0x1a: {  	s21 =	ssub.s32 $0x2, s3;
	p0 =	sne.s32 s3, $0x0;
	[dreg:$0x15] =	wrdreg s5  }
0x1b: {  	s22 =	sshrl.u32 s21, $0x1;
	s26 =	sadd.s32 $0x32A00, s14;
	[dreg:$0x16] =	wrdreg s4  }
0x1c: {  	s7 =	sadd.s32 s2, s7;
	s17 =	sadd.s32 $0x34280, s14;
	[dreg:$0x10] =	wrdreg s26  }
0x1d: {  	s23 =	smul.u32 $0x61C0, s23;
	s19 =	sadd.s32 $0x30E, s5;
	[dreg:$0x12] =	wrdreg s17  }
0x1e: {  	s7 =	sshrl.u32 s7, $0x3;
	s20 =	sadd.s32 $0x61C, s5;
	[smem:$0x7F5] =	sst s19  }
0x1f: {  	s24 =	sadd.s32 $0xF46, s5;
	s25 =	sadd.s32 $0x1254, s5;
	[smem:$0x7F6] =	sst s20  }
0x20: {  	s9 =	simm.s32 $0x5;
	s0 =	sadd.s32 s7, s0;
	[smem:$0x7F9] =	sst s24  }
0x21: {  	s7 =	ssub.s32 s21, s22;
	s21 =	sadd.s32 $0x35B00, s14;
	[smem:$0x7FA] =	sst s25  }
0x22: {  	s22 =	sadd.s32 $0x37380, s14;
	s26 =	sadd.s32 s2, s10;
	[dreg:$0x13] =	wrdreg s21  }
0x23: {  	s10 =	sshrl.u32 s23, $0x3;
	s2 =	sadd.s32 s2, s12;
	[dreg:$0x14] =	wrdreg s22  }
0x24: {  	s16 =	sadd.s32 $0x1870, s23;
	s23 =	sadd.s32 $0xC38, s5;
	[dreg:$0x1b] =	wrdreg s26  }
0x25: {  	s20 =	simm.s32 $0x13EC0;
	s25 =	simm.s32 $0x3;
	[dreg:$0x1d] =	wrdreg s2  }
0x26: {  	s24 =	simm.s32 $0x19540;
	s19 =	simm.s32 $0x86C0;
	[smem:$0x7F8] =	sst s23  }
0x27: {  	s14 =	sadd.s32 s13, s10;
	s15 =	sadd.s32 $0x61C, s10;
	[dreg:$0x1f] =	wrdreg s16  }
0x28: {  	s3 =	sadd.s32 s11, s10;
	s12 =	sadd.s32 $0x39000, s0;
	[dreg:$0x1e] =	wrdreg s14  }
0x29: {  	s17 =	sadd.s32 $0x3C100, s0;
	s18 =	smax.u32 s7, $0x1;
	[smem:$0x7EF] =	sst s3  }
0x2a: {  	s22 =	sadd.s32 $0x92A, s5;
	s26 =	sadd.s32 $0x1562, s5;
	[smem:$0x7F0] =	sst s12  }
0x2b: {  	s10 =	simm.s32 $0x1EB40;
	s7 =	simm.s32 $0x1ADC0;
	[smem:$0x7F2] =	sst s17  }
0x2c: {  	s2 =	simm.s32 $0x0;
	s23 =	simm.s32 $0xD040;
	[smem:$0x7F4] =	sst s18  }
0x2d: {  	s3 =	sadd.s32 s13, s15;
	s21 =	sadd.s32 s11, s15;
	[smem:$0x7F7] =	sst s22  }
0x2e: {  	s15 =	sadd.s32 $0x3A880, s0;
	s0 =	sadd.s32 $0x3D980, s0;
	[smem:$0x7FB] =	sst s26  }
0x2f: {  	s12 =	simm.s32 $0x13240;
	s17 =	simm.s32 $0x4;
	[smem:$0x7F1] =	sst s15  }
0x30: {  	s22 =	simm.s32 $0x9F40;
	s26 =	simm.s32 $0xE8C0;
	[smem:$0x7F3] =	sst s0  }
0x31: {  	s18 =	simm.s32 $0x119C0;
	s11 =	simm.s32 $0x1ADC0;
	[smem:$0x7FC] =	sst s3  }
0x32: {  	v0 =	vimm.f32 $0.0e+00;
	s15 =	simm.s32 $0x19540;
	s0 =	simm.s32 $0x16440;
	[smem:$0x7FD] =	sst s21  }
.LBB2_1:
0x33: {  	[smem:$0x7EE] =	sst s2;
	s1 =	simm.s32 $0x40;
	s2 =	simm.s32 $0x0  }
.LBB2_2:
0x34: {  	p1 =	sne.s32 s1, $0x30C0;
	[tilespmem:s2+$0x1EB40] =	vst v0;
	s2 =	smov.u32 s1;
	s1 =	sadd.s32 $0x40, s1  }
.Ltmp0:
0x35: {  	(pc) =	sbr.rel @p1 .LBB2_2-.Ltmp0, $2  }
0x36: {  	_ =	sdelay $0x2  }
0x37: {  	s2 =	sshra.s32 s2, $0x2  }
0x38: {  	[tilespmem:s2+$0x1EB40] =	vst v0;
	s1 =	simm.s32 $0x0;
	s13 =	rddreg [dreg:$0xe];
	s5 =	simm.s32 $0x1C640  }
0x39: {  	[tilespmem:s5], [sflag:$0x5] =	stream.linear.gather [hbm4b:s13+s1], $0x1880, $0x38;
	[tilespmem:$0x1F7C0] =	vst v63  }
0x3a: {  	_ =	swait.ge [sflag:s9], $0x1880  }
0x3b: {  	[sflag:s9] =	ssyncset.done $0x0  }
0x3c: {  	s3 =	rddreg [dreg:$0xf];
	[sflag:s9] =	ssyncadd.s32 $0xFFFFE780  }
0x3d: {  	[spmem:s3] =	stream.linear.scatter [tilespmem:s10], [sflag:$0x5], $0xC40, $0x38;
	[tilespmem:$0x1F7C0] =	vst v63  }
0x3e: {  	_ =	swait.ge [sflag:s9], $0xC40  }
0x3f: {  	[sflag:s9] =	ssyncset.done $0x0  }
0x40: {  	[sflag:s9] =	ssyncadd.s32 $0xFFFFF3C0  }
0x41: {  	[spmem:s4] =	stream.linear.scatter [tilespmem:s10], [sflag:$0x5], $0xC40, $0x38;
	[tilespmem:$0x1F7C0] =	vst v63  }
0x42: {  	_ =	swait.ge [sflag:s9], $0xC40  }
0x43: {  	[sflag:s9] =	ssyncset.done $0x0  }
0x44: {  	s14 =	rddreg [dreg:$0x17];
	[sflag:s9] =	ssyncadd.s32 $0xFFFFF3C0  }
0x45: {  	[spmem:s14] =	stream.linear.scatter [tilespmem:s10], [sflag:$0x5], $0xC40, $0x38;
	[tilespmem:$0x1F7C0] =	vst v63  }
0x46: {  	_ =	swait.ge [sflag:s9], $0xC40  }
0x47: {  	[sflag:s9] =	ssyncset.done $0x0  }
0x48: {  	[sflag:s9] =	ssyncadd.s32 $0xFFFFF3C0  }
0x49: {  	[spmem:s6] =	stream.linear.scatter [tilespmem:s10], [sflag:$0x5], $0xC40, $0x38;
	[tilespmem:$0x1F7C0] =	vst v63  }
0x4a: {  	_ =	swait.ge [sflag:s9], $0xC40  }
0x4b: {  	[sflag:s9] =	ssyncset.done $0x0  }
0x4c: {  	[sflag:s9] =	ssyncadd.s32 $0xFFFFF3C0  }
0x4d: {  	[spmem:s8] =	stream.linear.scatter [tilespmem:s10], [sflag:$0x5], $0xC40, $0x38;
	[tilespmem:$0x1F7C0] =	vst v63  }
0x4e: {  	_ =	swait.ge [sflag:s9], $0xC40  }
0x4f: {  	[sflag:s9] =	ssyncset.done $0x0  }
0x50: {  	s16 =	rddreg [dreg:$0x10];
	[sflag:s9] =	ssyncadd.s32 $0xFFFFF3C0  }
0x51: {  	[tilespmem:s12], [sflag:$0x2] =	stream.linear.gather [hbm4b:s16+s1], $0xC40, $0x38;
	[tilespmem:$0x1F7C0] =	vst v63  }
0x52: {  	s21 =	rddreg [dreg:$0x12]  }
0x53: {  	[tilespmem:s20], [sflag:$0x2] =	stream.linear.gather [hbm4b:s21+s1], $0xC40, $0x38;
	[tilespmem:$0x1F7C0] =	vst v63  }
0x54: {  	s6 =	simm.s32 $0x14B40;
	s4 =	rddreg [dreg:$0x13]  }
0x55: {  	[tilespmem:s6], [sflag:$0x2] =	stream.linear.gather [hbm4b:s4+s1], $0xC40, $0x38;
	[tilespmem:$0x1F7C0] =	vst v63  }
0x56: {  	s10 =	simm.s32 $0x157C0;
	s8 =	rddreg [dreg:$0x14]  }
0x57: {  	[tilespmem:s10], [sflag:$0x2] =	stream.linear.gather [hbm4b:s8+s1], $0xC40, $0x38;
	[tilespmem:$0x1F7C0] =	vst v63  }
0x58: {  	[bflag:$0x0] =	sbarrier.arrive $0xFFFF  }
0x59: {  	s13 =	rddreg [dreg:$0x15]  }
0x5a: {  	[tilespmem:s15], [sflag:$0x1] =	stream.linear.gather [hbm4b:s13+s1], $0x1870, $0x38;
	[tilespmem:$0x1F7C0] =	vst v63  }
0x5b: {  	_ =	swait.ge [sflag:s29], $0x1870  }
0x5c: {  	s14 =	sld [smem:$0x7F5]  }
0x5d: {  	[sflag:s29] =	ssyncset.done $0x0  }
0x5e: {  	[sflag:s29] =	ssyncadd.s32 $0xFFFFE790  }
0x5f: {  	[tilespmem:s7], [sflag:$0x1] =	stream.linear.gather [hbm4b:s14+s1], $0x1870, $0x38;
	[tilespmem:$0x1F7C0] =	vst v63  }
0x60: {  	s16 =	rddreg [dreg:$0x2]  }
0x61: {  	[spmem:s16] =	stream.indirect.scatter.add.f32 [tilespmem:s5], [sflag:$0x4], $0x1, s15, s30, $0xb8;
	[tilespmem:$0x1F7C0] =	vst v63  }
0x62: {  	_ =	swait.ge [sflag:s29], $0x1870  }
0x63: {  	[sflag:s29] =	ssyncset.done $0x0  }
0x64: {  	[sflag:s29] =	ssyncadd.s32 $0xFFFFE790  }
0x65: {  	_ =	swait.ge [sflag:s17], $0x1870  }
0x66: {  	s21 =	sld [smem:$0x7F6]  }
0x67: {  	[sflag:s17] =	ssyncset.done $0x0  }
0x68: {  	[sflag:s17] =	ssyncadd.s32 $0xFFFFE790  }
0x69: {  	[tilespmem:s15], [sflag:$0x1] =	stream.linear.gather [hbm4b:s21+s1], $0x1870, $0x38;
	[tilespmem:$0x1F7C0] =	vst v63  }
0x6a: {  	_ = 	snop  }
0x6b: {  	[spmem:s16] =	stream.indirect.scatter.add.f32 [tilespmem:s5], [sflag:$0x4], $0x1, s7, s30, $0xb8;
	[tilespmem:$0x1F7C0] =	vst v63  }
0x6c: {  	_ =	swait.ge [sflag:s29], $0x1870  }
0x6d: {  	[sflag:s29] =	ssyncset.done $0x0  }
0x6e: {  	[sflag:s29] =	ssyncadd.s32 $0xFFFFE790  }
0x6f: {  	_ =	swait.ge [sflag:s17], $0x1870  }
0x70: {  	s6 =	sld [smem:$0x7F7]  }
0x71: {  	[sflag:s17] =	ssyncset.done $0x0  }
0x72: {  	[sflag:s17] =	ssyncadd.s32 $0xFFFFE790  }
0x73: {  	[tilespmem:s7], [sflag:$0x1] =	stream.linear.gather [hbm4b:s6+s1], $0x1870, $0x38;
	[tilespmem:$0x1F7C0] =	vst v63  }
0x74: {  	_ = 	snop  }
0x75: {  	[spmem:s16] =	stream.indirect.scatter.add.f32 [tilespmem:s5], [sflag:$0x4], $0x1, s15, s30, $0xb8;
	[tilespmem:$0x1F7C0] =	vst v63  }
0x76: {  	_ =	swait.ge [sflag:s29], $0x1870  }
0x77: {  	[sflag:s29] =	ssyncset.done $0x0  }
0x78: {  	[sflag:s29] =	ssyncadd.s32 $0xFFFFE790  }
0x79: {  	_ =	swait.ge [sflag:s17], $0x1870  }
0x7a: {  	s8 =	sld [smem:$0x7F8]  }
0x7b: {  	[sflag:s17] =	ssyncset.done $0x0  }
0x7c: {  	[sflag:s17] =	ssyncadd.s32 $0xFFFFE790  }
0x7d: {  	[tilespmem:s15], [sflag:$0x1] =	stream.linear.gather [hbm4b:s8+s1], $0x1870, $0x38;
	[tilespmem:$0x1F7C0] =	vst v63  }
0x7e: {  	_ = 	snop  }
0x7f: {  	[spmem:s16] =	stream.indirect.scatter.add.f32 [tilespmem:s5], [sflag:$0x4], $0x1, s7, s30, $0xb8;
	[tilespmem:$0x1F7C0] =	vst v63  }
0x80: {  	_ =	swait.ge [sflag:s29], $0x1870  }
0x81: {  	[sflag:s29] =	ssyncset.done $0x0  }
0x82: {  	[sflag:s29] =	ssyncadd.s32 $0xFFFFE790  }
0x83: {  	_ =	swait.ge [sflag:s17], $0x1870  }
0x84: {  	s10 =	sld [smem:$0x7F9]  }
0x85: {  	[sflag:s17] =	ssyncset.done $0x0  }
0x86: {  	[sflag:s17] =	ssyncadd.s32 $0xFFFFE790  }
0x87: {  	[tilespmem:s7], [sflag:$0x1] =	stream.linear.gather [hbm4b:s10+s1], $0x1870, $0x38;
	[tilespmem:$0x1F7C0] =	vst v63  }
0x88: {  	_ = 	snop  }
0x89: {  	[spmem:s16] =	stream.indirect.scatter.add.f32 [tilespmem:s5], [sflag:$0x4], $0x1, s15, s30, $0xb8;
	[tilespmem:$0x1F7C0] =	vst v63  }
0x8a: {  	_ =	swait.ge [sflag:s29], $0x1870  }
0x8b: {  	[sflag:s29] =	ssyncset.done $0x0  }
0x8c: {  	[sflag:s29] =	ssyncadd.s32 $0xFFFFE790  }
0x8d: {  	_ =	swait.ge [sflag:s17], $0x1870  }
0x8e: {  	s13 =	sld [smem:$0x7FA]  }
0x8f: {  	[sflag:s17] =	ssyncset.done $0x0  }
0x90: {  	[sflag:s17] =	ssyncadd.s32 $0xFFFFE790  }
0x91: {  	[tilespmem:s15], [sflag:$0x1] =	stream.linear.gather [hbm4b:s13+s1], $0x1870, $0x38;
	[tilespmem:$0x1F7C0] =	vst v63  }
0x92: {  	_ = 	snop  }
0x93: {  	[spmem:s16] =	stream.indirect.scatter.add.f32 [tilespmem:s5], [sflag:$0x4], $0x1, s7, s30, $0xb8;
	[tilespmem:$0x1F7C0] =	vst v63  }
0x94: {  	_ =	swait.ge [sflag:s29], $0x1870  }
0x95: {  	[sflag:s29] =	ssyncset.done $0x0  }
0x96: {  	[sflag:s29] =	ssyncadd.s32 $0xFFFFE790  }
0x97: {  	_ =	swait.ge [sflag:s17], $0x1870  }
0x98: {  	s14 =	sld [smem:$0x7FB]  }
0x99: {  	[sflag:s17] =	ssyncset.done $0x0  }
0x9a: {  	[sflag:s17] =	ssyncadd.s32 $0xFFFFE790  }
0x9b: {  	[tilespmem:s7], [sflag:$0x1] =	stream.linear.gather [hbm4b:s14+s1], $0x1870, $0x38;
	[tilespmem:$0x1F7C0] =	vst v63  }
0x9c: {  	_ = 	snop  }
0x9d: {  	[spmem:s16] =	stream.indirect.scatter.add.f32 [tilespmem:s5], [sflag:$0x4], $0x1, s15, s30, $0xb8;
	[tilespmem:$0x1F7C0] =	vst v63  }
0x9e: {  	_ =	swait.ge [sflag:s29], $0x1870  }
0x9f: {  	[sflag:s29] =	ssyncset.done $0x0  }
0xa0: {  	[sflag:s29] =	ssyncadd.s32 $0xFFFFE790  }
0xa1: {  	_ =	swait.ge [sflag:s17], $0x1870  }
0xa2: {  	[sflag:s17] =	ssyncset.done $0x0  }
0xa3: {  	[sflag:s17] =	ssyncadd.s32 $0xFFFFE790  }
0xa4: {  	[spmem:s16] =	stream.indirect.scatter.add.f32 [tilespmem:s5], [sflag:$0x4], $0x1, s7, s30, $0xb8;
	[tilespmem:$0x1F7C0] =	vst v63  }
0xa5: {  	_ =	swait.ge [sflag:s17], $0x1870  }
0xa6: {  	[sflag:s17] =	ssyncset.done $0x0  }
0xa7: {  	[sflag:s17] =	ssyncadd.s32 $0xFFFFE790  }
0xa8: {  	s16 =	simm.s32 $0x1DEC0;
	[bflag:$0x0] =	sbarrier.arrive $0xFFFF  }
0xa9: {  	[tilespmem:s16], [sflag:$0x5] =	stream.linear.gather [spmem:s3], $0xC40, $0x38;
	[tilespmem:$0x1F7C0] =	vst v63  }
0xaa: {  	_ =	swait.ge [sflag:s9], $0xC40  }
0xab: {  	[sflag:s9] =	ssyncset.done $0x0  }
0xac: {  	s21 =	simm.s32 $0x2;
	[sflag:s9] =	ssyncadd.s32 $0xFFFFF3C0  }
0xad: {  	_ =	swait.ge [sflag:s21], $0xC40  }
0xae: {  	[sflag:s21] =	ssyncset.done $0x0  }
0xaf: {  	[sflag:s21] =	ssyncadd.s32 $0xFFFFF3C0  }
0xb0: {  	_ =	swait.ge [sflag:s21], $0xC40  }
0xb1: {  	[sflag:s21] =	ssyncset.done $0x0  }
0xb2: {  	[sflag:s21] =	ssyncadd.s32 $0xFFFFF3C0  }
0xb3: {  	_ =	swait.ge [sflag:s21], $0xC40  }
0xb4: {  	[sflag:s21] =	ssyncset.done $0x0  }
0xb5: {  	[sflag:s21] =	ssyncadd.s32 $0xFFFFF3C0  }
0xb6: {  	_ =	swait.ge [sflag:s21], $0xC40  }
0xb7: {  	[sflag:s21] =	ssyncset.done $0x0  }
0xb8: {  	s1 =	simm.s32 $0x0;
	[sflag:s21] =	ssyncadd.s32 $0xFFFFF3C0  }
0xb9: {  	v1 =	vld [tilespmem:s1+$0x1DEC0];
	_ =	sdelay $0x4  }
0xba: {  	v1 =	vadd.f32 $1.000000000e+00, v1;
	_ =	sdelay $0x1  }
0xbb: {  	v2 =	vshrl.u32 v1, $0x1;
	v1 =	vmul.f32 $5.000000000e-01, v1  }
0xbc: {  	v2 =	vsub.s32 $0x5F3759DF, v2  }
0xbd: {  	v3 =	vmul.f32 v2, v1;
	_ =	sdelay $0x1  }
0xbe: {  	v3 =	vmul.f32 v2, v3;
	_ =	sdelay $0x1  }
0xbf: {  	v3 =	vsub.f32 $1.500000000e+00, v3;
	_ =	sdelay $0x1  }
0xc0: {  	v2 =	vmul.f32 v2, v3;
	_ =	sdelay $0x1  }
0xc1: {  	v3 =	vmul.f32 v2, v1;
	_ =	sdelay $0x1  }
0xc2: {  	v3 =	vmul.f32 v3, v2;
	_ =	sdelay $0x1  }
0xc3: {  	v3 =	vsub.f32 $1.500000000e+00, v3;
	_ =	sdelay $0x1  }
0xc4: {  	v5 =	vmul.f32 v3, v2;
	_ =	sdelay $0x1  }
0xc5: {  	v1 =	vmul.f32 v5, v1  }
0xc6: {  	v4 =	vld [tilespmem:s1+$0x157C0]  }
0xc7: {  	v2 =	vld [tilespmem:s1+$0x14B40];
	v3 =	vmul.f32 v1, v5  }
0xc8: {  	v1 =	vld [tilespmem:s1+$0x13240]  }
0xc9: {  	v6 =	vsub.f32 $1.500000000e+00, v3;
	v3 =	vld [tilespmem:s1+$0x13EC0];
	_ =	sdelay $0x1  }
0xca: {  	s2 =	simm.s32 $0x80;
	s3 =	simm.s32 $0x40;
	v5 =	vmul.f32 v6, v5  }
.LBB2_4:
0xcb: {  	p1 =	sne.s32 s2, $0x30C0  }
0xcc: {  	s4 =	sshra.s32 s3, $0x2;
	s3 =	smov.u32 s2;
	[tilespmem:s1+$0x1DEC0] =	vst v5;
	v2 =	vmul.f32 v5, v2;
	v4 =	vmul.f32 v5, v4  }
0xcd: {  	v1 =	vmul.f32 v5, v1;
	v6 =	vld [tilespmem:s4+$0x1DEC0];
	v3 =	vmul.f32 v5, v3  }
0xce: {  	[tilespmem:s1+$0x157C0] =	vst v4  }
0xcf: {  	[tilespmem:s1+$0x14B40] =	vst v2  }
0xd0: {  	[tilespmem:s1+$0x13EC0] =	vst v3  }
0xd1: {  	[tilespmem:s1+$0x13240] =	vst v1;
	s1 =	smov.u32 s4  }
0xd2: {  	v1 =	vadd.f32 $1.000000000e+00, v6;
	_ =	sdelay $0x1  }
0xd3: {  	v2 =	vshrl.u32 v1, $0x1;
	v1 =	vmul.f32 $5.000000000e-01, v1  }
0xd4: {  	v2 =	vsub.s32 $0x5F3759DF, v2  }
0xd5: {  	v3 =	vmul.f32 v2, v1;
	_ =	sdelay $0x1  }
0xd6: {  	v3 =	vmul.f32 v2, v3;
	_ =	sdelay $0x1  }
0xd7: {  	v3 =	vsub.f32 $1.500000000e+00, v3;
	_ =	sdelay $0x1  }
0xd8: {  	v2 =	vmul.f32 v2, v3;
	_ =	sdelay $0x1  }
0xd9: {  	v3 =	vmul.f32 v2, v1;
	_ =	sdelay $0x1  }
0xda: {  	v3 =	vmul.f32 v3, v2;
	_ =	sdelay $0x1  }
0xdb: {  	v3 =	vsub.f32 $1.500000000e+00, v3;
	_ =	sdelay $0x1  }
0xdc: {  	v5 =	vmul.f32 v3, v2;
	_ =	sdelay $0x1  }
0xdd: {  	v2 =	vmul.f32 v5, v1  }
0xde: {  	v1 =	vld [tilespmem:s1+$0x13240]  }
.Ltmp1:
0xdf: {  	v3 =	vmul.f32 v2, v5;
	v2 =	vld [tilespmem:s1+$0x14B40];
	(pc) =	sbr.rel @p1 .LBB2_4-.Ltmp1, $3  }
0xe0: {  	v4 =	vld [tilespmem:s1+$0x157C0]  }
0xe1: {  	v6 =	vsub.f32 $1.500000000e+00, v3;
	v3 =	vld [tilespmem:s1+$0x13EC0];
	_ =	sdelay $0x1  }
0xe2: {  	s2 =	sadd.s32 $0x40, s2;
	v5 =	vmul.f32 v6, v5  }
0xe3: {  	_ = 	snop  }
0xe4: {  	s2 =	sshra.s32 s3, $0x2;
	[tilespmem:s1+$0x1DEC0] =	vst v5  }
0xe5: {  	v6 =	vld [tilespmem:s2+$0x1DEC0];
	_ =	sdelay $0x4  }
0xe6: {  	v6 =	vadd.f32 $1.000000000e+00, v6;
	_ =	sdelay $0x1  }
0xe7: {  	v7 =	vshrl.u32 v6, $0x1;
	v6 =	vmul.f32 $5.000000000e-01, v6  }
0xe8: {  	v7 =	vsub.s32 $0x5F3759DF, v7  }
0xe9: {  	v8 =	vmul.f32 v7, v6;
	_ =	sdelay $0x1  }
0xea: {  	v8 =	vmul.f32 v7, v8;
	_ =	sdelay $0x1  }
0xeb: {  	v8 =	vsub.f32 $1.500000000e+00, v8;
	_ =	sdelay $0x1  }
0xec: {  	v7 =	vmul.f32 v7, v8;
	_ =	sdelay $0x1  }
0xed: {  	v8 =	vmul.f32 v7, v6;
	_ =	sdelay $0x1  }
0xee: {  	v8 =	vmul.f32 v8, v7;
	_ =	sdelay $0x1  }
0xef: {  	v8 =	vsub.f32 $1.500000000e+00, v8  }
0xf0: {  	v4 =	vmul.f32 v5, v4  }
0xf1: {  	v2 =	vmul.f32 v5, v2;
	v7 =	vmul.f32 v8, v7  }
0xf2: {  	v1 =	vmul.f32 v5, v1;
	[tilespmem:s1+$0x157C0] =	vst v4  }
0xf3: {  	v3 =	vmul.f32 v5, v3;
	[tilespmem:s1+$0x14B40] =	vst v2;
	v2 =	vmul.f32 v7, v6  }
0xf4: {  	[tilespmem:s1+$0x13240] =	vst v1  }
0xf5: {  	[tilespmem:s1+$0x13EC0] =	vst v3;
	v1 =	vmul.f32 v2, v7  }
0xf6: {  	v2 =	vld [tilespmem:s2+$0x157C0]  }
0xf7: {  	v3 =	vld [tilespmem:s2+$0x14B40];
	v1 =	vsub.f32 $1.500000000e+00, v1  }
0xf8: {  	v4 =	vld [tilespmem:s2+$0x13EC0]  }
0xf9: {  	v63 =	vld [tilespmem:s2+$0x13240];
	v1 =	vmul.f32 v1, v7;
	_ =	sdelay $0x1  }
0xfa: {  	v2 =	vmul.f32 v1, v2  }
0xfb: {  	[tilespmem:s2+$0x1DEC0] =	vst v1;
	v3 =	vmul.f32 v1, v3  }
0xfc: {  	v4 =	vmul.f32 v1, v4;
	[tilespmem:s2+$0x157C0] =	vst v2  }
0xfd: {  	v1 =	vmul.f32 v1, v63;
	[tilespmem:s2+$0x14B40] =	vst v3  }
0xfe: {  	[tilespmem:s2+$0x13EC0] =	vst v4  }
0xff: {  	s8 =	rddreg [dreg:$0x1a];
	[tilespmem:s2+$0x13240] =	vst v1  }
0x100: {  	[spmem:s8] =	stream.linear.scatter [tilespmem:s12], [sflag:$0x5], $0xC40, $0x38;
	[tilespmem:$0x1F7C0] =	vst v63  }
0x101: {  	_ =	swait.ge [sflag:s9], $0xC40  }
0x102: {  	[sflag:s9] =	ssyncset.done $0x0  }
0x103: {  	s10 =	rddreg [dreg:$0x1b];
	[sflag:s9] =	ssyncadd.s32 $0xFFFFF3C0  }
0x104: {  	[spmem:s10] =	stream.linear.scatter [tilespmem:s20], [sflag:$0x5], $0xC40, $0x38;
	[tilespmem:$0x1F7C0] =	vst v63  }
0x105: {  	_ =	swait.ge [sflag:s9], $0xC40  }
0x106: {  	[sflag:s9] =	ssyncset.done $0x0  }
0x107: {  	s13 =	simm.s32 $0x14B40;
	s12 =	rddreg [dreg:$0x1c];
	[sflag:s9] =	ssyncadd.s32 $0xFFFFF3C0  }
0x108: {  	[spmem:s12] =	stream.linear.scatter [tilespmem:s13], [sflag:$0x5], $0xC40, $0x38;
	[tilespmem:$0x1F7C0] =	vst v63  }
0x109: {  	_ =	swait.ge [sflag:s9], $0xC40  }
0x10a: {  	[sflag:s9] =	ssyncset.done $0x0  }
0x10b: {  	s16 =	simm.s32 $0x157C0;
	s14 =	rddreg [dreg:$0x1d];
	[sflag:s9] =	ssyncadd.s32 $0xFFFFF3C0  }
0x10c: {  	[spmem:s14] =	stream.linear.scatter [tilespmem:s16], [sflag:$0x5], $0xC40, $0x38;
	[tilespmem:$0x1F7C0] =	vst v63  }
0x10d: {  	_ =	swait.ge [sflag:s9], $0xC40  }
0x10e: {  	s1 =	simm.s32 @!p0 $0x0;
	[sflag:s9] =	ssyncset.done $0x0  }
0x10f: {  	s2 =	simm.s32 @!p0 $0x1DEC0;
	s3 =	rddreg [dreg:$0x11];
	[sflag:s9] =	ssyncadd.s32 $0xFFFFF3C0  }
0x110: {  	[hbm4b:s3+s1] =	stream.linear.scatter @!p0 [tilespmem:s2], [sflag:$0x5], $0xC40, $0x38;
	[tilespmem:$0x1F7C0] =	vst v63  }
0x111: {  	s1 =	simm.s32 @!p0 $0x5  }
0x112: {  	_ =	swait.ge @!p0 [sflag:s1], $0xC40  }
0x113: {  	[sflag:s1] =	ssyncset.done @!p0 $0x0  }
0x114: {  	[sflag:s1] =	ssyncadd.s32 @!p0 $0xFFFFF3C0  }
0x115: {  	[bflag:$0x0] =	sbarrier.arrive $0xFFFF  }
0x116: {  	s20 =	rddreg [dreg:$0x1e]  }
0x117: {  	s21 =	sld [smem:$0x7EF]  }
0x118: {  	s3 =	rddreg [dreg:$0x3]  }
0x119: {  	s4 =	rddreg [dreg:$0x4]  }
0x11a: {  	s6 =	rddreg [dreg:$0x5]  }
0x11b: {  	s8 =	rddreg [dreg:$0x6]  }
0x11c: {  	s9 =	rddreg [dreg:$0x7]  }
0x11d: {  	s10 =	rddreg [dreg:$0x8]  }
0x11e: {  	s12 =	rddreg [dreg:$0xa]  }
0x11f: {  	s13 =	rddreg [dreg:$0xc]  }
0x120: {  	p1 =	por $0x1, $0x1;
	s14 =	rddreg [dreg:$0x1f]  }
0x121: {  	p2 =	por $0x0, $0x0;
	s1 =	simm.s32 $0x0;
	s16 =	sld [smem:$0x7FC]  }
0x122: {  	[tilespmem:s0], [sflag:$0x1] =	stream.linear.gather [hbm4b:s20+s1], $0x1870, $0x38;
	[tilespmem:$0x1F7C0] =	vst v63  }
0x123: {  	s5 =	simm.s32 $0x0;
	s7 =	simm.s32 $0x17CC0;
	s20 =	rddreg [dreg:$0x9]  }
0x124: {  	[tilespmem:s15], [sflag:$0x1] =	stream.linear.gather [hbm4b:s21+s1], $0x1870, $0x38;
	[tilespmem:$0x1F7C0] =	vst v63  }
0x125: {  	s0 =	simm.s32 $0x10140;
	s21 =	sld [smem:$0x7FD];
	s15 =	simm.s32 $0x6E40  }
.LBB2_6:
0x126: {  	_ =	swait.ge [sflag:s29], $0x1870  }
0x127: {  	[sflag:s29] =	ssyncset.done $0x0  }
0x128: {  	[sflag:s29] =	ssyncadd.s32 $0xFFFFE790  }
0x129: {  	_ =	swait.ge [sflag:s29], $0x1870  }
0x12a: {  	[sflag:s29] =	ssyncset.done $0x0  }
0x12b: {  	[sflag:s29] =	ssyncadd.s32 $0xFFFFE790  }
0x12c: {  	[tilespmem:s15], [sflag:$0x3] =	stream.indirect.gather [spmem:s9], $0x1, s31, s30, $0xb8;
	[tilespmem:$0x1F7C0] =	vst v63  }
0x12d: {  	_ = 	snop  }
0x12e: {  	[tilespmem:s22], [sflag:$0x3] =	stream.indirect.gather [spmem:s10], $0x1, s31, s30, $0xb8;
	[tilespmem:$0x1F7C0] =	vst v63  }
0x12f: {  	_ = 	snop  }
0x130: {  	[tilespmem:s23], [sflag:$0x3] =	stream.indirect.gather [spmem:s20], $0x1, s31, s30, $0xb8;
	[tilespmem:$0x1F7C0] =	vst v63  }
0x131: {  	s2 =	simm.s32 @p2 $0x4  }
0x132: {  	[tilespmem:s0], [sflag:$0x3] =	stream.indirect.gather [spmem:s12], $0x1, s31, s30, $0xb8;
	[tilespmem:$0x1F7C0] =	vst v63  }
0x133: {  	_ =	swait.ge @p2 [sflag:s2], $0x1870  }
0x134: {  	[sflag:s2] =	ssyncset.done @p2 $0x0  }
0x135: {  	[sflag:s2] =	ssyncadd.s32 @p2 $0xFFFFE790  }
0x136: {  	_ =	swait.ge @p2 [sflag:s2], $0x1870  }
0x137: {  	[sflag:s2] =	ssyncset.done @p2 $0x0  }
0x138: {  	[sflag:s2] =	ssyncadd.s32 @p2 $0xFFFFE790  }
0x139: {  	_ =	swait.ge @p2 [sflag:s2], $0x1870  }
0x13a: {  	[sflag:s2] =	ssyncset.done @p2 $0x0  }
0x13b: {  	[sflag:s2] =	ssyncadd.s32 @p2 $0xFFFFE790  }
0x13c: {  	s1 =	sadd.s32 s1, s14;
	_ =	swait.ge @p2 [sflag:s2], $0x1870  }
0x13d: {  	s1 =	sshrl.u32 s1, $0x3;
	[sflag:s2] =	ssyncset.done @p2 $0x0  }
0x13e: {  	[sflag:s2] =	ssyncadd.s32 @p2 $0xFFFFE790;
	s2 =	sadd.s32 s13, s1  }
0x13f: {  	[tilespmem:s7], [sflag:$0x1] =	stream.linear.gather [hbm4b:s2+s5], $0x1870, $0x38;
	[tilespmem:$0x1F7C0] =	vst v63  }
0x140: {  	s2 =	rddreg [dreg:$0xd]  }
0x141: {  	s1 =	sadd.s32 s2, s1  }
0x142: {  	[tilespmem:s11], [sflag:$0x1] =	stream.linear.gather [hbm4b:s1+s5], $0x1870, $0x38;
	[tilespmem:$0x1F7C0] =	vst v63  }
0x143: {  	_ =	swait.ge [sflag:s25], $0x1870  }
0x144: {  	[sflag:s25] =	ssyncset.done $0x0  }
0x145: {  	[sflag:s25] =	ssyncadd.s32 $0xFFFFE790  }
0x146: {  	_ =	swait.ge [sflag:s25], $0x1870  }
0x147: {  	[sflag:s25] =	ssyncset.done $0x0  }
0x148: {  	[sflag:s25] =	ssyncadd.s32 $0xFFFFE790  }
0x149: {  	_ =	swait.ge [sflag:s25], $0x1870  }
0x14a: {  	[sflag:s25] =	ssyncset.done $0x0  }
0x14b: {  	[sflag:s25] =	ssyncadd.s32 $0xFFFFE790  }
0x14c: {  	_ =	swait.ge [sflag:s25], $0x1870  }
0x14d: {  	[sflag:s25] =	ssyncset.done $0x0  }
0x14e: {  	[sflag:s25] =	ssyncadd.s32 $0xFFFFE790  }
0x14f: {  	[spmem:s3] =	stream.indirect.scatter.add.f32 [tilespmem:s15], [sflag:$0x4], $0x1, s24, s30, $0xb8;
	[tilespmem:$0x1F7C0] =	vst v63  }
0x150: {  	_ = 	snop  }
0x151: {  	[spmem:s4] =	stream.indirect.scatter.add.f32 [tilespmem:s22], [sflag:$0x4], $0x1, s24, s30, $0xb8;
	[tilespmem:$0x1F7C0] =	vst v63  }
0x152: {  	_ = 	snop  }
0x153: {  	[spmem:s6] =	stream.indirect.scatter.add.f32 [tilespmem:s23], [sflag:$0x4], $0x1, s24, s30, $0xb8;
	[tilespmem:$0x1F7C0] =	vst v63  }
0x154: {  	_ = 	snop  }
0x155: {  	[spmem:s8] =	stream.indirect.scatter.add.f32 [tilespmem:s0], [sflag:$0x4], $0x1, s24, s30, $0xb8;
	[tilespmem:$0x1F7C0] =	vst v63  }
0x156: {  	_ =	swait.ge [sflag:s29], $0x1870  }
0x157: {  	[sflag:s29] =	ssyncset.done $0x0  }
0x158: {  	[sflag:s29] =	ssyncadd.s32 $0xFFFFE790  }
0x159: {  	_ =	swait.ge [sflag:s29], $0x1870  }
0x15a: {  	[sflag:s29] =	ssyncset.done $0x0  }
0x15b: {  	[sflag:s29] =	ssyncadd.s32 $0xFFFFE790  }
0x15c: {  	[tilespmem:s19], [sflag:$0x3] =	stream.indirect.gather [spmem:s9], $0x1, s7, s30, $0xb8;
	[tilespmem:$0x1F7C0] =	vst v63  }
0x15d: {  	_ = 	snop  }
0x15e: {  	[tilespmem:s28], [sflag:$0x3] =	stream.indirect.gather [spmem:s10], $0x1, s7, s30, $0xb8;
	[tilespmem:$0x1F7C0] =	vst v63  }
0x15f: {  	_ = 	snop  }
0x160: {  	[tilespmem:s26], [sflag:$0x3] =	stream.indirect.gather [spmem:s20], $0x1, s7, s30, $0xb8;
	[tilespmem:$0x1F7C0] =	vst v63  }
0x161: {  	_ = 	snop  }
0x162: {  	[tilespmem:s18], [sflag:$0x3] =	stream.indirect.gather [spmem:s12], $0x1, s7, s30, $0xb8;
	[tilespmem:$0x1F7C0] =	vst v63  }
0x163: {  	_ =	swait.ge [sflag:s17], $0x1870  }
0x164: {  	[sflag:s17] =	ssyncset.done $0x0  }
0x165: {  	[sflag:s17] =	ssyncadd.s32 $0xFFFFE790  }
0x166: {  	_ =	swait.ge [sflag:s17], $0x1870  }
0x167: {  	[sflag:s17] =	ssyncset.done $0x0  }
0x168: {  	[sflag:s17] =	ssyncadd.s32 $0xFFFFE790  }
0x169: {  	_ =	swait.ge [sflag:s17], $0x1870  }
0x16a: {  	[sflag:s17] =	ssyncset.done $0x0  }
0x16b: {  	[sflag:s17] =	ssyncadd.s32 $0xFFFFE790  }
0x16c: {  	_ =	swait.ge [sflag:s17], $0x1870  }
0x16d: {  	[sflag:s17] =	ssyncset.done $0x0  }
0x16e: {  	s2 =	simm.s32 @p1 $0x16440;
	s1 =	simm.s32 @p1 $0x0;
	[sflag:s17] =	ssyncadd.s32 $0xFFFFE790  }
0x16f: {  	[tilespmem:s2], [sflag:$0x1] =	stream.linear.gather @p1 [hbm4b:s16+s1], $0x1870, $0x38;
	[tilespmem:$0x1F7C0] =	vst v63  }
0x170: {  	s2 =	simm.s32 @p1 $0x19540  }
0x171: {  	[tilespmem:s2], [sflag:$0x1] =	stream.linear.gather @p1 [hbm4b:s21+s1], $0x1870, $0x38;
	[tilespmem:$0x1F7C0] =	vst v63  }
0x172: {  	_ =	swait.ge [sflag:s25], $0x1870  }
0x173: {  	[sflag:s25] =	ssyncset.done $0x0  }
0x174: {  	[sflag:s25] =	ssyncadd.s32 $0xFFFFE790  }
0x175: {  	_ =	swait.ge [sflag:s25], $0x1870  }
0x176: {  	[sflag:s25] =	ssyncset.done $0x0  }
0x177: {  	[sflag:s25] =	ssyncadd.s32 $0xFFFFE790  }
0x178: {  	_ =	swait.ge [sflag:s25], $0x1870  }
0x179: {  	[sflag:s25] =	ssyncset.done $0x0  }
0x17a: {  	[sflag:s25] =	ssyncadd.s32 $0xFFFFE790  }
0x17b: {  	_ =	swait.ge [sflag:s25], $0x1870  }
0x17c: {  	[sflag:s25] =	ssyncset.done $0x0  }
0x17d: {  	[sflag:s25] =	ssyncadd.s32 $0xFFFFE790  }
0x17e: {  	[spmem:s3] =	stream.indirect.scatter.add.f32 [tilespmem:s19], [sflag:$0x4], $0x1, s11, s30, $0xb8;
	[tilespmem:$0x1F7C0] =	vst v63  }
0x17f: {  	p3 =	por p1, p1  }
0x180: {  	[spmem:s4] =	stream.indirect.scatter.add.f32 [tilespmem:s28], [sflag:$0x4], $0x1, s11, s30, $0xb8;
	[tilespmem:$0x1F7C0] =	vst v63  }
.Ltmp2:
0x181: {  	_ = 	snop;
	(pc) =	sbr.rel @p3 .LBB2_6-.Ltmp2, $4  }
0x182: {  	_ = 	snop  }
0x183: {  	[spmem:s6] =	stream.indirect.scatter.add.f32 [tilespmem:s26], [sflag:$0x4], $0x1, s11, s30, $0xb8;
	[tilespmem:$0x1F7C0] =	vst v63  }
0x184: {  	p2 =	por $0x1, $0x1;
	s1 =	simm.s32 $0x30E0;
	p1 =	por $0x0, $0x0  }
0x185: {  	[spmem:s8] =	stream.indirect.scatter.add.f32 [tilespmem:s18], [sflag:$0x4], $0x1, s11, s30, $0xb8;
	[tilespmem:$0x1F7C0] =	vst v63  }
0x186: {  	_ =	swait.ge [sflag:s17], $0x1870  }
0x187: {  	[sflag:s17] =	ssyncset.done $0x0  }
0x188: {  	[sflag:s17] =	ssyncadd.s32 $0xFFFFE790  }
0x189: {  	_ =	swait.ge [sflag:s17], $0x1870  }
0x18a: {  	[sflag:s17] =	ssyncset.done $0x0  }
0x18b: {  	[sflag:s17] =	ssyncadd.s32 $0xFFFFE790  }
0x18c: {  	_ =	swait.ge [sflag:s17], $0x1870  }
0x18d: {  	[sflag:s17] =	ssyncset.done $0x0  }
0x18e: {  	[sflag:s17] =	ssyncadd.s32 $0xFFFFE790  }
0x18f: {  	_ =	swait.ge [sflag:s17], $0x1870  }
0x190: {  	[sflag:s17] =	ssyncset.done $0x0  }
0x191: {  	[sflag:s17] =	ssyncadd.s32 $0xFFFFE790  }
0x192: {  	[bflag:$0x0] =	sbarrier.arrive $0xFFFF  }
0x193: {  	s10 =	simm.s32 $0x1EB40;
	s9 =	simm.s32 $0x5;
	s4 =	rddreg [dreg:$0x16]  }
0x194: {  	[tilespmem:s10], [sflag:$0x5] =	stream.linear.gather [spmem:s4], $0xC40, $0x38;
	[tilespmem:$0x1F7C0] =	vst v63  }
0x195: {  	_ =	swait.ge [sflag:s9], $0xC40  }
0x196: {  	s1 =	sld [smem:$0x7F0]  }
0x197: {  	[sflag:s9] =	ssyncset.done $0x0  }
0x198: {  	[sflag:s9] =	ssyncadd.s32 $0xFFFFF3C0  }
0x199: {  	[hbm4b:s1+s5] =	stream.linear.scatter [tilespmem:s10], [sflag:$0x5], $0xC40, $0x38;
	[tilespmem:$0x1F7C0] =	vst v63  }
0x19a: {  	_ =	swait.ge [sflag:s9], $0xC40  }
0x19b: {  	[sflag:s9] =	ssyncset.done $0x0  }
0x19c: {  	s14 =	rddreg [dreg:$0x17];
	[sflag:s9] =	ssyncadd.s32 $0xFFFFF3C0  }
0x19d: {  	[tilespmem:s10], [sflag:$0x5] =	stream.linear.gather [spmem:s14], $0xC40, $0x38;
	[tilespmem:$0x1F7C0] =	vst v63  }
0x19e: {  	_ =	swait.ge [sflag:s9], $0xC40  }
0x19f: {  	s15 =	sld [smem:$0x7F1]  }
0x1a0: {  	[sflag:s9] =	ssyncset.done $0x0  }
0x1a1: {  	[sflag:s9] =	ssyncadd.s32 $0xFFFFF3C0  }
0x1a2: {  	[hbm4b:s15+s5] =	stream.linear.scatter [tilespmem:s10], [sflag:$0x5], $0xC40, $0x38;
	[tilespmem:$0x1F7C0] =	vst v63  }
0x1a3: {  	_ =	swait.ge [sflag:s9], $0xC40  }
0x1a4: {  	[sflag:s9] =	ssyncset.done $0x0  }
0x1a5: {  	s6 =	rddreg [dreg:$0x18];
	[sflag:s9] =	ssyncadd.s32 $0xFFFFF3C0  }
0x1a6: {  	[tilespmem:s10], [sflag:$0x5] =	stream.linear.gather [spmem:s6], $0xC40, $0x38;
	[tilespmem:$0x1F7C0] =	vst v63  }
0x1a7: {  	_ =	swait.ge [sflag:s9], $0xC40  }
0x1a8: {  	s16 =	sld [smem:$0x7F2]  }
0x1a9: {  	[sflag:s9] =	ssyncset.done $0x0  }
0x1aa: {  	[sflag:s9] =	ssyncadd.s32 $0xFFFFF3C0  }
0x1ab: {  	[hbm4b:s16+s5] =	stream.linear.scatter [tilespmem:s10], [sflag:$0x5], $0xC40, $0x38;
	[tilespmem:$0x1F7C0] =	vst v63  }
0x1ac: {  	_ =	swait.ge [sflag:s9], $0xC40  }
0x1ad: {  	[sflag:s9] =	ssyncset.done $0x0  }
0x1ae: {  	s8 =	rddreg [dreg:$0x19];
	[sflag:s9] =	ssyncadd.s32 $0xFFFFF3C0  }
0x1af: {  	[tilespmem:s10], [sflag:$0x5] =	stream.linear.gather [spmem:s8], $0xC40, $0x38;
	[tilespmem:$0x1F7C0] =	vst v63  }
0x1b0: {  	_ =	swait.ge [sflag:s9], $0xC40  }
0x1b1: {  	s20 =	sld [smem:$0x7F3]  }
0x1b2: {  	[sflag:s9] =	ssyncset.done $0x0  }
0x1b3: {  	[sflag:s9] =	ssyncadd.s32 $0xFFFFF3C0  }
0x1b4: {  	[hbm4b:s20+s5] =	stream.linear.scatter [tilespmem:s10], [sflag:$0x5], $0xC40, $0x38;
	[tilespmem:$0x1F7C0] =	vst v63  }
0x1b5: {  	_ =	swait.ge [sflag:s9], $0xC40  }
0x1b6: {  	s2 =	sld [smem:$0x7EE]  }
0x1b7: {  	s21 =	sld [smem:$0x7F4];
	_ =	sdelay $0x1  }
0x1b8: {  	s2 =	sadd.s32 $0x1, s2  }
0x1b9: {  	p1 =	sne.s32 s2, s21  }
.Ltmp3:
0x1ba: {  	_ = 	snop;
	(pc) =	sbr.rel @p1 .LBB2_1-.Ltmp3, $4  }
0x1bb: {  	_ = 	snop  }
0x1bc: {  	s12 =	simm.s32 $0x13240  }
0x1bd: {  	s0 =	simm.s32 $0x16440;
	s7 =	simm.s32 $0x1ADC0;
	[sflag:s9] =	ssyncset.done $0x0  }
0x1be: {  	s15 =	simm.s32 $0x19540;
	s20 =	simm.s32 $0x13EC0;
	[sflag:s9] =	ssyncadd.s32 $0xFFFFF3C0  }
0x1bf: {  	_ =	sfence.sel $0x180000  }
0x1c0: {  	[bflag:$0x0] =	sbarrier.arrive $0xFFFF  }
0x1c1: {  	_ =	strace $0x90000047  }
0x1c2: {  	s0 =	stileid.u32;
	[bflag:$0x2] =	sbarrier.arrive $0xFFFF  }
0x1c3: {  	p0 =	sne.s32 s0, $0x0;
	s0 =	rddreg [dreg:$0xb]  }
0x1c4: {  	s0 =	sadd.s32 @!p0 $0x100000, s0  }
0x1c5: {  	[sflag:s0] =	ssyncadd.tile.s32 @!p0 $0x1;
	_ =	shalt  }
.Lfunc_end2:
_tile_overlayer_lowered:
.L_overlay_start_2:
0x1c6: {  	(tag) =	ssettag $0x2  }
0x1c7: {  	s0 =	rddreg [dreg:$0x0];
	s2 =	stileid.u32  }
0x1c8: {  	s1 =	rddreg [dreg:$0x1];
	p0 =	sne.s32 s2, $0x0  }
0x1c9: {  	s3 =	rddreg [dreg:$0x2];
	[bflag:$0x3] =	sbarrier.arrive $0xFFFF;
	s2 =	simm.s32 @!p0 $0x1C05  }
0x1ca: {  	[timem:s3], [sflag:s2] =	dma.local @!p0 [hbm:s0], s1  }
0x1cb: {  	s0 =	simm.s32 @!p0 $0x5  }
0x1cc: {  	_ =	swait.ge @!p0 [sflag:s0], s1  }
0x1cd: {  	s1 =	ssub.s32 @!p0 $0x0, s1;
	[sflag:s0] =	ssyncset.done @!p0 $0x0  }
0x1ce: {  	[sflag:s0] =	ssyncadd.s32 @!p0 s1  }
0x1cf: {  	[bflag:$0x3] =	sbarrier.arrive $0xFFFF  }
0x1d0: {  	_ =	shalt  }

// kernel: kernel.9.cloned.1.call-start
scs
__scs_entry_jumppad:
0x0: {  	(pc) =	sbr.rel $0x88, $3  }
0x1: {  	(tag) =	ssettag $0x0;
	lr =	simm.s32 $0x1  }
0x2: {  	[smem:$0x3F9B] =	sst lr;
	_ =	strace $0xD0000000  }
0x3: {  	_ = 	snop  }
0x4: {  	_ = 	snop  }
0x5: {  	_ = 	snop  }
0x6: {  	_ = 	snop  }
0x7: {  	_ = 	snop  }
__scs_overlays_trampoline_lowered:
0x8: {  	[smem:$0x3FAA] =	sst s0  }
0x9: {  	[smem:$0x3FAB] =	sst s1  }
0xa: {  	[smem:$0x3FAC] =	sst s2  }
0xb: {  	[smem:$0x3FAD] =	sst s3  }
0xc: {  	[smem:$0x3FAE] =	sst s4  }
0xd: {  	[smem:$0x3FAF] =	sst s5  }
0xe: {  	[smem:$0x3FB0] =	sst s6  }
0xf: {  	[smem:$0x3FB1] =	sst s7  }
0x10: {  	[smem:$0x3FB2] =	sst s8  }
0x11: {  	[smem:$0x3FB3] =	sst s9;
	s0 =	simm.s32 @!p0 $0x0  }
0x12: {  	s1 =	sld [smem:$0x3F99];
	s0 =	simm.s32 @p0 $0x1  }
0x13: {  	[smem:$0x3FB4] =	sst s0;
	s0 =	simm.s32 @!p1 $0x0  }
0x14: {  	s2 =	sld [smem:$0x3F98];
	s0 =	simm.s32 @p1 $0x1  }
0x15: {  	[smem:$0x3FB5] =	sst s0;
	s0 =	simm.s32 @!p2 $0x0  }
0x16: {  	s3 =	sld [smem:$0x3FDB];
	s0 =	simm.s32 @p2 $0x1  }
0x17: {  	s4 =	simm.s32 $0x1BF5;
	[smem:$0x3FB7] =	sst s0  }
0x18: {  	s0 =	sld [smem:$0x3F9A];
	_ =	swait.ge [sflag:s4], $0x0  }
0x19: {  	s7 =	sld [smem:$0x3F9B]  }
0x1a: {  	s8 =	sadd.s32 $0xFFFFE003, lr  }
0x1b: {  	s9 =	sadd.s32 $0xFFFFFEF7, lr;
	s5 =	simm.s32 $0xFFFFFFFF;
	p2 =	slt.u32 s8, $0xFFFFF086  }
0x1c: {  	p1 =	slt.u32 s9, $0xF7A;
	s5 =	simm.s32 @!p2 $0x0  }
0x1d: {  	s5 =	simm.s32 @p1 $0x1;
	p0 =	seq.s32 s7, s2  }
0x1e: {  	s7 =	smul.u32 @!p0 $0xF7A, s2;
	p2 =	seq.s32 @!p0 s5, $0x0  }
0x1f: {  	s9 =	smul.u32 $0xF7A, s1;
	s8 =	simm.s32 @!p0 $0x1BF5;
	p2 =	por !p2, p0  }
0x20: {  	[sflag:s8] =	ssyncset.s32 @!p0 $0xFFFFF086;
	s6 =	sadd.s32 @!p0 s3, s7;
	s7 =	simm.s32 @!p0 $0x108  }
0x21: {  	s3 =	sadd.s32 s3, s9;
	s6 =	sadd.s32 @!p0 $0x88, s6;
	s7 =	simm.s32 @p2 $0x1082  }
0x22: {  	[simem:s7], [sflag:s8] =	dma.local @!p0 [hbm:s6], $0xF7A  }
0x23: {  	s9 =	sor.u32 $0xD0000000, s2;
	s6 =	simm.s32 $0x108;
	_ =	swait.ge @!p0 [sflag:s8], $0x0  }
0x24: {  	s3 =	sadd.s32 $0x88, s3;
	s6 =	simm.s32 @!p1 $0x1082;
	[sflag:s4] =	ssyncset.s32 $0xFFFFF086  }
0x25: {  	[simem:s6], [sflag:s4] =	dma.local [hbm:s3], $0xF7A  }
0x26: {  	[smem:$0x3F9B] =	sst s1;
	(tag) =	ssettag s2;
	_ =	strace s9  }
0x27: {  	s1 =	sld [smem:$0x3FAB]  }
0x28: {  	s2 =	sld [smem:$0x3FAC]  }
0x29: {  	s4 =	sld [smem:$0x3FAE]  }
0x2a: {  	p0 =	seq.s32 s5, $0x0;
	s5 =	sld [smem:$0x3FAF]  }
0x2b: {  	s6 =	sld [smem:$0x3FB0]  }
0x2c: {  	s7 =	sld [smem:$0x3FB1]  }
0x2d: {  	s3 =	simm.s32 $0x108;
	s8 =	sld [smem:$0x3FB2]  }
0x2e: {  	s3 =	simm.s32 @!p0 $0x1082;
	s9 =	sld [smem:$0x3FB3]  }
0x2f: {  	lr =	sadd.s32 s0, s3;
	s0 =	sld [smem:$0x3FAA]  }
0x30: {  	s3 =	sld [smem:$0x3FAD]  }
0x31: {  	[smem:$0x3FB6] =	sst s10  }
0x32: {  	s10 =	sld [smem:$0x3FB4];
	_ =	sdelay $0x3  }
0x33: {  	p0 =	seq.s32 s10, $0x1;
	s10 =	sld [smem:$0x3FB6];
	_ =	sdelay $0x3  }
0x34: {  	[smem:$0x3FB6] =	sst s10  }
0x35: {  	s10 =	sld [smem:$0x3FB5];
	_ =	sdelay $0x3  }
0x36: {  	p1 =	seq.s32 s10, $0x1;
	s10 =	sld [smem:$0x3FB6];
	_ =	sdelay $0x3  }
0x37: {  	[smem:$0x3FB6] =	sst s10  }
0x38: {  	s10 =	sld [smem:$0x3FB7]  }
0x39: {  	_ = 	snop;
	(pc) =	sbr.ind lr, $3  }
0x3a: {  	_ = 	snop  }
0x3b: {  	_ = 	snop  }
0x3c: {  	p2 =	seq.s32 s10, $0x1;
	s10 =	sld [smem:$0x3FB6]  }
0x3d: {  	_ =	shalt  }
0x3e: {  	_ =	shalt  }
0x3f: {  	_ =	shalt  }
0x40: {  	_ =	shalt  }
0x41: {  	_ =	shalt  }
0x42: {  	_ =	shalt  }
0x43: {  	_ =	shalt  }
0x44: {  	_ =	shalt  }
0x45: {  	_ =	shalt  }
0x46: {  	_ =	shalt  }
0x47: {  	_ =	shalt  }
0x48: {  	_ =	shalt  }
0x49: {  	_ =	shalt  }
0x4a: {  	_ =	shalt  }
0x4b: {  	_ =	shalt  }
0x4c: {  	_ =	shalt  }
0x4d: {  	_ =	shalt  }
0x4e: {  	_ =	shalt  }
0x4f: {  	_ =	shalt  }
0x50: {  	_ =	shalt  }
0x51: {  	_ =	shalt  }
0x52: {  	_ =	shalt  }
0x53: {  	_ =	shalt  }
0x54: {  	_ =	shalt  }
0x55: {  	_ =	shalt  }
0x56: {  	_ =	shalt  }
0x57: {  	_ =	shalt  }
0x58: {  	_ =	shalt  }
0x59: {  	_ =	shalt  }
0x5a: {  	_ =	shalt  }
0x5b: {  	_ =	shalt  }
0x5c: {  	_ =	shalt  }
0x5d: {  	_ =	shalt  }
0x5e: {  	_ =	shalt  }
0x5f: {  	_ =	shalt  }
0x60: {  	_ =	shalt  }
0x61: {  	_ =	shalt  }
0x62: {  	_ =	shalt  }
0x63: {  	_ =	shalt  }
0x64: {  	_ =	shalt  }
0x65: {  	_ =	shalt  }
0x66: {  	_ =	shalt  }
0x67: {  	_ =	shalt  }
0x68: {  	_ =	shalt  }
0x69: {  	_ =	shalt  }
0x6a: {  	_ =	shalt  }
0x6b: {  	_ =	shalt  }
0x6c: {  	_ =	shalt  }
0x6d: {  	_ =	shalt  }
0x6e: {  	_ =	shalt  }
0x6f: {  	_ =	shalt  }
0x70: {  	_ =	shalt  }
0x71: {  	_ =	shalt  }
0x72: {  	_ =	shalt  }
0x73: {  	_ =	shalt  }
0x74: {  	_ =	shalt  }
0x75: {  	_ =	shalt  }
0x76: {  	_ =	shalt  }
0x77: {  	_ =	shalt  }
0x78: {  	_ =	shalt  }
0x79: {  	_ =	shalt  }
0x7a: {  	_ =	shalt  }
0x7b: {  	_ =	shalt  }
0x7c: {  	_ =	shalt  }
0x7d: {  	_ =	shalt  }
0x7e: {  	_ =	shalt  }
0x7f: {  	_ =	shalt  }
0x80: {  	_ =	shalt  }
0x81: {  	_ =	shalt  }
0x82: {  	_ =	shalt  }
0x83: {  	_ =	shalt  }
0x84: {  	_ =	shalt  }
0x85: {  	_ =	shalt  }
0x86: {  	_ =	shalt  }
0x87: {  	_ =	shalt  }
.Lfunc_end0:
.L_simem_size_0:
called_computation.1_lowered:
.L_overlay_start_0:
0x88: {  	s2 =	sld [smem:$0x3FD9]  }
0x89: {  	s3 =	sld [smem:$0x3FFE];
	_ =	sdelay $0x1  }
0x8a: {  	s1 =	srdreg.scid  }
0x8b: {  	s0 =	sand.u32 $0x1, s1  }
0x8c: {  	s16 =	sshll.u32 s0, $0xA;
	s2 =	sadd.s32 s3, s2  }
0x8d: {  	s2 =	sadd.s32 s2, s16  }
0x8e: {  	[smem:$0x3FC2] =	sst s2  }
0x8f: {  	_ = 	snop  }
0x90: {  	(tm) =	ssettm $0x1  }
0x91: {  	s17 =	sld [smem:$0x3FFB];
	_ =	sdelay $0x3  }
0x92: {  	_ =	strace s17  }
0x93: {  	s2 =	sld [smem:$0x3FFC];
	_ =	sdelay $0x3  }
0x94: {  	_ =	strace s2  }
0x95: {  	s2 =	sld [smem:$0x3FFD];
	_ =	sdelay $0x3  }
0x96: {  	_ =	strace s2  }
0x97: {  	_ =	strace $0x8FFFFFFF  }
0x98: {  	s18 =	sld [smem:$0x3FDB];
	_ =	sdelay $0x1  }
0x99: {  	s19 =	simm.s32 $_scs_section_size  }
0x9a: {  	s4 =	simm.s32 $_size__tile_overlayer_lowered;
	s5 =	simm.s32 $_tile_overlayer_lowered  }
0x9b: {  	s22 =	simm.s32 $0x1BFF;
	s21 =	sshll.u32 s5, $0x1;
	s2 =	sadd.s32 s19, s18  }
0x9c: {  	s6 =	simm.s32 $0x0;
	s20 =	sshll.u32 s4, $0x1;
	s4 =	sadd.s32 s21, s2  }
0x9d: {  	[timem:s6], [sflag:s22] =	dma.local [hbm:s4], s20  }
0x9e: {  	_ =	swait.ge [sflag:s22], s20  }
0x9f: {  	s3 =	ssub.s32 $0x0, s20;
	[sflag:s22] =	ssyncset.done $0x0  }
0xa0: {  	[sflag:s22] =	ssyncadd.s32 s3;
	_ =	sdelay $0x1  }
0xa1: {  	s23 =	simm.s32 $0x1B8B  }
0xa2: {  	_ =	swait.ge [sflag:s23], $0x1  }
0xa3: {  	[sflag:s23] =	ssyncset.done $0x0  }
0xa4: {  	s25 =	simm.s32 $0x1B8E;
	s24 =	sld [smem:$0x3FFE];
	[sflag:s23] =	ssyncadd.s32 $0xFFFFFFFF  }
0xa5: {  	s26 =	simm.s32 $execute0_lowered;
	[smem:$0x3FD2] =	sst s25  }
0xa6: {  	s4 =	sshll.u32 s26, $0x1;
	_ =	strace $0x80000049;
	[dreg:$0x1] =	wrdreg $0xFFFFFFFF  }
0xa7: {  	s28 =	simm.s32 $_size_execute0_lowered;
	s2 =	sadd.s32 s2, s4;
	[dreg:$0x0] =	wrdreg $0x0  }
0xa8: {  	s4 =	sshll.u32 s28, $0x1;
	[dreg:$0x2] =	wrdreg s2  }
0xa9: {  	[dreg:$0x3] =	wrdreg s4  }
0xaa: {  	[dreg:$0x4] =	wrdreg $0xC0  }
0xab: {  	_ =	task [dreg:s6], $0x5FFFF  }
0xac: {  	[dreg:$0x1] =	wrdreg $0xFFFFFFFF  }
0xad: {  	[dreg:$0x0] =	wrdreg $0x60  }
0xae: {  	[dreg:$0x2] =	wrdreg s24  }
0xaf: {  	[dreg:$0x3] =	wrdreg $0x31000  }
0xb0: {  	[dreg:$0x4] =	wrdreg $0x3D400  }
0xb1: {  	[dreg:$0x5] =	wrdreg $0x49800  }
0xb2: {  	[dreg:$0x6] =	wrdreg $0x55C00  }
0xb3: {  	[dreg:$0x7] =	wrdreg $0x0  }
0xb4: {  	[dreg:$0x8] =	wrdreg $0xC400  }
0xb5: {  	[dreg:$0x9] =	wrdreg $0x18800  }
0xb6: {  	[dreg:$0xa] =	wrdreg $0x24C00  }
0xb7: {  	[dreg:$0xb] =	wrdreg $0x9  }
0xb8: {  	_ =	task.clear_ibuf [dreg:s6], $0xCFFFF;
	_ =	strace $0x90000049  }
0xb9: {  	s29 =	simm.s32 $0x9;
	_ =	strace $0x8000004B  }
0xba: {  	_ =	swait.ge [sflag:s29], $0x1  }
0xbb: {  	[sflag:s29] =	ssyncadd.s32 $0xFFFFFFFF  }
0xbc: {  	_ =	strace $0x9000004B  }
0xbd: {  	_ =	sfence  }
0xbe: {  	s30 =	sld [smem:$0x0];
	_ =	sdelay $0x2  }
0xbf: {  	s31 =	sshll.u32 s1, $0xD;
	s1 =	sshrl.u32 s1, $0x2  }
0xc0: {  	s3 =	sand.u32 $0x4000, s31;
	s1 =	sadd.s32 s1, s30  }
0xc1: {  	s0 =	sor.u32 s3, s0;
	s1 =	sshll.u32 s1, $0x11  }
0xc2: {  	s0 =	sor.u32 s1, s0  }
0xc3: {  	s0 =	sadd.s32 $0x8F2B, s0  }
0xc4: {  	[sflag:s0] =	ssyncadd.remote.s32 $0x1  }
0xc5: {  	_ =	sfence.sel $0xFFFF  }
0xc6: {  	[dreg:$0x0] =	wrdreg $0xFFFFFFFF;
	(pc) =	sbr.abs _section_cstart, $3  }
0xc7: {  	[dreg:$0x1] =	wrdreg $0xFFFFFFFF  }
0xc8: {  	_ =	task.clear_ibuf [dreg:s6], $0x2FFFF;
	_ =	strace $0x9FFFFFFF  }
0xc9: {  	(tm) =	ssettm $0x7FFFFFFF  }
tec
execute0_lowered:
.L_overlay_start_1:
0x0: {  	(tag) =	ssettag $0x1  }
0x1: {  	s0 =	rddreg [dreg:$0x0]  }
0x2: {  	s2 =	rddreg [dreg:$0x1]  }
0x3: {  	s3 =	rddreg [dreg:$0x2]  }
0x4: {  	s5 =	rddreg [dreg:$0x3]  }
0x5: {  	s7 =	rddreg [dreg:$0x4]  }
0x6: {  	s8 =	rddreg [dreg:$0x5]  }
0x7: {  	s9 =	rddreg [dreg:$0x6]  }
0x8: {  	s11 =	rddreg [dreg:$0x7]  }
0x9: {  	s17 =	rddreg [dreg:$0x8];
	s16 =	stileid.u32  }
0xa: {  	s4 =	srdreg.scid;
	s6 =	simm.s32 $0x0;
	s31 =	simm.s32 $0x9300  }
0xb: {  	s1 =	smul.u32 $0xC40, s16;
	s4 =	sand.u32 $0x1, s4;
	[smem:$0x7FF] =	sst s6  }
0xc: {  	s10 =	sadd.s32 $0x1A200, s0;
	s30 =	sadd.s32 $0x1A00, s0;
	s12 =	smul.u32 $0x31000, s4  }
0xd: {  	_ =	strace $0x8000004A;
	s14 =	ssub.s32 $0x2, s4;
	[dreg:$0xa] =	wrdreg s10  }
0xe: {  	s4 =	sshll.u32 s4, $0x4;
	[dreg:$0xb] =	wrdreg s30;
	s29 =	sshrl.u32 s1, $0x3  }
0xf: {  	s15 =	sshrl.u32 s14, $0x1;
	s4 =	sor.u32 s16, s4;
	s8 =	sadd.s32 s1, s8  }
0x10: {  	s2 =	sadd.s32 s1, s2;
	s20 =	sadd.s32 s1, s9;
	[dreg:$0x11] =	wrdreg s8  }
0x11: {  	s3 =	sadd.s32 s1, s3;
	s21 =	sadd.s32 s1, s11;
	[dreg:$0x15] =	wrdreg s20  }
0x12: {  	s5 =	sadd.s32 s1, s5;
	s7 =	sadd.s32 s1, s7;
	[dreg:$0x16] =	wrdreg s21  }
0x13: {  	s9 =	simm.s32 $0x4;
	s6 =	sadd.s32 s29, s0;
	[dreg:$0xc] =	wrdreg s2  }
0x14: {  	s13 =	sadd.s32 s1, s12;
	s15 =	ssub.s32 s14, s15;
	[dreg:$0xd] =	wrdreg s3  }
0x15: {  	s4 =	smul.u32 $0x61C0, s4;
	s1 =	sadd.s32 s1, s17;
	[dreg:$0xe] =	wrdreg s5  }
0x16: {  	s8 =	simm.s32 $0x18800;
	s21 =	simm.s32 $0x12600;
	[dreg:$0xf] =	wrdreg s7  }
0x17: {  	s17 =	simm.s32 $0x16F80;
	s16 =	sadd.s32 $0x32A00, s6;
	[dreg:$0x17] =	wrdreg s1  }
0x18: {  	s14 =	simm.s32 $0x7A80;
	s18 =	sadd.s32 $0x34280, s6;
	[dreg:$0x10] =	wrdreg s16  }
0x19: {  	s20 =	simm.s32 $0x10D80;
	s19 =	sadd.s32 $0x35B00, s6;
	[dreg:$0x12] =	wrdreg s18  }
0x1a: {  	s13 =	sshrl.u32 s13, $0x3;
	s6 =	sadd.s32 $0x37380, s6;
	[dreg:$0x13] =	wrdreg s19  }
0x1b: {  	s0 =	sadd.s32 s13, s0;
	[dreg:$0x14] =	wrdreg s6;
	s22 =	sshrl.u32 s4, $0x3  }
0x1c: {  	s4 =	sadd.s32 $0x1870, s4;
	s18 =	simm.s32 $0x2;
	s19 =	simm.s32 $0x3  }
0x1d: {  	s6 =	simm.s32 $0xC400;
	s23 =	sadd.s32 s10, s22;
	[dreg:$0x1a] =	wrdreg s4  }
0x1e: {  	s13 =	simm.s32 $0xF500;
	s24 =	sadd.s32 s30, s22;
	[dreg:$0x18] =	wrdreg s23  }
0x1f: {  	s16 =	simm.s32 $0xDC80;
	s26 =	sadd.s32 $0x38C00, s0;
	[dreg:$0x19] =	wrdreg s24  }
0x20: {  	s1 =	sadd.s32 $0x61C, s22;
	s28 =	sadd.s32 $0x3A480, s0;
	[dreg:$0x1d] =	wrdreg s26  }
0x21: {  	s29 =	sadd.s32 $0x3BD00, s0;
	s0 =	sadd.s32 $0x3D580, s0;
	[dreg:$0x1e] =	wrdreg s28  }
0x22: {  	s22 =	simm.s32 $0x15700;
	s4 =	simm.s32 $0x13E80;
	[dreg:$0x1f] =	wrdreg s29  }
0x23: {  	s25 =	sadd.s32 s10, s1;
	s1 =	sadd.s32 s30, s1;
	[smem:$0x7FC] =	sst s0  }
0x24: {  	s30 =	smax.u32 s15, $0x1;
	s23 =	simm.s32 $0x1;
	[dreg:$0x1b] =	wrdreg s25  }
0x25: {  	s24 =	simm.s32 $0x1870;
	s26 =	simm.s32 $0x6200;
	[dreg:$0x1c] =	wrdreg s1  }
0x26: {  	v0 =	vimm.f32 $0.0e+00;
	s15 =	simm.s32 $0xAB80;
	[smem:$0x7FD] =	sst s30;
	s1 =	simm.s32 $0x0  }
.LBB2_1:
0x27: {  	[smem:$0x7FB] =	sst s1;
	s0 =	simm.s32 $0x40;
	s1 =	simm.s32 $0x0  }
.LBB2_2:
0x28: {  	p0 =	sne.s32 s0, $0x30C0;
	[tilespmem:s1+$0x18800] =	vst v0;
	s1 =	smov.u32 s0;
	s0 =	sadd.s32 $0x40, s0  }
.Ltmp0:
0x29: {  	(pc) =	sbr.rel @p0 .LBB2_2-.Ltmp0, $2  }
0x2a: {  	_ =	sdelay $0x2  }
0x2b: {  	s1 =	sshra.s32 s1, $0x2  }
0x2c: {  	[tilespmem:s1+$0x18800] =	vst v0  }
0x2d: {  	[spmem:s2] =	stream.linear.scatter [tilespmem:s8], [sflag:$0x4], $0xC40, $0x38;
	[tilespmem:$0x19480] =	vst v63  }
0x2e: {  	_ =	swait.ge [sflag:s9], $0xC40  }
0x2f: {  	[sflag:s9] =	ssyncset.done $0x0  }
0x30: {  	[sflag:s9] =	ssyncadd.s32 $0xFFFFF3C0  }
0x31: {  	[spmem:s3] =	stream.linear.scatter [tilespmem:s8], [sflag:$0x4], $0xC40, $0x38;
	[tilespmem:$0x19480] =	vst v63  }
0x32: {  	_ =	swait.ge [sflag:s9], $0xC40  }
0x33: {  	[sflag:s9] =	ssyncset.done $0x0  }
0x34: {  	[sflag:s9] =	ssyncadd.s32 $0xFFFFF3C0  }
0x35: {  	[spmem:s5] =	stream.linear.scatter [tilespmem:s8], [sflag:$0x4], $0xC40, $0x38;
	[tilespmem:$0x19480] =	vst v63  }
0x36: {  	_ =	swait.ge [sflag:s9], $0xC40  }
0x37: {  	[sflag:s9] =	ssyncset.done $0x0  }
0x38: {  	[sflag:s9] =	ssyncadd.s32 $0xFFFFF3C0  }
0x39: {  	[spmem:s7] =	stream.linear.scatter [tilespmem:s8], [sflag:$0x4], $0xC40, $0x38;
	[tilespmem:$0x19480] =	vst v63  }
0x3a: {  	_ =	swait.ge [sflag:s9], $0xC40  }
0x3b: {  	[sflag:s9] =	ssyncset.done $0x0  }
0x3c: {  	s0 =	simm.s32 $0x0;
	s12 =	rddreg [dreg:$0x10];
	[sflag:s9] =	ssyncadd.s32 $0xFFFFF3C0  }
0x3d: {  	[tilespmem:s8], [sflag:$0x4] =	stream.linear.gather [hbm4b:s12+s0], $0xC40, $0x38;
	[tilespmem:$0x19480] =	vst v63  }
0x3e: {  	_ =	swait.ge [sflag:s9], $0xC40  }
0x3f: {  	[sflag:s9] =	ssyncset.done $0x0  }
0x40: {  	s25 =	rddreg [dreg:$0x11];
	[sflag:s9] =	ssyncadd.s32 $0xFFFFF3C0  }
0x41: {  	[spmem:s25] =	stream.linear.scatter [tilespmem:s8], [sflag:$0x4], $0xC40, $0x38;
	[tilespmem:$0x19480] =	vst v63  }
0x42: {  	_ =	swait.ge [sflag:s9], $0xC40  }
0x43: {  	[sflag:s9] =	ssyncset.done $0x0  }
0x44: {  	s2 =	rddreg [dreg:$0x12];
	[sflag:s9] =	ssyncadd.s32 $0xFFFFF3C0  }
0x45: {  	[tilespmem:s8], [sflag:$0x4] =	stream.linear.gather [hbm4b:s2+s0], $0xC40, $0x38;
	[tilespmem:$0x19480] =	vst v63  }
0x46: {  	_ =	swait.ge [sflag:s9], $0xC40  }
0x47: {  	[sflag:s9] =	ssyncset.done $0x0  }
0x48: {  	s3 =	rddreg [dreg:$0x15];
	[sflag:s9] =	ssyncadd.s32 $0xFFFFF3C0  }
0x49: {  	[spmem:s3] =	stream.linear.scatter [tilespmem:s8], [sflag:$0x4], $0xC40, $0x38;
	[tilespmem:$0x19480] =	vst v63  }
0x4a: {  	_ =	swait.ge [sflag:s9], $0xC40  }
0x4b: {  	[sflag:s9] =	ssyncset.done $0x0  }
0x4c: {  	s5 =	rddreg [dreg:$0x13];
	[sflag:s9] =	ssyncadd.s32 $0xFFFFF3C0  }
0x4d: {  	[tilespmem:s8], [sflag:$0x4] =	stream.linear.gather [hbm4b:s5+s0], $0xC40, $0x38;
	[tilespmem:$0x19480] =	vst v63  }
0x4e: {  	_ =	swait.ge [sflag:s9], $0xC40  }
0x4f: {  	[sflag:s9] =	ssyncset.done $0x0  }
0x50: {  	s7 =	rddreg [dreg:$0x16];
	[sflag:s9] =	ssyncadd.s32 $0xFFFFF3C0  }
0x51: {  	[spmem:s7] =	stream.linear.scatter [tilespmem:s8], [sflag:$0x4], $0xC40, $0x38;
	[tilespmem:$0x19480] =	vst v63  }
0x52: {  	_ =	swait.ge [sflag:s9], $0xC40  }
0x53: {  	[sflag:s9] =	ssyncset.done $0x0  }
0x54: {  	s10 =	rddreg [dreg:$0x14];
	[sflag:s9] =	ssyncadd.s32 $0xFFFFF3C0  }
0x55: {  	[tilespmem:s8], [sflag:$0x4] =	stream.linear.gather [hbm4b:s10+s0], $0xC40, $0x38;
	[tilespmem:$0x19480] =	vst v63  }
0x56: {  	_ =	swait.ge [sflag:s9], $0xC40  }
0x57: {  	[sflag:s9] =	ssyncset.done $0x0  }
0x58: {  	s11 =	rddreg [dreg:$0x17];
	[sflag:s9] =	ssyncadd.s32 $0xFFFFF3C0  }
0x59: {  	[spmem:s11] =	stream.linear.scatter [tilespmem:s8], [sflag:$0x4], $0xC40, $0x38;
	[tilespmem:$0x19480] =	vst v63  }
0x5a: {  	_ =	swait.ge [sflag:s9], $0xC40  }
0x5b: {  	[sflag:s9] =	ssyncset.done $0x0  }
0x5c: {  	[sflag:s9] =	ssyncadd.s32 $0xFFFFF3C0  }
0x5d: {  	[bflag:$0x0] =	sbarrier.arrive $0xFFFF  }
0x5e: {  	s12 =	rddreg [dreg:$0x18]  }
0x5f: {  	s25 =	rddreg [dreg:$0x19]  }
0x60: {  	s2 =	rddreg [dreg:$0x1]  }
0x61: {  	s3 =	rddreg [dreg:$0x2]  }
0x62: {  	s5 =	rddreg [dreg:$0x3]  }
0x63: {  	s7 =	rddreg [dreg:$0x4]  }
0x64: {  	s8 =	rddreg [dreg:$0x5]  }
0x65: {  	s9 =	rddreg [dreg:$0x6]  }
0x66: {  	s11 =	rddreg [dreg:$0x7]  }
0x67: {  	s10 =	rddreg [dreg:$0xa]  }
0x68: {  	s28 =	rddreg [dreg:$0xb]  }
0x69: {  	s29 =	rddreg [dreg:$0x1a]  }
0x6a: {  	s30 =	rddreg [dreg:$0x1b]  }
0x6b: {  	[tilespmem:s21], [sflag:$0x1] =	stream.linear.gather [hbm4b:s12+s0], $0x1870, $0x38;
	[tilespmem:$0x19480] =	vst v63  }
0x6c: {  	s12 =	rddreg [dreg:$0x8]  }
0x6d: {  	[tilespmem:s22], [sflag:$0x1] =	stream.linear.gather [hbm4b:s25+s0], $0x1870, $0x38;
	[tilespmem:$0x19480] =	vst v63  }
0x6e: {  	p0 =	por $0x1, $0x1;
	p1 =	por $0x0, $0x0;
	s25 =	rddreg [dreg:$0x1c]  }
.LBB2_4:
0x6f: {  	_ =	swait.ge [sflag:s23], $0x1870  }
0x70: {  	[sflag:s23] =	ssyncset.done $0x0  }
0x71: {  	[sflag:s23] =	ssyncadd.s32 $0xFFFFE790  }
0x72: {  	_ =	swait.ge [sflag:s23], $0x1870  }
0x73: {  	[sflag:s23] =	ssyncset.done $0x0  }
0x74: {  	[sflag:s23] =	ssyncadd.s32 $0xFFFFE790  }
0x75: {  	[tilespmem:s26], [sflag:$0x2] =	stream.indirect.gather [spmem:s8], $0x1, s21, s24, $0xb8;
	[tilespmem:$0x19480] =	vst v63  }
0x76: {  	_ = 	snop  }
0x77: {  	[tilespmem:s31], [sflag:$0x2] =	stream.indirect.gather [spmem:s9], $0x1, s21, s24, $0xb8;
	[tilespmem:$0x19480] =	vst v63  }
0x78: {  	_ = 	snop  }
0x79: {  	[tilespmem:s6], [sflag:$0x2] =	stream.indirect.gather [spmem:s11], $0x1, s21, s24, $0xb8;
	[tilespmem:$0x19480] =	vst v63  }
0x7a: {  	s1 =	simm.s32 @p1 $0x3  }
0x7b: {  	[tilespmem:s13], [sflag:$0x2] =	stream.indirect.gather [spmem:s12], $0x1, s21, s24, $0xb8;
	[tilespmem:$0x19480] =	vst v63  }
0x7c: {  	_ =	swait.ge @p1 [sflag:s1], $0x1870  }
0x7d: {  	[sflag:s1] =	ssyncset.done @p1 $0x0  }
0x7e: {  	[sflag:s1] =	ssyncadd.s32 @p1 $0xFFFFE790  }
0x7f: {  	_ =	swait.ge @p1 [sflag:s1], $0x1870  }
0x80: {  	[sflag:s1] =	ssyncset.done @p1 $0x0  }
0x81: {  	[sflag:s1] =	ssyncadd.s32 @p1 $0xFFFFE790  }
0x82: {  	_ =	swait.ge @p1 [sflag:s1], $0x1870  }
0x83: {  	[sflag:s1] =	ssyncset.done @p1 $0x0  }
0x84: {  	[sflag:s1] =	ssyncadd.s32 @p1 $0xFFFFE790  }
0x85: {  	s0 =	sadd.s32 s0, s29;
	_ =	swait.ge @p1 [sflag:s1], $0x1870  }
0x86: {  	s0 =	sshrl.u32 s0, $0x3;
	[sflag:s1] =	ssyncset.done @p1 $0x0  }
0x87: {  	s21 =	simm.s32 $0x0;
	[sflag:s1] =	ssyncadd.s32 @p1 $0xFFFFE790;
	s1 =	sadd.s32 s10, s0  }
0x88: {  	[tilespmem:s4], [sflag:$0x1] =	stream.linear.gather [hbm4b:s1+s21], $0x1870, $0x38;
	[tilespmem:$0x19480] =	vst v63  }
0x89: {  	s0 =	sadd.s32 s28, s0  }
0x8a: {  	[tilespmem:s17], [sflag:$0x1] =	stream.linear.gather [hbm4b:s0+s21], $0x1870, $0x38;
	[tilespmem:$0x19480] =	vst v63  }
0x8b: {  	_ =	swait.ge [sflag:s18], $0x1870  }
0x8c: {  	[sflag:s18] =	ssyncset.done $0x0  }
0x8d: {  	[sflag:s18] =	ssyncadd.s32 $0xFFFFE790  }
0x8e: {  	_ =	swait.ge [sflag:s18], $0x1870  }
0x8f: {  	[sflag:s18] =	ssyncset.done $0x0  }
0x90: {  	[sflag:s18] =	ssyncadd.s32 $0xFFFFE790  }
0x91: {  	_ =	swait.ge [sflag:s18], $0x1870  }
0x92: {  	[sflag:s18] =	ssyncset.done $0x0  }
0x93: {  	[sflag:s18] =	ssyncadd.s32 $0xFFFFE790  }
0x94: {  	_ =	swait.ge [sflag:s18], $0x1870  }
0x95: {  	[sflag:s18] =	ssyncset.done $0x0  }
0x96: {  	[sflag:s18] =	ssyncadd.s32 $0xFFFFE790  }
0x97: {  	[spmem:s2] =	stream.indirect.scatter.add.f32 [tilespmem:s26], [sflag:$0x3], $0x1, s22, s24, $0xb8;
	[tilespmem:$0x19480] =	vst v63  }
0x98: {  	_ = 	snop  }
0x99: {  	[spmem:s3] =	stream.indirect.scatter.add.f32 [tilespmem:s31], [sflag:$0x3], $0x1, s22, s24, $0xb8;
	[tilespmem:$0x19480] =	vst v63  }
0x9a: {  	_ = 	snop  }
0x9b: {  	[spmem:s5] =	stream.indirect.scatter.add.f32 [tilespmem:s6], [sflag:$0x3], $0x1, s22, s24, $0xb8;
	[tilespmem:$0x19480] =	vst v63  }
0x9c: {  	_ = 	snop  }
0x9d: {  	[spmem:s7] =	stream.indirect.scatter.add.f32 [tilespmem:s13], [sflag:$0x3], $0x1, s22, s24, $0xb8;
	[tilespmem:$0x19480] =	vst v63  }
0x9e: {  	_ =	swait.ge [sflag:s23], $0x1870  }
0x9f: {  	[sflag:s23] =	ssyncset.done $0x0  }
0xa0: {  	[sflag:s23] =	ssyncadd.s32 $0xFFFFE790  }
0xa1: {  	_ =	swait.ge [sflag:s23], $0x1870  }
0xa2: {  	[sflag:s23] =	ssyncset.done $0x0  }
0xa3: {  	[sflag:s23] =	ssyncadd.s32 $0xFFFFE790  }
0xa4: {  	[tilespmem:s14], [sflag:$0x2] =	stream.indirect.gather [spmem:s8], $0x1, s4, s24, $0xb8;
	[tilespmem:$0x19480] =	vst v63  }
0xa5: {  	_ = 	snop  }
0xa6: {  	[tilespmem:s15], [sflag:$0x2] =	stream.indirect.gather [spmem:s9], $0x1, s4, s24, $0xb8;
	[tilespmem:$0x19480] =	vst v63  }
0xa7: {  	_ = 	snop  }
0xa8: {  	[tilespmem:s16], [sflag:$0x2] =	stream.indirect.gather [spmem:s11], $0x1, s4, s24, $0xb8;
	[tilespmem:$0x19480] =	vst v63  }
0xa9: {  	_ = 	snop  }
0xaa: {  	[tilespmem:s20], [sflag:$0x2] =	stream.indirect.gather [spmem:s12], $0x1, s4, s24, $0xb8;
	[tilespmem:$0x19480] =	vst v63  }
0xab: {  	_ =	swait.ge [sflag:s19], $0x1870  }
0xac: {  	[sflag:s19] =	ssyncset.done $0x0  }
0xad: {  	[sflag:s19] =	ssyncadd.s32 $0xFFFFE790  }
0xae: {  	_ =	swait.ge [sflag:s19], $0x1870  }
0xaf: {  	[sflag:s19] =	ssyncset.done $0x0  }
0xb0: {  	[sflag:s19] =	ssyncadd.s32 $0xFFFFE790  }
0xb1: {  	_ =	swait.ge [sflag:s19], $0x1870  }
0xb2: {  	[sflag:s19] =	ssyncset.done $0x0  }
0xb3: {  	[sflag:s19] =	ssyncadd.s32 $0xFFFFE790  }
0xb4: {  	_ =	swait.ge [sflag:s19], $0x1870  }
0xb5: {  	[sflag:s19] =	ssyncset.done $0x0  }
0xb6: {  	s1 =	simm.s32 @p0 $0x12600;
	s0 =	simm.s32 @p0 $0x0;
	[sflag:s19] =	ssyncadd.s32 $0xFFFFE790  }
0xb7: {  	[tilespmem:s1], [sflag:$0x1] =	stream.linear.gather @p0 [hbm4b:s30+s0], $0x1870, $0x38;
	[tilespmem:$0x19480] =	vst v63  }
0xb8: {  	s1 =	simm.s32 @p0 $0x15700  }
0xb9: {  	[tilespmem:s1], [sflag:$0x1] =	stream.linear.gather @p0 [hbm4b:s25+s0], $0x1870, $0x38;
	[tilespmem:$0x19480] =	vst v63  }
0xba: {  	_ =	swait.ge [sflag:s18], $0x1870  }
0xbb: {  	[sflag:s18] =	ssyncset.done $0x0  }
0xbc: {  	[sflag:s18] =	ssyncadd.s32 $0xFFFFE790  }
0xbd: {  	_ =	swait.ge [sflag:s18], $0x1870  }
0xbe: {  	[sflag:s18] =	ssyncset.done $0x0  }
0xbf: {  	[sflag:s18] =	ssyncadd.s32 $0xFFFFE790  }
0xc0: {  	_ =	swait.ge [sflag:s18], $0x1870  }
0xc1: {  	[sflag:s18] =	ssyncset.done $0x0  }
0xc2: {  	[sflag:s18] =	ssyncadd.s32 $0xFFFFE790  }
0xc3: {  	_ =	swait.ge [sflag:s18], $0x1870  }
0xc4: {  	[sflag:s18] =	ssyncset.done $0x0  }
0xc5: {  	[sflag:s18] =	ssyncadd.s32 $0xFFFFE790  }
0xc6: {  	[spmem:s2] =	stream.indirect.scatter.add.f32 [tilespmem:s14], [sflag:$0x3], $0x1, s17, s24, $0xb8;
	[tilespmem:$0x19480] =	vst v63  }
0xc7: {  	p2 =	por p0, p0  }
0xc8: {  	[spmem:s3] =	stream.indirect.scatter.add.f32 [tilespmem:s15], [sflag:$0x3], $0x1, s17, s24, $0xb8;
	[tilespmem:$0x19480] =	vst v63  }
.Ltmp1:
0xc9: {  	_ = 	snop;
	(pc) =	sbr.rel @p2 .LBB2_4-.Ltmp1, $4  }
0xca: {  	p1 =	por $0x1, $0x1  }
0xcb: {  	[spmem:s5] =	stream.indirect.scatter.add.f32 [tilespmem:s16], [sflag:$0x3], $0x1, s17, s24, $0xb8;
	[tilespmem:$0x19480] =	vst v63  }
0xcc: {  	s21 =	simm.s32 $0x12600;
	s0 =	simm.s32 $0x30E0;
	p0 =	por $0x0, $0x0  }
0xcd: {  	[spmem:s7] =	stream.indirect.scatter.add.f32 [tilespmem:s20], [sflag:$0x3], $0x1, s17, s24, $0xb8;
	[tilespmem:$0x19480] =	vst v63  }
0xce: {  	_ =	swait.ge [sflag:s19], $0x1870  }
0xcf: {  	[sflag:s19] =	ssyncset.done $0x0  }
0xd0: {  	[sflag:s19] =	ssyncadd.s32 $0xFFFFE790  }
0xd1: {  	_ =	swait.ge [sflag:s19], $0x1870  }
0xd2: {  	[sflag:s19] =	ssyncset.done $0x0  }
0xd3: {  	[sflag:s19] =	ssyncadd.s32 $0xFFFFE790  }
0xd4: {  	_ =	swait.ge [sflag:s19], $0x1870  }
0xd5: {  	[sflag:s19] =	ssyncset.done $0x0  }
0xd6: {  	[sflag:s19] =	ssyncadd.s32 $0xFFFFE790  }
0xd7: {  	_ =	swait.ge [sflag:s19], $0x1870  }
0xd8: {  	[sflag:s19] =	ssyncset.done $0x0  }
0xd9: {  	[sflag:s19] =	ssyncadd.s32 $0xFFFFE790  }
0xda: {  	[bflag:$0x0] =	sbarrier.arrive $0xFFFF  }
0xdb: {  	s8 =	simm.s32 $0x18800;
	s9 =	simm.s32 $0x4;
	s2 =	rddreg [dreg:$0xc]  }
0xdc: {  	[tilespmem:s8], [sflag:$0x4] =	stream.linear.gather [spmem:s2], $0xC40, $0x38;
	[tilespmem:$0x19480] =	vst v63  }
0xdd: {  	_ =	swait.ge [sflag:s9], $0xC40  }
0xde: {  	[sflag:s9] =	ssyncset.done $0x0  }
0xdf: {  	s1 =	simm.s32 $0x0;
	s0 =	rddreg [dreg:$0x1d];
	[sflag:s9] =	ssyncadd.s32 $0xFFFFF3C0  }
0xe0: {  	[hbm4b:s0+s1] =	stream.linear.scatter [tilespmem:s8], [sflag:$0x4], $0xC40, $0x38;
	[tilespmem:$0x19480] =	vst v63  }
0xe1: {  	_ =	swait.ge [sflag:s9], $0xC40  }
0xe2: {  	[sflag:s9] =	ssyncset.done $0x0  }
0xe3: {  	s3 =	rddreg [dreg:$0xd];
	[sflag:s9] =	ssyncadd.s32 $0xFFFFF3C0  }
0xe4: {  	[tilespmem:s8], [sflag:$0x4] =	stream.linear.gather [spmem:s3], $0xC40, $0x38;
	[tilespmem:$0x19480] =	vst v63  }
0xe5: {  	_ =	swait.ge [sflag:s9], $0xC40  }
0xe6: {  	[sflag:s9] =	ssyncset.done $0x0  }
0xe7: {  	s12 =	rddreg [dreg:$0x1e];
	[sflag:s9] =	ssyncadd.s32 $0xFFFFF3C0  }
0xe8: {  	[hbm4b:s12+s1] =	stream.linear.scatter [tilespmem:s8], [sflag:$0x4], $0xC40, $0x38;
	[tilespmem:$0x19480] =	vst v63  }
0xe9: {  	_ =	swait.ge [sflag:s9], $0xC40  }
0xea: {  	[sflag:s9] =	ssyncset.done $0x0  }
0xeb: {  	s5 =	rddreg [dreg:$0xe];
	[sflag:s9] =	ssyncadd.s32 $0xFFFFF3C0  }
0xec: {  	[tilespmem:s8], [sflag:$0x4] =	stream.linear.gather [spmem:s5], $0xC40, $0x38;
	[tilespmem:$0x19480] =	vst v63  }
0xed: {  	_ =	swait.ge [sflag:s9], $0xC40  }
0xee: {  	[sflag:s9] =	ssyncset.done $0x0  }
0xef: {  	s25 =	rddreg [dreg:$0x1f];
	[sflag:s9] =	ssyncadd.s32 $0xFFFFF3C0  }
0xf0: {  	[hbm4b:s25+s1] =	stream.linear.scatter [tilespmem:s8], [sflag:$0x4], $0xC40, $0x38;
	[tilespmem:$0x19480] =	vst v63  }
0xf1: {  	_ =	swait.ge [sflag:s9], $0xC40  }
0xf2: {  	[sflag:s9] =	ssyncset.done $0x0  }
0xf3: {  	s7 =	rddreg [dreg:$0xf];
	[sflag:s9] =	ssyncadd.s32 $0xFFFFF3C0  }
0xf4: {  	[tilespmem:s8], [sflag:$0x4] =	stream.linear.gather [spmem:s7], $0xC40, $0x38;
	[tilespmem:$0x19480] =	vst v63  }
0xf5: {  	_ =	swait.ge [sflag:s9], $0xC40  }
0xf6: {  	s28 =	sld [smem:$0x7FC]  }
0xf7: {  	[sflag:s9] =	ssyncset.done $0x0  }
0xf8: {  	[sflag:s9] =	ssyncadd.s32 $0xFFFFF3C0  }
0xf9: {  	[hbm4b:s28+s1] =	stream.linear.scatter [tilespmem:s8], [sflag:$0x4], $0xC40, $0x38;
	[tilespmem:$0x19480] =	vst v63  }
0xfa: {  	_ =	swait.ge [sflag:s9], $0xC40  }
0xfb: {  	s29 =	sld [smem:$0x7FB]  }
0xfc: {  	s30 =	sld [smem:$0x7FD];
	_ =	sdelay $0x1  }
0xfd: {  	s1 =	sadd.s32 $0x1, s29  }
0xfe: {  	p0 =	sne.s32 s1, s30  }
.Ltmp2:
0xff: {  	_ = 	snop;
	(pc) =	sbr.rel @p0 .LBB2_1-.Ltmp2, $3  }
0x100: {  	_ =	sdelay $0x1  }
0x101: {  	[sflag:s9] =	ssyncset.done $0x0  }
0x102: {  	[sflag:s9] =	ssyncadd.s32 $0xFFFFF3C0  }
0x103: {  	_ =	sfence.sel $0x180000  }
0x104: {  	[bflag:$0x0] =	sbarrier.arrive $0xFFFF  }
0x105: {  	_ =	strace $0x9000004A  }
0x106: {  	s0 =	stileid.u32;
	[bflag:$0x2] =	sbarrier.arrive $0xFFFF  }
0x107: {  	p0 =	sne.s32 s0, $0x0;
	s0 =	rddreg [dreg:$0x9]  }
0x108: {  	s0 =	sadd.s32 @!p0 $0x100000, s0  }
0x109: {  	[sflag:s0] =	ssyncadd.tile.s32 @!p0 $0x1;
	_ =	shalt  }
.Lfunc_end2:
_tile_overlayer_lowered:
.L_overlay_start_2:
0x10a: {  	(tag) =	ssettag $0x2  }
0x10b: {  	s0 =	rddreg [dreg:$0x0];
	s2 =	stileid.u32  }
0x10c: {  	s1 =	rddreg [dreg:$0x1];
	p0 =	sne.s32 s2, $0x0  }
0x10d: {  	s3 =	rddreg [dreg:$0x2];
	[bflag:$0x3] =	sbarrier.arrive $0xFFFF;
	s2 =	simm.s32 @!p0 $0x1C04  }
0x10e: {  	[timem:s3], [sflag:s2] =	dma.local @!p0 [hbm:s0], s1  }
0x10f: {  	s0 =	simm.s32 @!p0 $0x4  }
0x110: {  	_ =	swait.ge @!p0 [sflag:s0], s1  }
0x111: {  	s1 =	ssub.s32 @!p0 $0x0, s1;
	[sflag:s0] =	ssyncset.done @!p0 $0x0  }
0x112: {  	[sflag:s0] =	ssyncadd.s32 @!p0 s1  }
0x113: {  	[bflag:$0x3] =	sbarrier.arrive $0xFFFF  }
0x114: {  	_ =	shalt  }

</sc_bundles>
